<compile_context>
chip_gen: v7x
topology: tpu7x:2x2x1
jax: 0.10.2.dev20260603
libtpu: 0.0.44.dev20260713+nightly
codegen_flags: <defaults>
</compile_context>

<pallas_src>
import functools

import jax
import jax.numpy as jnp
from jax import lax
from jax.experimental import pallas as pl
from jax.experimental.pallas import tpu as pltpu
from jax.experimental.pallas import tpu_sc as plsc

Q = 1024
D = 256
K = 100000
TOPK = 32
BUCKET = 128
KT = 2048
NB = 784
KPAD = NB * BUCKET
NKT = KPAD // KT
BPT = KT // BUCKET


def _scores_body(query_ref, wq_ref, bq_ref, keys_ref, imp_ref, s_ref, m_ref):
    k_idx = pl.program_id(0)
    qp = jax.lax.dot_general(
        query_ref[...], wq_ref[...], (((1,), (1,)), ((), ())),
        preferred_element_type=jnp.float32) + bq_ref[...]
    qn = jnp.sqrt(jnp.sum(qp * qp, axis=1, keepdims=True))
    rqn = 1.0 / jnp.maximum(qn, 1e-8)
    keys = keys_ref[...]
    num = jax.lax.dot_general(
        qp, keys, (((1,), (1,)), ((), ())),
        preferred_element_type=jnp.float32)
    kn2 = jax.lax.dot_general(
        jnp.ones((1, D), jnp.float32), keys * keys, (((1,), (1,)), ((), ())),
        preferred_element_type=jnp.float32,
        precision=jax.lax.Precision.HIGHEST)
    kn = jnp.sqrt(kn2)
    c = imp_ref[...] / jnp.maximum(kn, 1e-8)
    s = num * rqn * c
    jglob = k_idx * KT + jax.lax.broadcasted_iota(jnp.int32, (1, KT), 1)
    s = jnp.where(jglob < K, s, 0.0)
    cols = []
    for b in range(BPT):
        blk = s[:, b * BUCKET:(b + 1) * BUCKET]
        s_ref[pl.ds(b * Q, Q), :] = blk
        cols.append(jnp.max(blk, axis=1, keepdims=True))
    m_ref[0] = jnp.concatenate(cols, axis=1)


def _scores_call(query, wq, bq2, keys, imp_pad):
    return pl.pallas_call(
        _scores_body,
        grid=(NKT,),
        in_specs=[
            pl.BlockSpec((Q, D), lambda k: (0, 0)),
            pl.BlockSpec((D, D), lambda k: (0, 0)),
            pl.BlockSpec((1, D), lambda k: (0, 0)),
            pl.BlockSpec((KT, D), lambda k: (k, 0)),
            pl.BlockSpec((1, KT), lambda k: (0, k)),
        ],
        out_specs=[
            pl.BlockSpec((BPT * Q, BUCKET), lambda k: (k, 0)),
            pl.BlockSpec((1, Q, BPT), lambda k: (k, 0, 0)),
        ],
        out_shape=[
            jax.ShapeDtypeStruct((NB * Q, BUCKET), jnp.float32),
            jax.ShapeDtypeStruct((NKT, Q, BPT), jnp.float32),
        ],
    )(query, wq, bq2, keys, imp_pad)


QB = 256
NEG = -3e38


def _buckets_body(m_ref, bids_ref, tau_ref):
    m = m_ref[...]
    iota = lax.broadcasted_iota(jnp.int32, (QB, NB), 1)
    v = None
    for t in range(TOPK):
        v = jnp.max(m, axis=1, keepdims=True)
        sel = m == v
        bid = jnp.min(jnp.where(sel, iota, jnp.int32(1 << 30)),
                      axis=1, keepdims=True)
        bids_ref[:, t:t + 1] = bid
        m = jnp.where(iota == bid, NEG, m)
    tau_ref[...] = jnp.broadcast_to(v, (QB, 16))


def _buckets_call(m2):
    return pl.pallas_call(
        _buckets_body,
        grid=(Q // QB,),
        in_specs=[pl.BlockSpec((QB, NB), lambda i: (i, 0))],
        out_specs=[
            pl.BlockSpec((QB, TOPK), lambda i: (i, 0)),
            pl.BlockSpec((QB, 16), lambda i: (i, 0)),
        ],
        out_shape=[
            jax.ShapeDtypeStruct((Q, TOPK), jnp.int32),
            jax.ShapeDtypeStruct((Q, 16), jnp.float32),
        ],
    )(m2)


NW = 32
QPW = Q // NW
QBATCH = 8
NBATCH = QPW // QBATCH
CAP = TOPK * BUCKET + 32


def _sc_retrieve(scores2, bids, tau_rep, values):
    mesh = plsc.VectorSubcoreMesh(core_axis_name="c", subcore_axis_name="s")

    @functools.partial(
        pl.kernel, mesh=mesh,
        compiler_params=pltpu.CompilerParams(needs_layout_passes=False),
        out_type=jax.ShapeDtypeStruct((Q, D), jnp.float32),
        scratch_types=[
            pltpu.VMEM((QBATCH, TOPK), jnp.int32),
            pltpu.VMEM((QBATCH, 16), jnp.float32),
            pltpu.VMEM((2, 128), jnp.int32),
            pltpu.VMEM((QBATCH * TOPK, BUCKET), jnp.float32),
            pltpu.VMEM((CAP,), jnp.float32),
            pltpu.VMEM((CAP,), jnp.int32),
            pltpu.VMEM((QBATCH, TOPK), jnp.float32),
            pltpu.VMEM((2, 128), jnp.int32),
            pltpu.VMEM((QBATCH * TOPK, D), jnp.float32),
            pltpu.VMEM((QBATCH, D), jnp.float32),
            pltpu.SemaphoreType.DMA,
            pltpu.SemaphoreType.DMA,
        ],
    )
    def body(scores_hbm, bids_hbm, tau_hbm, values_hbm, out_hbm,
             bids_v, tau_v, gidx_v, sbuf, cand_v, cand_i,
             w_all, vidx_v, vals_v, out_v, sem0, sem1):
        wid = lax.axis_index("s") * 2 + lax.axis_index("c")
        q0w = wid * QPW
        lanes = lax.iota(jnp.int32, 16)

        def prep(b):
            q0 = q0w + b * QBATCH
            pltpu.sync_copy(bids_hbm.at[pl.ds(q0, QBATCH)], bids_v)
            pltpu.sync_copy(tau_hbm.at[pl.ds(q0, QBATCH)], tau_v)

            def gidx_body(i, _):
                for h in range(2):
                    bidc = bids_v[i, pl.ds(h * 16, 16)]
                    g = bidc * Q + (q0 + i)
                    p = i * TOPK + h * 16
                    gidx_v[p >> 7, pl.ds(p & 127, 16)] = g
                return 0
            lax.fori_loop(0, QBATCH, gidx_body, 0)

            pltpu.async_copy(
                scores_hbm.at[gidx_v.at[0]], sbuf.at[pl.ds(0, 128)], sem0)
            pltpu.async_copy(
                scores_hbm.at[gidx_v.at[1]], sbuf.at[pl.ds(128, 128)], sem0)

        prep(jnp.int32(0))

        def batch_body(b, _):
            q0 = q0w + b * QBATCH
            pltpu.make_async_copy(
                scores_hbm.at[gidx_v.at[0]], sbuf.at[pl.ds(0, 128)],
                sem0).wait()
            pltpu.make_async_copy(
                scores_hbm.at[gidx_v.at[1]], sbuf.at[pl.ds(128, 128)],
                sem0).wait()

            def query_body(i, _):
                tau_s = tau_v[i, pl.ds(0, 16)][0]

                def row_body(row, cnt):
                    base = row * BUCKET
                    vs, ms, ps = [], [], []
                    for sub in range(8):
                        v = sbuf[i * TOPK + row, pl.ds(sub * 16, 16)]
                        m = v >= tau_s
                        vs.append(v)
                        ms.append(m)
                        ps.append(plsc.all_reduce_population_count(m)[0])
                    offs = []
                    o = cnt
                    for sub in range(8):
                        offs.append(o)
                        o = o + ps[sub]
                    for sub in range(8):
                        plsc.store_compressed(
                            cand_v.at[pl.ds(offs[sub], 16)], vs[sub],
                            mask=ms[sub])
                        plsc.store_compressed(
                            cand_i.at[pl.ds(offs[sub], 16)],
                            base + sub * 16 + lanes, mask=ms[sub])
                    return o
                cnt = lax.fori_loop(0, TOPK, row_body, jnp.int32(0))
                negv = jnp.full((16,), NEG)
                cand_v[pl.ds(cnt, 16)] = negv
                cand_v[pl.ds(cnt + 16, 16)] = negv

                nch = (cnt + 15) >> 4

                def vrev(x):
                    return lax.rev(x, (0,))

                def sel_body(ch, carry):
                    r0k, r0v, r1k, r1v = carry
                    sk = cand_v[pl.ds(ch * 16, 16)]
                    sv = cand_i[pl.ds(ch * 16, 16)]
                    sk, sv = plsc.sort_key_val(sk, sv, descending=True)
                    rsk, rsv = vrev(sk), vrev(sv)
                    take = r1k >= rsk
                    t1k = jnp.where(take, r1k, rsk)
                    t1v = jnp.where(take, r1v, rsv)
                    take2 = r0k >= t1k
                    u0k = jnp.where(take2, r0k, t1k)
                    u0v = jnp.where(take2, r0v, t1v)
                    u1k = jnp.where(take2, t1k, r0k)
                    u1v = jnp.where(take2, t1v, r0v)
                    u0k, u0v = plsc.sort_key_val(u0k, u0v, descending=True)
                    u1k, u1v = plsc.sort_key_val(u1k, u1v, descending=True)
                    return u0k, u0v, u1k, u1v
                tvA, tiA, tvB, tiB = lax.fori_loop(
                    0, nch, sel_body,
                    (negv, jnp.zeros((16,), jnp.int32),
                     negv, jnp.zeros((16,), jnp.int32)))

                mx = jnp.max(tvA)
                e0 = jnp.exp(tvA - mx)
                e1 = jnp.exp(tvB - mx)
                tot = jnp.sum(e0 + e1)
                w_all[i, pl.ds(0, 16)] = e0 / tot
                w_all[i, pl.ds(16, 16)] = e1 / tot
                iv = jnp.full((16,), i)
                g0 = plsc.load_gather(
                    bids_v, [iv, tiA >> 7]) * BUCKET + (tiA & 127)
                g1 = plsc.load_gather(
                    bids_v, [iv, tiB >> 7]) * BUCKET + (tiB & 127)
                p = i * TOPK
                vidx_v[p >> 7, pl.ds(p & 127, 16)] = g0
                p = i * TOPK + 16
                vidx_v[p >> 7, pl.ds(p & 127, 16)] = g1
                return 0
            lax.fori_loop(0, QBATCH, query_body, 0)

            pltpu.async_copy(
                values_hbm.at[vidx_v.at[0]], vals_v.at[pl.ds(0, 128)], sem1)
            pltpu.async_copy(
                values_hbm.at[vidx_v.at[1]], vals_v.at[pl.ds(128, 128)], sem1)

            @pl.when(b < NBATCH - 1)
            def _():
                prep(b + 1)

            pltpu.make_async_copy(
                values_hbm.at[vidx_v.at[0]], vals_v.at[pl.ds(0, 128)],
                sem1).wait()
            pltpu.make_async_copy(
                values_hbm.at[vidx_v.at[1]], vals_v.at[pl.ds(128, 128)],
                sem1).wait()

            def wsum_body(i, _):
                def acc_body(j, acc):
                    wvec = w_all[i, pl.ds((j >> 4) * 16, 16)]
                    ws = jnp.sum(jnp.where(lanes == (j & 15), wvec, 0.0))
                    row = i * TOPK + j
                    return tuple(
                        acc[c] + ws * vals_v[row, pl.ds(c * 16, 16)]
                        for c in range(D // 16))
                acc = lax.fori_loop(
                    0, TOPK, acc_body,
                    tuple(jnp.zeros((16,), jnp.float32)
                          for _ in range(D // 16)),
                    unroll=4)
                for c in range(D // 16):
                    out_v[i, pl.ds(c * 16, 16)] = acc[c]
                return 0
            lax.fori_loop(0, QBATCH, wsum_body, 0)

            pltpu.sync_copy(out_v, out_hbm.at[pl.ds(q0, QBATCH)])
            return 0

        lax.fori_loop(0, NBATCH, batch_body, 0)

    return body(scores2, bids, tau_rep, values)


def kernel(query, mem_keys, mem_values, importance, Wq, bq, top_k):
    query = query.astype(jnp.float32)
    mem_keys = mem_keys.astype(jnp.float32)
    bq2 = bq.reshape(1, D).astype(jnp.float32)

    imp_pad = jnp.pad(importance.astype(jnp.float32), (0, KPAD - K)).reshape(1, KPAD)

    scores2, m3 = _scores_call(query, Wq.astype(jnp.float32), bq2,
                               mem_keys, imp_pad)

    m2 = m3.transpose(1, 0, 2).reshape(Q, NB)
    bids, tau_rep = _buckets_call(m2)

    return _sc_retrieve(scores2, bids, tau_rep,
                        mem_values.astype(jnp.float32))

# --- scband reference (transcript-rebuilt; emitter-appended) ---
"""Pipeline reference for scband-working-memory-68066641707188 (READ-ONLY COPY).

The authoritative reference and input builder live on the scoring server;
editing this copy changes nothing except your own understanding.
"""

import jax, jax.numpy as jnp
import numpy as np

Q = 1024
D = 256
K = 100000
TOPK = 32

def setup_inputs(seed: int = 0) -> dict:
    key = jax.random.key(seed)
    ks = jax.random.split(key, 6)
    query = jax.random.normal(ks[0], (Q, D), dtype=jnp.float32)
    mem_keys = jax.random.normal(ks[1], (K, D), dtype=jnp.float32)
    mem_values = jax.random.normal(ks[2], (K, D), dtype=jnp.float32)
    importance = jax.random.uniform(ks[3], (K,), dtype=jnp.float32)
    Wq = jax.random.normal(ks[4], (D, D), dtype=jnp.float32) * (1.0 / np.sqrt(D))
    bq = jnp.zeros((D,), dtype=jnp.float32)
    return {"query": query, "mem_keys": mem_keys, "mem_values": mem_values,
            "importance": importance, "Wq": Wq, "bq": bq, "top_k": TOPK}

def reference(query, mem_keys, mem_values, importance, Wq, bq, top_k):
    # q = query_proj(query)
    q = query @ Wq.T + bq
    # cosine similarity between each projected query and every stored key
    # (torch F.cosine_similarity semantics: dot / max(||a||*||b||, 1e-8))
    q_norm = jnp.linalg.norm(q, axis=-1)
    k_norm = jnp.linalg.norm(mem_keys, axis=-1)
    num = q @ mem_keys.T  # [Q, K]
    denom = jnp.maximum(q_norm[:, None] * k_norm[None, :], 1e-8)
    sim = num / denom
    # score = sim * importance
    scores = sim * importance[None, :]
    scores = scores + (top_k - top_k)
    # sort descending, take top_k entries (per query)
    top_vals, top_idx = jax.lax.top_k(scores, TOPK)  # [Q, top_k]
    # softmax over the top-k scores
    weights = jax.nn.softmax(top_vals, axis=-1)  # [Q, top_k]
    # gather values and compute weighted sum
    vals = jnp.take(mem_values, top_idx, axis=0)  # [Q, top_k, D]
    retrieved = jnp.sum(vals * weights[..., None], axis=1)  # [Q, D]
    return retrieved

if __name__ == "__main__":
    import jax
    _d = setup_inputs()
    print(jax.jit(kernel)(*tuple(_d.values())))

</pallas_src>

<mosaic_0001>
#map = affine_map<(d0, d1) -> (0, 0)>
module attributes {stable_mosaic.version = 14 : i64} {
  func.func @body(%arg0: i32, %arg1: i32, %arg2: memref<802816x128xf32, #tpu.memory_space<hbm>>, %arg3: memref<1024x32xi32, #tpu.memory_space<hbm>>, %arg4: memref<1024x16xf32, #tpu.memory_space<hbm>>, %arg5: memref<100000x256xf32, #tpu.memory_space<hbm>>, %arg6: memref<1024x256xf32, #tpu.memory_space<hbm>>, %arg7: memref<8x32xi32, #tpu.memory_space<vmem>>, %arg8: memref<8x16xf32, #tpu.memory_space<vmem>>, %arg9: memref<2x128xi32, #tpu.memory_space<vmem>>, %arg10: memref<256x128xf32, #tpu.memory_space<vmem>>, %arg11: memref<4128xf32, #tpu.memory_space<vmem>>, %arg12: memref<4128xi32, #tpu.memory_space<vmem>>, %arg13: memref<8x32xf32, #tpu.memory_space<vmem>>, %arg14: memref<2x128xi32, #tpu.memory_space<vmem>>, %arg15: memref<256x256xf32, #tpu.memory_space<vmem>>, %arg16: memref<8x256xf32, #tpu.memory_space<vmem>>, %arg17: memref<!tpu.dma_semaphore, #tpu.memory_space<semaphore_mem>>, %arg18: memref<!tpu.dma_semaphore, #tpu.memory_space<semaphore_mem>>) attributes {dimension_semantics = [#tpu.dimension_semantics<core_parallel>, #tpu.dimension_semantics<subcore_parallel>], iteration_bounds = array<i64: 2, 16>, scalar_prefetch = 0 : i64, scratch_operands = 12 : i64, tpu.core_type = #tpu.core_type<sc_vector_subcore>, window_params = [{transform_indices = #map}, {transform_indices = #map}, {transform_indices = #map}, {transform_indices = #map}, {transform_indices = #map}]} {
    %mul3A = arith.constant 2 : i32
    %mul3A_0 = arith.muli %arg1, %mul3A : i32
    %add3A = arith.addi %mul3A_0, %arg0 : i32
    %mul3A_1 = arith.constant 32 : i32
    %mul3A_2 = arith.muli %add3A, %mul3A_1 : i32
    %iota3A = tpu.iota {dimensions = array<i32: 0>} : vector<16xi32>
    %mul3A_3 = arith.constant 0 : i32
    %mul3A_4 = arith.constant 8 : i32
    %mul3A_5 = arith.muli %mul3A_3, %mul3A_4 : i32
    %add3A_6 = arith.addi %mul3A_2, %mul3A_5 : i32
    "tpu.region"() ({
      %run_scoped3A = tpu.sem_alloc : memref<!tpu.dma_semaphore, #tpu.memory_space<semaphore_mem>>
      %dma_start3A_39 = arith.constant 0 : i32
      %dma_start3A_40 = tpu.memref_slice %arg3[%add3A_6, %dma_start3A_39] : memref<1024x32xi32, #tpu.memory_space<hbm>> -> memref<8x32xi32, #tpu.memory_space<hbm>>
      %dma_start3A_41 = arith.constant 0 : i32
      %dma_start3A_42 = tpu.memref_slice %arg3[%add3A_6, %dma_start3A_41] : memref<1024x32xi32, #tpu.memory_space<hbm>> -> memref<8x32xi32, #tpu.memory_space<hbm>>
      tpu.enqueue_dma source(%dma_start3A_42 : memref<8x32xi32, #tpu.memory_space<hbm>>) target(%arg7 : memref<8x32xi32, #tpu.memory_space<vmem>>) target_semaphore(%run_scoped3A : memref<!tpu.dma_semaphore, #tpu.memory_space<semaphore_mem>>)
      %dma_wait3A = arith.constant 0 : i32
      %dma_wait3A_43 = tpu.memref_slice %arg3[%add3A_6, %dma_wait3A] : memref<1024x32xi32, #tpu.memory_space<hbm>> -> memref<8x32xi32, #tpu.memory_space<hbm>>
      %dma_wait3A_44 = arith.constant 0 : i32
      %dma_wait3A_45 = tpu.memref_slice %arg3[%add3A_6, %dma_wait3A_44] : memref<1024x32xi32, #tpu.memory_space<hbm>> -> memref<8x32xi32, #tpu.memory_space<hbm>>
      tpu.wait_dma2 semaphore(%run_scoped3A : memref<!tpu.dma_semaphore, #tpu.memory_space<semaphore_mem>>) src(%dma_wait3A_45 : memref<8x32xi32, #tpu.memory_space<hbm>>) dst(%arg7 : memref<8x32xi32, #tpu.memory_space<vmem>>)
      tpu.yield
    }) : () -> ()
    "tpu.region"() ({
      %run_scoped3A = tpu.sem_alloc : memref<!tpu.dma_semaphore, #tpu.memory_space<semaphore_mem>>
      %dma_start3A_39 = arith.constant 0 : i32
      %dma_start3A_40 = tpu.memref_slice %arg4[%add3A_6, %dma_start3A_39] : memref<1024x16xf32, #tpu.memory_space<hbm>> -> memref<8x16xf32, #tpu.memory_space<hbm>>
      %dma_start3A_41 = arith.constant 0 : i32
      %dma_start3A_42 = tpu.memref_slice %arg4[%add3A_6, %dma_start3A_41] : memref<1024x16xf32, #tpu.memory_space<hbm>> -> memref<8x16xf32, #tpu.memory_space<hbm>>
      tpu.enqueue_dma source(%dma_start3A_42 : memref<8x16xf32, #tpu.memory_space<hbm>>) target(%arg8 : memref<8x16xf32, #tpu.memory_space<vmem>>) target_semaphore(%run_scoped3A : memref<!tpu.dma_semaphore, #tpu.memory_space<semaphore_mem>>)
      %dma_wait3A = arith.constant 0 : i32
      %dma_wait3A_43 = tpu.memref_slice %arg4[%add3A_6, %dma_wait3A] : memref<1024x16xf32, #tpu.memory_space<hbm>> -> memref<8x16xf32, #tpu.memory_space<hbm>>
      %dma_wait3A_44 = arith.constant 0 : i32
      %dma_wait3A_45 = tpu.memref_slice %arg4[%add3A_6, %dma_wait3A_44] : memref<1024x16xf32, #tpu.memory_space<hbm>> -> memref<8x16xf32, #tpu.memory_space<hbm>>
      tpu.wait_dma2 semaphore(%run_scoped3A : memref<!tpu.dma_semaphore, #tpu.memory_space<semaphore_mem>>) src(%dma_wait3A_45 : memref<8x16xf32, #tpu.memory_space<hbm>>) dst(%arg8 : memref<8x16xf32, #tpu.memory_space<vmem>>)
      tpu.yield
    }) : () -> ()
    %scan3A = arith.constant 0 : i32
    %scan3A_7 = arith.constant 0 : i32
    %scan3A_8 = arith.constant 8 : i32
    %scan3A_9 = arith.addi %scan3A_7, %scan3A_8 : i32
    %scan3A_10 = arith.constant 1 : i32
    %scan3A_11 = scf.for %scan3A_39 = %scan3A_7 to %scan3A_9 step %scan3A_10 iter_args(%scan3A_40 = %scan3A) -> (i32)  : i32 {
      %get3A = arith.index_cast %scan3A_39 : i32 to index
      %get3A_41 = arith.constant 0 : index
      %get3A_42 = tpu.vector_load %arg7[%get3A, %get3A_41] {strides = array<i32>} : memref<8x32xi32, #tpu.memory_space<vmem>>, vector<16xi32>,
      %mul3A_43 = arith.constant 1024 : i32
      %mul3A_44 = vector.broadcast %mul3A_43 : i32 to vector<16xi32>
      %mul3A_45 = arith.muli %get3A_42, %mul3A_44 : vector<16xi32>
      %add3A_46 = arith.addi %add3A_6, %scan3A_39 : i32
      %add3A_47 = vector.broadcast %add3A_46 : i32 to vector<16xi32>
      %add3A_48 = arith.addi %mul3A_45, %add3A_47 : vector<16xi32>
      %mul3A_49 = arith.constant 32 : i32
      %mul3A_50 = arith.muli %scan3A_39, %mul3A_49 : i32
      %add3A_51 = arith.constant 0 : i32
      %add3A_52 = arith.addi %mul3A_50, %add3A_51 : i32
      %shift_right_arithmetic3A = arith.constant 7 : i32
      %shift_right_arithmetic3A_53 = arith.shrsi %add3A_52, %shift_right_arithmetic3A : i32
      %and3A = arith.constant 127 : i32
      %and3A_54 = arith.andi %add3A_52, %and3A : i32
      %swap3A = arith.index_cast %shift_right_arithmetic3A_53 : i32 to index
      %swap3A_55 = arith.index_cast %and3A_54 : i32 to index
      %swap3A_56 = tpu.vector_load %arg9[%swap3A, %swap3A_55] {strides = array<i32>} : memref<2x128xi32, #tpu.memory_space<vmem>>, vector<16xi32>,
      tpu.vector_store %arg9[%swap3A, %swap3A_55], %add3A_48 {strides = array<i32>} : memref<2x128xi32, #tpu.memory_space<vmem>>, vector<16xi32>,
      %get3A_57 = arith.index_cast %scan3A_39 : i32 to index
      %get3A_58 = arith.constant 16 : index
      %get3A_59 = tpu.vector_load %arg7[%get3A_57, %get3A_58] {strides = array<i32>} : memref<8x32xi32, #tpu.memory_space<vmem>>, vector<16xi32>,
      %mul3A_60 = arith.constant 1024 : i32
      %mul3A_61 = vector.broadcast %mul3A_60 : i32 to vector<16xi32>
      %mul3A_62 = arith.muli %get3A_59, %mul3A_61 : vector<16xi32>
      %add3A_63 = arith.addi %add3A_6, %scan3A_39 : i32
      %add3A_64 = vector.broadcast %add3A_63 : i32 to vector<16xi32>
      %add3A_65 = arith.addi %mul3A_62, %add3A_64 : vector<16xi32>
      %mul3A_66 = arith.constant 32 : i32
      %mul3A_67 = arith.muli %scan3A_39, %mul3A_66 : i32
      %add3A_68 = arith.constant 16 : i32
      %add3A_69 = arith.addi %mul3A_67, %add3A_68 : i32
      %shift_right_arithmetic3A_70 = arith.constant 7 : i32
      %shift_right_arithmetic3A_71 = arith.shrsi %add3A_69, %shift_right_arithmetic3A_70 : i32
      %and3A_72 = arith.constant 127 : i32
      %and3A_73 = arith.andi %add3A_69, %and3A_72 : i32
      %swap3A_74 = arith.index_cast %shift_right_arithmetic3A_71 : i32 to index
      %swap3A_75 = arith.index_cast %and3A_73 : i32 to index
      %swap3A_76 = tpu.vector_load %arg9[%swap3A_74, %swap3A_75] {strides = array<i32>} : memref<2x128xi32, #tpu.memory_space<vmem>>, vector<16xi32>,
      tpu.vector_store %arg9[%swap3A_74, %swap3A_75], %add3A_65 {strides = array<i32>} : memref<2x128xi32, #tpu.memory_space<vmem>>, vector<16xi32>,
      %scan3A_77 = arith.constant 0 : i32
      scf.yield %scan3A_77 : i32
    }
    %scan3A_12 = arith.constant 8 : i32
    %dma_start3A = arith.constant 0 : i32
    %dma_start3A_13 = arith.constant 0 : i32
    %dma_start3A_14 = arith.constant 0 : i32
    %dma_start3A_15 = tpu.memref_slice %arg10[%dma_start3A_13, %dma_start3A_14] : memref<256x128xf32, #tpu.memory_space<vmem>> -> memref<128x128xf32, #tpu.memory_space<vmem>>
    %dma_start3A_16 = arith.constant 0 : i32
    %dma_start3A_17 = tpu.memref_slice %arg9[%dma_start3A, %dma_start3A_16] : memref<2x128xi32, #tpu.memory_space<vmem>> -> memref<1x128xi32, #tpu.memory_space<vmem>>
    %dma_start3A_18 = tpu.memref_squeeze %dma_start3A_17 : memref<1x128xi32, #tpu.memory_space<vmem>> -> memref<128xi32, #tpu.memory_space<vmem>>
    %dma_start3A_19 = arith.constant 0 : i32
    %dma_start3A_20 = arith.constant 0 : i32
    %dma_start3A_21 = tpu.memref_slice %arg2[%dma_start3A_19, %dma_start3A_20] : memref<802816x128xf32, #tpu.memory_space<hbm>> -> memref<802816x128xf32, #tpu.memory_space<hbm>>
    tpu.enqueue_indirect_dma source(%dma_start3A_21 : memref<802816x128xf32, #tpu.memory_space<hbm>>) target(%dma_start3A_15 : memref<128x128xf32, #tpu.memory_space<vmem>>) offsets(%dma_start3A_18 : memref<128xi32, #tpu.memory_space<vmem>>) semaphore(%arg17 : memref<!tpu.dma_semaphore, #tpu.memory_space<semaphore_mem>>)
    %dma_start3A_22 = arith.constant 1 : i32
    %dma_start3A_23 = arith.constant 128 : i32
    %dma_start3A_24 = arith.constant 0 : i32
    %dma_start3A_25 = tpu.memref_slice %arg10[%dma_start3A_23, %dma_start3A_24] : memref<256x128xf32, #tpu.memory_space<vmem>> -> memref<128x128xf32, #tpu.memory_space<vmem>>
    %dma_start3A_26 = arith.constant 0 : i32
    %dma_start3A_27 = tpu.memref_slice %arg9[%dma_start3A_22, %dma_start3A_26] : memref<2x128xi32, #tpu.memory_space<vmem>> -> memref<1x128xi32, #tpu.memory_space<vmem>>
    %dma_start3A_28 = tpu.memref_squeeze %dma_start3A_27 : memref<1x128xi32, #tpu.memory_space<vmem>> -> memref<128xi32, #tpu.memory_space<vmem>>
    %dma_start3A_29 = arith.constant 0 : i32
    %dma_start3A_30 = arith.constant 0 : i32
    %dma_start3A_31 = tpu.memref_slice %arg2[%dma_start3A_29, %dma_start3A_30] : memref<802816x128xf32, #tpu.memory_space<hbm>> -> memref<802816x128xf32, #tpu.memory_space<hbm>>
    tpu.enqueue_indirect_dma source(%dma_start3A_31 : memref<802816x128xf32, #tpu.memory_space<hbm>>) target(%dma_start3A_25 : memref<128x128xf32, #tpu.memory_space<vmem>>) offsets(%dma_start3A_28 : memref<128xi32, #tpu.memory_space<vmem>>) semaphore(%arg17 : memref<!tpu.dma_semaphore, #tpu.memory_space<semaphore_mem>>)
    %scan3A_32 = arith.constant 0 : i32
    %scan3A_33 = arith.constant 0 : i32
    %scan3A_34 = arith.constant 4 : i32
    %scan3A_35 = arith.addi %scan3A_33, %scan3A_34 : i32
    %scan3A_36 = arith.constant 1 : i32
    %scan3A_37 = scf.for %scan3A_39 = %scan3A_33 to %scan3A_35 step %scan3A_36 iter_args(%scan3A_40 = %scan3A_32) -> (i32)  : i32 {
      %mul3A_41 = arith.constant 8 : i32
      %mul3A_42 = arith.muli %scan3A_39, %mul3A_41 : i32
      %add3A_43 = arith.addi %mul3A_2, %mul3A_42 : i32
      %dma_wait3A = arith.constant 0 : i32
      %dma_wait3A_44 = arith.constant 0 : i32
      %dma_wait3A_45 = arith.constant 0 : i32
      %dma_wait3A_46 = tpu.memref_slice %arg10[%dma_wait3A_44, %dma_wait3A_45] : memref<256x128xf32, #tpu.memory_space<vmem>> -> memref<128x128xf32, #tpu.memory_space<vmem>>
      %dma_wait3A_47 = arith.constant 0 : i32
      %dma_wait3A_48 = tpu.memref_slice %arg9[%dma_wait3A, %dma_wait3A_47] : memref<2x128xi32, #tpu.memory_space<vmem>> -> memref<1x128xi32, #tpu.memory_space<vmem>>
      %dma_wait3A_49 = tpu.memref_squeeze %dma_wait3A_48 : memref<1x128xi32, #tpu.memory_space<vmem>> -> memref<128xi32, #tpu.memory_space<vmem>>
      %dma_wait3A_50 = arith.constant 0 : i32
      %dma_wait3A_51 = arith.constant 0 : i32
      %dma_wait3A_52 = tpu.memref_slice %arg2[%dma_wait3A_50, %dma_wait3A_51] : memref<802816x128xf32, #tpu.memory_space<hbm>> -> memref<802816x128xf32, #tpu.memory_space<hbm>>
      tpu.wait_indirect_dma semaphore(%arg17 : memref<!tpu.dma_semaphore, #tpu.memory_space<semaphore_mem>>) src(%dma_wait3A_52 : memref<802816x128xf32, #tpu.memory_space<hbm>>) dst(%dma_wait3A_46 : memref<128x128xf32, #tpu.memory_space<vmem>>)
      %dma_wait3A_53 = arith.constant 1 : i32
      %dma_wait3A_54 = arith.constant 128 : i32
      %dma_wait3A_55 = arith.constant 0 : i32
      %dma_wait3A_56 = tpu.memref_slice %arg10[%dma_wait3A_54, %dma_wait3A_55] : memref<256x128xf32, #tpu.memory_space<vmem>> -> memref<128x128xf32, #tpu.memory_space<vmem>>
      %dma_wait3A_57 = arith.constant 0 : i32
      %dma_wait3A_58 = tpu.memref_slice %arg9[%dma_wait3A_53, %dma_wait3A_57] : memref<2x128xi32, #tpu.memory_space<vmem>> -> memref<1x128xi32, #tpu.memory_space<vmem>>
      %dma_wait3A_59 = tpu.memref_squeeze %dma_wait3A_58 : memref<1x128xi32, #tpu.memory_space<vmem>> -> memref<128xi32, #tpu.memory_space<vmem>>
      %dma_wait3A_60 = arith.constant 0 : i32
      %dma_wait3A_61 = arith.constant 0 : i32
      %dma_wait3A_62 = tpu.memref_slice %arg2[%dma_wait3A_60, %dma_wait3A_61] : memref<802816x128xf32, #tpu.memory_space<hbm>> -> memref<802816x128xf32, #tpu.memory_space<hbm>>
      tpu.wait_indirect_dma semaphore(%arg17 : memref<!tpu.dma_semaphore, #tpu.memory_space<semaphore_mem>>) src(%dma_wait3A_62 : memref<802816x128xf32, #tpu.memory_space<hbm>>) dst(%dma_wait3A_56 : memref<128x128xf32, #tpu.memory_space<vmem>>)
      %scan3A_63 = arith.constant 0 : i32
      %scan3A_64 = arith.constant 0 : i32
      %scan3A_65 = arith.constant 8 : i32
      %scan3A_66 = arith.addi %scan3A_64, %scan3A_65 : i32
      %scan3A_67 = arith.constant 1 : i32
      %scan3A_68 = scf.for %scan3A_120 = %scan3A_64 to %scan3A_66 step %scan3A_67 iter_args(%scan3A_121 = %scan3A_63) -> (i32)  : i32 {
        %get3A = arith.index_cast %scan3A_120 : i32 to index
        %get3A_122 = arith.constant 0 : index
        %get3A_123 = tpu.vector_load %arg8[%get3A, %get3A_122] {strides = array<i32>} : memref<8x16xf32, #tpu.memory_space<vmem>>, vector<16xf32>,
        %slice3A = vector.extract_strided_slice %get3A_123 {offsets = [0], sizes = [1], strides = [1]} : vector<16xf32> to vector<1xf32>
        %squeeze3A = vector.extract %slice3A[0] : f32 from vector<1xf32>
        %scan3A_124 = arith.constant 0 : i32
        %scan3A_125 = arith.constant 0 : i32
        %scan3A_126 = arith.constant 32 : i32
        %scan3A_127 = arith.addi %scan3A_125, %scan3A_126 : i32
        %scan3A_128 = arith.constant 1 : i32
        %scan3A_129 = scf.for %scan3A_216 = %scan3A_125 to %scan3A_127 step %scan3A_128 iter_args(%scan3A_217 = %scan3A_124) -> (i32)  : i32 {
          %mul3A_218 = arith.constant 128 : i32
          %mul3A_219 = arith.muli %scan3A_216, %mul3A_218 : i32
          %mul3A_220 = arith.constant 32 : i32
          %mul3A_221 = arith.muli %scan3A_120, %mul3A_220 : i32
          %add3A_222 = arith.addi %mul3A_221, %scan3A_216 : i32
          %get3A_223 = arith.index_cast %add3A_222 : i32 to index
          %get3A_224 = arith.constant 0 : index
          %get3A_225 = tpu.vector_load %arg10[%get3A_223, %get3A_224] {strides = array<i32>} : memref<256x128xf32, #tpu.memory_space<vmem>>, vector<16xf32>,
          %ge3A = vector.broadcast %squeeze3A : f32 to vector<16xf32>
          %ge3A_226 = arith.cmpf oge, %get3A_225, %ge3A : vector<16xf32>
          %all_reduce_population_count3A = tpu.all_reduce %ge3A_226 {dim = 0 : i64, kind = #tpu.reduction_kind<sum>} : vector<16xi1> -> vector<16xi32>
          %slice3A_227 = vector.extract_strided_slice %all_reduce_population_count3A {offsets = [0], sizes = [1], strides = [1]} : vector<16xi32> to vector<1xi32>
          %squeeze3A_228 = vector.extract %slice3A_227[0] : i32 from vector<1xi32>
          %mul3A_229 = arith.constant 32 : i32
          %mul3A_230 = arith.muli %scan3A_120, %mul3A_229 : i32
          %add3A_231 = arith.addi %mul3A_230, %scan3A_216 : i32
          %get3A_232 = arith.index_cast %add3A_231 : i32 to index
          %get3A_233 = arith.constant 16 : index
          %get3A_234 = tpu.vector_load %arg10[%get3A_232, %get3A_233] {strides = array<i32>} : memref<256x128xf32, #tpu.memory_space<vmem>>, vector<16xf32>,
          %ge3A_235 = vector.broadcast %squeeze3A : f32 to vector<16xf32>
          %ge3A_236 = arith.cmpf oge, %get3A_234, %ge3A_235 : vector<16xf32>
          %all_reduce_population_count3A_237 = tpu.all_reduce %ge3A_236 {dim = 0 : i64, kind = #tpu.reduction_kind<sum>} : vector<16xi1> -> vector<16xi32>
          %slice3A_238 = vector.extract_strided_slice %all_reduce_population_count3A_237 {offsets = [0], sizes = [1], strides = [1]} : vector<16xi32> to vector<1xi32>
          %squeeze3A_239 = vector.extract %slice3A_238[0] : i32 from vector<1xi32>
          %mul3A_240 = arith.constant 32 : i32
          %mul3A_241 = arith.muli %scan3A_120, %mul3A_240 : i32
          %add3A_242 = arith.addi %mul3A_241, %scan3A_216 : i32
          %get3A_243 = arith.index_cast %add3A_242 : i32 to index
          %get3A_244 = arith.constant 32 : index
          %get3A_245 = tpu.vector_load %arg10[%get3A_243, %get3A_244] {strides = array<i32>} : memref<256x128xf32, #tpu.memory_space<vmem>>, vector<16xf32>,
          %ge3A_246 = vector.broadcast %squeeze3A : f32 to vector<16xf32>
          %ge3A_247 = arith.cmpf oge, %get3A_245, %ge3A_246 : vector<16xf32>
          %all_reduce_population_count3A_248 = tpu.all_reduce %ge3A_247 {dim = 0 : i64, kind = #tpu.reduction_kind<sum>} : vector<16xi1> -> vector<16xi32>
          %slice3A_249 = vector.extract_strided_slice %all_reduce_population_count3A_248 {offsets = [0], sizes = [1], strides = [1]} : vector<16xi32> to vector<1xi32>
          %squeeze3A_250 = vector.extract %slice3A_249[0] : i32 from vector<1xi32>
          %mul3A_251 = arith.constant 32 : i32
          %mul3A_252 = arith.muli %scan3A_120, %mul3A_251 : i32
          %add3A_253 = arith.addi %mul3A_252, %scan3A_216 : i32
          %get3A_254 = arith.index_cast %add3A_253 : i32 to index
          %get3A_255 = arith.constant 48 : index
          %get3A_256 = tpu.vector_load %arg10[%get3A_254, %get3A_255] {strides = array<i32>} : memref<256x128xf32, #tpu.memory_space<vmem>>, vector<16xf32>,
          %ge3A_257 = vector.broadcast %squeeze3A : f32 to vector<16xf32>
          %ge3A_258 = arith.cmpf oge, %get3A_256, %ge3A_257 : vector<16xf32>
          %all_reduce_population_count3A_259 = tpu.all_reduce %ge3A_258 {dim = 0 : i64, kind = #tpu.reduction_kind<sum>} : vector<16xi1> -> vector<16xi32>
          %slice3A_260 = vector.extract_strided_slice %all_reduce_population_count3A_259 {offsets = [0], sizes = [1], strides = [1]} : vector<16xi32> to vector<1xi32>
          %squeeze3A_261 = vector.extract %slice3A_260[0] : i32 from vector<1xi32>
          %mul3A_262 = arith.constant 32 : i32
          %mul3A_263 = arith.muli %scan3A_120, %mul3A_262 : i32
          %add3A_264 = arith.addi %mul3A_263, %scan3A_216 : i32
          %get3A_265 = arith.index_cast %add3A_264 : i32 to index
          %get3A_266 = arith.constant 64 : index
          %get3A_267 = tpu.vector_load %arg10[%get3A_265, %get3A_266] {strides = array<i32>} : memref<256x128xf32, #tpu.memory_space<vmem>>, vector<16xf32>,
          %ge3A_268 = vector.broadcast %squeeze3A : f32 to vector<16xf32>
          %ge3A_269 = arith.cmpf oge, %get3A_267, %ge3A_268 : vector<16xf32>
          %all_reduce_population_count3A_270 = tpu.all_reduce %ge3A_269 {dim = 0 : i64, kind = #tpu.reduction_kind<sum>} : vector<16xi1> -> vector<16xi32>
          %slice3A_271 = vector.extract_strided_slice %all_reduce_population_count3A_270 {offsets = [0], sizes = [1], strides = [1]} : vector<16xi32> to vector<1xi32>
          %squeeze3A_272 = vector.extract %slice3A_271[0] : i32 from vector<1xi32>
          %mul3A_273 = arith.constant 32 : i32
          %mul3A_274 = arith.muli %scan3A_120, %mul3A_273 : i32
          %add3A_275 = arith.addi %mul3A_274, %scan3A_216 : i32
          %get3A_276 = arith.index_cast %add3A_275 : i32 to index
          %get3A_277 = arith.constant 80 : index
          %get3A_278 = tpu.vector_load %arg10[%get3A_276, %get3A_277] {strides = array<i32>} : memref<256x128xf32, #tpu.memory_space<vmem>>, vector<16xf32>,
          %ge3A_279 = vector.broadcast %squeeze3A : f32 to vector<16xf32>
          %ge3A_280 = arith.cmpf oge, %get3A_278, %ge3A_279 : vector<16xf32>
          %all_reduce_population_count3A_281 = tpu.all_reduce %ge3A_280 {dim = 0 : i64, kind = #tpu.reduction_kind<sum>} : vector<16xi1> -> vector<16xi32>
          %slice3A_282 = vector.extract_strided_slice %all_reduce_population_count3A_281 {offsets = [0], sizes = [1], strides = [1]} : vector<16xi32> to vector<1xi32>
          %squeeze3A_283 = vector.extract %slice3A_282[0] : i32 from vector<1xi32>
          %mul3A_284 = arith.constant 32 : i32
          %mul3A_285 = arith.muli %scan3A_120, %mul3A_284 : i32
          %add3A_286 = arith.addi %mul3A_285, %scan3A_216 : i32
          %get3A_287 = arith.index_cast %add3A_286 : i32 to index
          %get3A_288 = arith.constant 96 : index
          %get3A_289 = tpu.vector_load %arg10[%get3A_287, %get3A_288] {strides = array<i32>} : memref<256x128xf32, #tpu.memory_space<vmem>>, vector<16xf32>,
          %ge3A_290 = vector.broadcast %squeeze3A : f32 to vector<16xf32>
          %ge3A_291 = arith.cmpf oge, %get3A_289, %ge3A_290 : vector<16xf32>
          %all_reduce_population_count3A_292 = tpu.all_reduce %ge3A_291 {dim = 0 : i64, kind = #tpu.reduction_kind<sum>} : vector<16xi1> -> vector<16xi32>
          %slice3A_293 = vector.extract_strided_slice %all_reduce_population_count3A_292 {offsets = [0], sizes = [1], strides = [1]} : vector<16xi32> to vector<1xi32>
          %squeeze3A_294 = vector.extract %slice3A_293[0] : i32 from vector<1xi32>
          %mul3A_295 = arith.constant 32 : i32
          %mul3A_296 = arith.muli %scan3A_120, %mul3A_295 : i32
          %add3A_297 = arith.addi %mul3A_296, %scan3A_216 : i32
          %get3A_298 = arith.index_cast %add3A_297 : i32 to index
          %get3A_299 = arith.constant 112 : index
          %get3A_300 = tpu.vector_load %arg10[%get3A_298, %get3A_299] {strides = array<i32>} : memref<256x128xf32, #tpu.memory_space<vmem>>, vector<16xf32>,
          %ge3A_301 = vector.broadcast %squeeze3A : f32 to vector<16xf32>
          %ge3A_302 = arith.cmpf oge, %get3A_300, %ge3A_301 : vector<16xf32>
          %all_reduce_population_count3A_303 = tpu.all_reduce %ge3A_302 {dim = 0 : i64, kind = #tpu.reduction_kind<sum>} : vector<16xi1> -> vector<16xi32>
          %slice3A_304 = vector.extract_strided_slice %all_reduce_population_count3A_303 {offsets = [0], sizes = [1], strides = [1]} : vector<16xi32> to vector<1xi32>
          %squeeze3A_305 = vector.extract %slice3A_304[0] : i32 from vector<1xi32>
          %add3A_306 = arith.addi %scan3A_217, %squeeze3A_228 : i32
          %add3A_307 = arith.addi %add3A_306, %squeeze3A_239 : i32
          %add3A_308 = arith.addi %add3A_307, %squeeze3A_250 : i32
          %add3A_309 = arith.addi %add3A_308, %squeeze3A_261 : i32
          %add3A_310 = arith.addi %add3A_309, %squeeze3A_272 : i32
          %add3A_311 = arith.addi %add3A_310, %squeeze3A_283 : i32
          %add3A_312 = arith.addi %add3A_311, %squeeze3A_294 : i32
          %add3A_313 = arith.addi %add3A_312, %squeeze3A_305 : i32
          %swap3A_314 = arith.index_cast %scan3A_217 : i32 to index
          %swap3A_315 = tpu.vector_load %arg11[%swap3A_314] masked %ge3A_226 {strides = array<i32>} : memref<4128xf32, #tpu.memory_space<vmem>>, vector<16xf32>, vector<16xi1>
          tpu.vector_store %arg11[%swap3A_314], %get3A_225 masked %ge3A_226 {strides = array<i32>} : memref<4128xf32, #tpu.memory_space<vmem>>, vector<16xf32>, vector<16xi1>
          %add3A_316 = arith.constant 0 : i32
          %add3A_317 = arith.addi %mul3A_219, %add3A_316 : i32
          %add3A_318 = vector.broadcast %add3A_317 : i32 to vector<16xi32>
          %add3A_319 = arith.addi %add3A_318, %iota3A : vector<16xi32>
          %swap3A_320 = arith.index_cast %scan3A_217 : i32 to index
          %swap3A_321 = tpu.vector_load %arg12[%swap3A_320] masked %ge3A_226 {strides = array<i32>} : memref<4128xi32, #tpu.memory_space<vmem>>, vector<16xi32>, vector<16xi1>
          tpu.vector_store %arg12[%swap3A_320], %add3A_319 masked %ge3A_226 {strides = array<i32>} : memref<4128xi32, #tpu.memory_space<vmem>>, vector<16xi32>, vector<16xi1>
          %swap3A_322 = arith.index_cast %add3A_306 : i32 to index
          %swap3A_323 = tpu.vector_load %arg11[%swap3A_322] masked %ge3A_236 {strides = array<i32>} : memref<4128xf32, #tpu.memory_space<vmem>>, vector<16xf32>, vector<16xi1>
          tpu.vector_store %arg11[%swap3A_322], %get3A_234 masked %ge3A_236 {strides = array<i32>} : memref<4128xf32, #tpu.memory_space<vmem>>, vector<16xf32>, vector<16xi1>
          %add3A_324 = arith.constant 16 : i32
          %add3A_325 = arith.addi %mul3A_219, %add3A_324 : i32
          %add3A_326 = vector.broadcast %add3A_325 : i32 to vector<16xi32>
          %add3A_327 = arith.addi %add3A_326, %iota3A : vector<16xi32>
          %swap3A_328 = arith.index_cast %add3A_306 : i32 to index
          %swap3A_329 = tpu.vector_load %arg12[%swap3A_328] masked %ge3A_236 {strides = array<i32>} : memref<4128xi32, #tpu.memory_space<vmem>>, vector<16xi32>, vector<16xi1>
          tpu.vector_store %arg12[%swap3A_328], %add3A_327 masked %ge3A_236 {strides = array<i32>} : memref<4128xi32, #tpu.memory_space<vmem>>, vector<16xi32>, vector<16xi1>
          %swap3A_330 = arith.index_cast %add3A_307 : i32 to index
          %swap3A_331 = tpu.vector_load %arg11[%swap3A_330] masked %ge3A_247 {strides = array<i32>} : memref<4128xf32, #tpu.memory_space<vmem>>, vector<16xf32>, vector<16xi1>
          tpu.vector_store %arg11[%swap3A_330], %get3A_245 masked %ge3A_247 {strides = array<i32>} : memref<4128xf32, #tpu.memory_space<vmem>>, vector<16xf32>, vector<16xi1>
          %add3A_332 = arith.constant 32 : i32
          %add3A_333 = arith.addi %mul3A_219, %add3A_332 : i32
          %add3A_334 = vector.broadcast %add3A_333 : i32 to vector<16xi32>
          %add3A_335 = arith.addi %add3A_334, %iota3A : vector<16xi32>
          %swap3A_336 = arith.index_cast %add3A_307 : i32 to index
          %swap3A_337 = tpu.vector_load %arg12[%swap3A_336] masked %ge3A_247 {strides = array<i32>} : memref<4128xi32, #tpu.memory_space<vmem>>, vector<16xi32>, vector<16xi1>
          tpu.vector_store %arg12[%swap3A_336], %add3A_335 masked %ge3A_247 {strides = array<i32>} : memref<4128xi32, #tpu.memory_space<vmem>>, vector<16xi32>, vector<16xi1>
          %swap3A_338 = arith.index_cast %add3A_308 : i32 to index
          %swap3A_339 = tpu.vector_load %arg11[%swap3A_338] masked %ge3A_258 {strides = array<i32>} : memref<4128xf32, #tpu.memory_space<vmem>>, vector<16xf32>, vector<16xi1>
          tpu.vector_store %arg11[%swap3A_338], %get3A_256 masked %ge3A_258 {strides = array<i32>} : memref<4128xf32, #tpu.memory_space<vmem>>, vector<16xf32>, vector<16xi1>
          %add3A_340 = arith.constant 48 : i32
          %add3A_341 = arith.addi %mul3A_219, %add3A_340 : i32
          %add3A_342 = vector.broadcast %add3A_341 : i32 to vector<16xi32>
          %add3A_343 = arith.addi %add3A_342, %iota3A : vector<16xi32>
          %swap3A_344 = arith.index_cast %add3A_308 : i32 to index
          %swap3A_345 = tpu.vector_load %arg12[%swap3A_344] masked %ge3A_258 {strides = array<i32>} : memref<4128xi32, #tpu.memory_space<vmem>>, vector<16xi32>, vector<16xi1>
          tpu.vector_store %arg12[%swap3A_344], %add3A_343 masked %ge3A_258 {strides = array<i32>} : memref<4128xi32, #tpu.memory_space<vmem>>, vector<16xi32>, vector<16xi1>
          %swap3A_346 = arith.index_cast %add3A_309 : i32 to index
          %swap3A_347 = tpu.vector_load %arg11[%swap3A_346] masked %ge3A_269 {strides = array<i32>} : memref<4128xf32, #tpu.memory_space<vmem>>, vector<16xf32>, vector<16xi1>
          tpu.vector_store %arg11[%swap3A_346], %get3A_267 masked %ge3A_269 {strides = array<i32>} : memref<4128xf32, #tpu.memory_space<vmem>>, vector<16xf32>, vector<16xi1>
          %add3A_348 = arith.constant 64 : i32
          %add3A_349 = arith.addi %mul3A_219, %add3A_348 : i32
          %add3A_350 = vector.broadcast %add3A_349 : i32 to vector<16xi32>
          %add3A_351 = arith.addi %add3A_350, %iota3A : vector<16xi32>
          %swap3A_352 = arith.index_cast %add3A_309 : i32 to index
          %swap3A_353 = tpu.vector_load %arg12[%swap3A_352] masked %ge3A_269 {strides = array<i32>} : memref<4128xi32, #tpu.memory_space<vmem>>, vector<16xi32>, vector<16xi1>
          tpu.vector_store %arg12[%swap3A_352], %add3A_351 masked %ge3A_269 {strides = array<i32>} : memref<4128xi32, #tpu.memory_space<vmem>>, vector<16xi32>, vector<16xi1>
          %swap3A_354 = arith.index_cast %add3A_310 : i32 to index
          %swap3A_355 = tpu.vector_load %arg11[%swap3A_354] masked %ge3A_280 {strides = array<i32>} : memref<4128xf32, #tpu.memory_space<vmem>>, vector<16xf32>, vector<16xi1>
          tpu.vector_store %arg11[%swap3A_354], %get3A_278 masked %ge3A_280 {strides = array<i32>} : memref<4128xf32, #tpu.memory_space<vmem>>, vector<16xf32>, vector<16xi1>
          %add3A_356 = arith.constant 80 : i32
          %add3A_357 = arith.addi %mul3A_219, %add3A_356 : i32
          %add3A_358 = vector.broadcast %add3A_357 : i32 to vector<16xi32>
          %add3A_359 = arith.addi %add3A_358, %iota3A : vector<16xi32>
          %swap3A_360 = arith.index_cast %add3A_310 : i32 to index
          %swap3A_361 = tpu.vector_load %arg12[%swap3A_360] masked %ge3A_280 {strides = array<i32>} : memref<4128xi32, #tpu.memory_space<vmem>>, vector<16xi32>, vector<16xi1>
          tpu.vector_store %arg12[%swap3A_360], %add3A_359 masked %ge3A_280 {strides = array<i32>} : memref<4128xi32, #tpu.memory_space<vmem>>, vector<16xi32>, vector<16xi1>
          %swap3A_362 = arith.index_cast %add3A_311 : i32 to index
          %swap3A_363 = tpu.vector_load %arg11[%swap3A_362] masked %ge3A_291 {strides = array<i32>} : memref<4128xf32, #tpu.memory_space<vmem>>, vector<16xf32>, vector<16xi1>
          tpu.vector_store %arg11[%swap3A_362], %get3A_289 masked %ge3A_291 {strides = array<i32>} : memref<4128xf32, #tpu.memory_space<vmem>>, vector<16xf32>, vector<16xi1>
          %add3A_364 = arith.constant 96 : i32
          %add3A_365 = arith.addi %mul3A_219, %add3A_364 : i32
          %add3A_366 = vector.broadcast %add3A_365 : i32 to vector<16xi32>
          %add3A_367 = arith.addi %add3A_366, %iota3A : vector<16xi32>
          %swap3A_368 = arith.index_cast %add3A_311 : i32 to index
          %swap3A_369 = tpu.vector_load %arg12[%swap3A_368] masked %ge3A_291 {strides = array<i32>} : memref<4128xi32, #tpu.memory_space<vmem>>, vector<16xi32>, vector<16xi1>
          tpu.vector_store %arg12[%swap3A_368], %add3A_367 masked %ge3A_291 {strides = array<i32>} : memref<4128xi32, #tpu.memory_space<vmem>>, vector<16xi32>, vector<16xi1>
          %swap3A_370 = arith.index_cast %add3A_312 : i32 to index
          %swap3A_371 = tpu.vector_load %arg11[%swap3A_370] masked %ge3A_302 {strides = array<i32>} : memref<4128xf32, #tpu.memory_space<vmem>>, vector<16xf32>, vector<16xi1>
          tpu.vector_store %arg11[%swap3A_370], %get3A_300 masked %ge3A_302 {strides = array<i32>} : memref<4128xf32, #tpu.memory_space<vmem>>, vector<16xf32>, vector<16xi1>
          %add3A_372 = arith.constant 112 : i32
          %add3A_373 = arith.addi %mul3A_219, %add3A_372 : i32
          %add3A_374 = vector.broadcast %add3A_373 : i32 to vector<16xi32>
          %add3A_375 = arith.addi %add3A_374, %iota3A : vector<16xi32>
          %swap3A_376 = arith.index_cast %add3A_312 : i32 to index
          %swap3A_377 = tpu.vector_load %arg12[%swap3A_376] masked %ge3A_302 {strides = array<i32>} : memref<4128xi32, #tpu.memory_space<vmem>>, vector<16xi32>, vector<16xi1>
          tpu.vector_store %arg12[%swap3A_376], %add3A_375 masked %ge3A_302 {strides = array<i32>} : memref<4128xi32, #tpu.memory_space<vmem>>, vector<16xi32>, vector<16xi1>
          scf.yield %add3A_313 : i32
        }
        %scan3A_130 = arith.constant 32 : i32
        %broadcast_in_dim3A = arith.constant -3.000000e+38 : f32
        %broadcast_in_dim3A_131 = vector.broadcast %broadcast_in_dim3A : f32 to vector<16xf32>
        %swap3A = arith.index_cast %scan3A_129 : i32 to index
        %swap3A_132 = tpu.vector_load %arg11[%swap3A] {strides = array<i32>} : memref<4128xf32, #tpu.memory_space<vmem>>, vector<16xf32>,
        tpu.vector_store %arg11[%swap3A], %broadcast_in_dim3A_131 {strides = array<i32>} : memref<4128xf32, #tpu.memory_space<vmem>>, vector<16xf32>,
        %add3A_133 = arith.constant 16 : i32
        %add3A_134 = arith.addi %scan3A_129, %add3A_133 : i32
        %swap3A_135 = arith.index_cast %add3A_134 : i32 to index
        %swap3A_136 = tpu.vector_load %arg11[%swap3A_135] {strides = array<i32>} : memref<4128xf32, #tpu.memory_space<vmem>>, vector<16xf32>,
        tpu.vector_store %arg11[%swap3A_135], %broadcast_in_dim3A_131 {strides = array<i32>} : memref<4128xf32, #tpu.memory_space<vmem>>, vector<16xf32>,
        %add3A_137 = arith.constant 15 : i32
        %add3A_138 = arith.addi %scan3A_129, %add3A_137 : i32
        %shift_right_arithmetic3A = arith.constant 4 : i32
        %shift_right_arithmetic3A_139 = arith.shrsi %add3A_138, %shift_right_arithmetic3A : i32
        %broadcast_in_dim3A_140 = arith.constant 0 : i32
        %broadcast_in_dim3A_141 = vector.broadcast %broadcast_in_dim3A_140 : i32 to vector<16xi32>
        %broadcast_in_dim3A_142 = arith.constant 0 : i32
        %broadcast_in_dim3A_143 = vector.broadcast %broadcast_in_dim3A_142 : i32 to vector<16xi32>
        %while3A = arith.constant 0 : i32
        %while3A_144 = arith.subi %shift_right_arithmetic3A_139, %while3A : i32
        %while3A_145 = arith.addi %while3A, %while3A_144 : i32
        %while3A_146 = arith.constant 1 : i32
        %while3A_147 = arith.divsi %while3A_144, %while3A_146 : i32
        %while3A_148 = arith.muli %while3A_147, %while3A_146 : i32
        %while3A_149 = arith.addi %while3A, %while3A_148 : i32
        %while3A_150 = arith.constant 1 : i32
        %while3A_151:4 = scf.for %while3A_216 = %while3A to %while3A_149 step %while3A_150 iter_args(%while3A_217 = %broadcast_in_dim3A_131, %while3A_218 = %broadcast_in_dim3A_141, %while3A_219 = %broadcast_in_dim3A_131, %while3A_220 = %broadcast_in_dim3A_143) -> (vector<16xf32>, vector<16xi32>, vector<16xf32>, vector<16xi32>)  : i32 {
          %mul3A_221 = arith.constant 16 : i32
          %mul3A_222 = arith.muli %while3A_216, %mul3A_221 : i32
          %get3A_223 = arith.index_cast %mul3A_222 : i32 to index
          %get3A_224 = tpu.vector_load %arg11[%get3A_223] {strides = array<i32>} : memref<4128xf32, #tpu.memory_space<vmem>>, vector<16xf32>,
          %mul3A_225 = arith.constant 16 : i32
          %mul3A_226 = arith.muli %while3A_216, %mul3A_225 : i32
          %get3A_227 = arith.index_cast %mul3A_226 : i32 to index
          %get3A_228 = tpu.vector_load %arg12[%get3A_227] {strides = array<i32>} : memref<4128xi32, #tpu.memory_space<vmem>>, vector<16xi32>,
          %masked_sort3A = arith.constant dense<true> : vector<16xi1>
          %masked_sort3A_229, %masked_sort3A_230, %masked_sort3A_231 = tpu.sort %get3A_224, %get3A_228 masked %masked_sort3A {descending = true} : (vector<16xf32>, vector<16xi32>, vector<16xi1>) -> (vector<16xi1>, vector<16xf32>, vector<16xi32>)
          %rev3A = arith.constant 15 : i32
          %rev3A_232 = vector.broadcast %rev3A : i32 to vector<16xi32>
          %rev3A_233 = tpu.iota {dimensions = array<i32: 0>} : vector<16xi32>
          %rev3A_234 = arith.subi %rev3A_232, %rev3A_233 : vector<16xi32>
          %rev3A_235 = tpu.dynamic_gather %masked_sort3A_230[%rev3A_234] in [0] : vector<16xf32>, vector<16xi32> -> vector<16xf32>
          %rev3A_236 = arith.constant 15 : i32
          %rev3A_237 = vector.broadcast %rev3A_236 : i32 to vector<16xi32>
          %rev3A_238 = tpu.iota {dimensions = array<i32: 0>} : vector<16xi32>
          %rev3A_239 = arith.subi %rev3A_237, %rev3A_238 : vector<16xi32>
          %rev3A_240 = tpu.dynamic_gather %masked_sort3A_231[%rev3A_239] in [0] : vector<16xi32>, vector<16xi32> -> vector<16xi32>
          %ge3A = arith.cmpf oge, %while3A_219, %rev3A_235 : vector<16xf32>
          %select_n3A = arith.select %ge3A, %while3A_219, %rev3A_235 : vector<16xi1>, vector<16xf32>
          %select_n3A_241 = arith.select %ge3A, %while3A_220, %rev3A_240 : vector<16xi1>, vector<16xi32>
          %ge3A_242 = arith.cmpf oge, %while3A_217, %select_n3A : vector<16xf32>
          %select_n3A_243 = arith.select %ge3A_242, %while3A_217, %select_n3A : vector<16xi1>, vector<16xf32>
          %select_n3A_244 = arith.select %ge3A_242, %while3A_218, %select_n3A_241 : vector<16xi1>, vector<16xi32>
          %select_n3A_245 = arith.select %ge3A_242, %select_n3A, %while3A_217 : vector<16xi1>, vector<16xf32>
          %select_n3A_246 = arith.select %ge3A_242, %select_n3A_241, %while3A_218 : vector<16xi1>, vector<16xi32>
          %masked_sort3A_247 = arith.constant dense<true> : vector<16xi1>
          %masked_sort3A_248, %masked_sort3A_249, %masked_sort3A_250 = tpu.sort %select_n3A_243, %select_n3A_244 masked %masked_sort3A_247 {descending = true} : (vector<16xf32>, vector<16xi32>, vector<16xi1>) -> (vector<16xi1>, vector<16xf32>, vector<16xi32>)
          %masked_sort3A_251 = arith.constant dense<true> : vector<16xi1>
          %masked_sort3A_252, %masked_sort3A_253, %masked_sort3A_254 = tpu.sort %select_n3A_245, %select_n3A_246 masked %masked_sort3A_251 {descending = true} : (vector<16xf32>, vector<16xi32>, vector<16xi1>) -> (vector<16xi1>, vector<16xf32>, vector<16xi32>)
          scf.yield %masked_sort3A_249, %masked_sort3A_250, %masked_sort3A_253, %masked_sort3A_254 : vector<16xf32>, vector<16xi32>, vector<16xf32>, vector<16xi32>
        }
        %while3A_152 = arith.constant 1 : i32
        %while3A_153:4 = scf.for %while3A_216 = %while3A_149 to %while3A_145 step %while3A_152 iter_args(%while3A_217 = %while3A_151#0, %while3A_218 = %while3A_151#1, %while3A_219 = %while3A_151#2, %while3A_220 = %while3A_151#3) -> (vector<16xf32>, vector<16xi32>, vector<16xf32>, vector<16xi32>)  : i32 {
          %mul3A_221 = arith.constant 16 : i32
          %mul3A_222 = arith.muli %while3A_216, %mul3A_221 : i32
          %get3A_223 = arith.index_cast %mul3A_222 : i32 to index
          %get3A_224 = tpu.vector_load %arg11[%get3A_223] {strides = array<i32>} : memref<4128xf32, #tpu.memory_space<vmem>>, vector<16xf32>,
          %mul3A_225 = arith.constant 16 : i32
          %mul3A_226 = arith.muli %while3A_216, %mul3A_225 : i32
          %get3A_227 = arith.index_cast %mul3A_226 : i32 to index
          %get3A_228 = tpu.vector_load %arg12[%get3A_227] {strides = array<i32>} : memref<4128xi32, #tpu.memory_space<vmem>>, vector<16xi32>,
          %masked_sort3A = arith.constant dense<true> : vector<16xi1>
          %masked_sort3A_229, %masked_sort3A_230, %masked_sort3A_231 = tpu.sort %get3A_224, %get3A_228 masked %masked_sort3A {descending = true} : (vector<16xf32>, vector<16xi32>, vector<16xi1>) -> (vector<16xi1>, vector<16xf32>, vector<16xi32>)
          %rev3A = arith.constant 15 : i32
          %rev3A_232 = vector.broadcast %rev3A : i32 to vector<16xi32>
          %rev3A_233 = tpu.iota {dimensions = array<i32: 0>} : vector<16xi32>
          %rev3A_234 = arith.subi %rev3A_232, %rev3A_233 : vector<16xi32>
          %rev3A_235 = tpu.dynamic_gather %masked_sort3A_230[%rev3A_234] in [0] : vector<16xf32>, vector<16xi32> -> vector<16xf32>
          %rev3A_236 = arith.constant 15 : i32
          %rev3A_237 = vector.broadcast %rev3A_236 : i32 to vector<16xi32>
          %rev3A_238 = tpu.iota {dimensions = array<i32: 0>} : vector<16xi32>
          %rev3A_239 = arith.subi %rev3A_237, %rev3A_238 : vector<16xi32>
          %rev3A_240 = tpu.dynamic_gather %masked_sort3A_231[%rev3A_239] in [0] : vector<16xi32>, vector<16xi32> -> vector<16xi32>
          %ge3A = arith.cmpf oge, %while3A_219, %rev3A_235 : vector<16xf32>
          %select_n3A = arith.select %ge3A, %while3A_219, %rev3A_235 : vector<16xi1>, vector<16xf32>
          %select_n3A_241 = arith.select %ge3A, %while3A_220, %rev3A_240 : vector<16xi1>, vector<16xi32>
          %ge3A_242 = arith.cmpf oge, %while3A_217, %select_n3A : vector<16xf32>
          %select_n3A_243 = arith.select %ge3A_242, %while3A_217, %select_n3A : vector<16xi1>, vector<16xf32>
          %select_n3A_244 = arith.select %ge3A_242, %while3A_218, %select_n3A_241 : vector<16xi1>, vector<16xi32>
          %select_n3A_245 = arith.select %ge3A_242, %select_n3A, %while3A_217 : vector<16xi1>, vector<16xf32>
          %select_n3A_246 = arith.select %ge3A_242, %select_n3A_241, %while3A_218 : vector<16xi1>, vector<16xi32>
          %masked_sort3A_247 = arith.constant dense<true> : vector<16xi1>
          %masked_sort3A_248, %masked_sort3A_249, %masked_sort3A_250 = tpu.sort %select_n3A_243, %select_n3A_244 masked %masked_sort3A_247 {descending = true} : (vector<16xf32>, vector<16xi32>, vector<16xi1>) -> (vector<16xi1>, vector<16xf32>, vector<16xi32>)
          %masked_sort3A_251 = arith.constant dense<true> : vector<16xi1>
          %masked_sort3A_252, %masked_sort3A_253, %masked_sort3A_254 = tpu.sort %select_n3A_245, %select_n3A_246 masked %masked_sort3A_251 {descending = true} : (vector<16xf32>, vector<16xi32>, vector<16xi1>) -> (vector<16xi1>, vector<16xf32>, vector<16xi32>)
          scf.yield %masked_sort3A_249, %masked_sort3A_250, %masked_sort3A_253, %masked_sort3A_254 : vector<16xf32>, vector<16xi32>, vector<16xf32>, vector<16xi32>
        }
        %reduce_max3A = arith.constant true
        %reduce_max3A_154 = vector.broadcast %reduce_max3A : i1 to vector<16xi1>
        %reduce_max3A_155 = tpu.scan <max>, %while3A_153#0 masked %reduce_max3A_154 : vector<16xf32>, vector<16xi1> -> vector<16xf32>
        %reduce_max3A_156 = vector.extract %reduce_max3A_155[15] : f32 from vector<16xf32>
        %sub3A = vector.broadcast %reduce_max3A_156 : f32 to vector<16xf32>
        %sub3A_157 = arith.subf %while3A_153#0, %sub3A : vector<16xf32>
        %exp3A = math.exp %sub3A_157 : vector<16xf32>
        %sub3A_158 = vector.broadcast %reduce_max3A_156 : f32 to vector<16xf32>
        %sub3A_159 = arith.subf %while3A_153#2, %sub3A_158 : vector<16xf32>
        %exp3A_160 = math.exp %sub3A_159 : vector<16xf32>
        %add3A_161 = arith.addf %exp3A, %exp3A_160 : vector<16xf32>
        %reduce_sum3A = arith.constant true
        %reduce_sum3A_162 = vector.broadcast %reduce_sum3A : i1 to vector<16xi1>
        %reduce_sum3A_163 = tpu.scan <sum>, %add3A_161 masked %reduce_sum3A_162 : vector<16xf32>, vector<16xi1> -> vector<16xf32>
        %reduce_sum3A_164 = vector.extract %reduce_sum3A_163[15] : f32 from vector<16xf32>
        %div3A = vector.broadcast %reduce_sum3A_164 : f32 to vector<16xf32>
        %div3A_165 = arith.divf %exp3A, %div3A : vector<16xf32>
        %swap3A_166 = arith.index_cast %scan3A_120 : i32 to index
        %swap3A_167 = arith.constant 0 : index
        %swap3A_168 = tpu.vector_load %arg13[%swap3A_166, %swap3A_167] {strides = array<i32>} : memref<8x32xf32, #tpu.memory_space<vmem>>, vector<16xf32>,
        tpu.vector_store %arg13[%swap3A_166, %swap3A_167], %div3A_165 {strides = array<i32>} : memref<8x32xf32, #tpu.memory_space<vmem>>, vector<16xf32>,
        %div3A_169 = vector.broadcast %reduce_sum3A_164 : f32 to vector<16xf32>
        %div3A_170 = arith.divf %exp3A_160, %div3A_169 : vector<16xf32>
        %swap3A_171 = arith.index_cast %scan3A_120 : i32 to index
        %swap3A_172 = arith.constant 16 : index
        %swap3A_173 = tpu.vector_load %arg13[%swap3A_171, %swap3A_172] {strides = array<i32>} : memref<8x32xf32, #tpu.memory_space<vmem>>, vector<16xf32>,
        tpu.vector_store %arg13[%swap3A_171, %swap3A_172], %div3A_170 {strides = array<i32>} : memref<8x32xf32, #tpu.memory_space<vmem>>, vector<16xf32>,
        %broadcast_in_dim3A_174 = vector.broadcast %scan3A_120 : i32 to vector<16xi32>
        %shift_right_arithmetic3A_175 = arith.constant 7 : i32
        %shift_right_arithmetic3A_176 = vector.broadcast %shift_right_arithmetic3A_175 : i32 to vector<16xi32>
        %shift_right_arithmetic3A_177 = arith.shrsi %while3A_153#1, %shift_right_arithmetic3A_176 : vector<16xi32>
        %gather3A = tpu.vector_load_idx %arg7[%broadcast_in_dim3A_174, %shift_right_arithmetic3A_177] : memref<8x32xi32, #tpu.memory_space<vmem>>[vector<16xi32>, vector<16xi32>], vector<16xi32>,
        %mul3A_178 = arith.constant 128 : i32
        %mul3A_179 = vector.broadcast %mul3A_178 : i32 to vector<16xi32>
        %mul3A_180 = arith.muli %gather3A, %mul3A_179 : vector<16xi32>
        %and3A = arith.constant 127 : i32
        %and3A_181 = vector.broadcast %and3A : i32 to vector<16xi32>
        %and3A_182 = arith.andi %while3A_153#1, %and3A_181 : vector<16xi32>
        %add3A_183 = arith.addi %mul3A_180, %and3A_182 : vector<16xi32>
        %shift_right_arithmetic3A_184 = arith.constant 7 : i32
        %shift_right_arithmetic3A_185 = vector.broadcast %shift_right_arithmetic3A_184 : i32 to vector<16xi32>
        %shift_right_arithmetic3A_186 = arith.shrsi %while3A_153#3, %shift_right_arithmetic3A_185 : vector<16xi32>
        %gather3A_187 = tpu.vector_load_idx %arg7[%broadcast_in_dim3A_174, %shift_right_arithmetic3A_186] : memref<8x32xi32, #tpu.memory_space<vmem>>[vector<16xi32>, vector<16xi32>], vector<16xi32>,
        %mul3A_188 = arith.constant 128 : i32
        %mul3A_189 = vector.broadcast %mul3A_188 : i32 to vector<16xi32>
        %mul3A_190 = arith.muli %gather3A_187, %mul3A_189 : vector<16xi32>
        %and3A_191 = arith.constant 127 : i32
        %and3A_192 = vector.broadcast %and3A_191 : i32 to vector<16xi32>
        %and3A_193 = arith.andi %while3A_153#3, %and3A_192 : vector<16xi32>
        %add3A_194 = arith.addi %mul3A_190, %and3A_193 : vector<16xi32>
        %mul3A_195 = arith.constant 32 : i32
        %mul3A_196 = arith.muli %scan3A_120, %mul3A_195 : i32
        %shift_right_arithmetic3A_197 = arith.constant 7 : i32
        %shift_right_arithmetic3A_198 = arith.shrsi %mul3A_196, %shift_right_arithmetic3A_197 : i32
        %and3A_199 = arith.constant 127 : i32
        %and3A_200 = arith.andi %mul3A_196, %and3A_199 : i32
        %swap3A_201 = arith.index_cast %shift_right_arithmetic3A_198 : i32 to index
        %swap3A_202 = arith.index_cast %and3A_200 : i32 to index
        %swap3A_203 = tpu.vector_load %arg14[%swap3A_201, %swap3A_202] {strides = array<i32>} : memref<2x128xi32, #tpu.memory_space<vmem>>, vector<16xi32>,
        tpu.vector_store %arg14[%swap3A_201, %swap3A_202], %add3A_183 {strides = array<i32>} : memref<2x128xi32, #tpu.memory_space<vmem>>, vector<16xi32>,
        %mul3A_204 = arith.constant 32 : i32
        %mul3A_205 = arith.muli %scan3A_120, %mul3A_204 : i32
        %add3A_206 = arith.constant 16 : i32
        %add3A_207 = arith.addi %mul3A_205, %add3A_206 : i32
        %shift_right_arithmetic3A_208 = arith.constant 7 : i32
        %shift_right_arithmetic3A_209 = arith.shrsi %add3A_207, %shift_right_arithmetic3A_208 : i32
        %and3A_210 = arith.constant 127 : i32
        %and3A_211 = arith.andi %add3A_207, %and3A_210 : i32
        %swap3A_212 = arith.index_cast %shift_right_arithmetic3A_209 : i32 to index
        %swap3A_213 = arith.index_cast %and3A_211 : i32 to index
        %swap3A_214 = tpu.vector_load %arg14[%swap3A_212, %swap3A_213] {strides = array<i32>} : memref<2x128xi32, #tpu.memory_space<vmem>>, vector<16xi32>,
        tpu.vector_store %arg14[%swap3A_212, %swap3A_213], %add3A_194 {strides = array<i32>} : memref<2x128xi32, #tpu.memory_space<vmem>>, vector<16xi32>,
        %scan3A_215 = arith.constant 0 : i32
        scf.yield %scan3A_215 : i32
      }
      %scan3A_69 = arith.constant 8 : i32
      %dma_start3A_70 = arith.constant 0 : i32
      %dma_start3A_71 = arith.constant 0 : i32
      %dma_start3A_72 = arith.constant 0 : i32
      %dma_start3A_73 = tpu.memref_slice %arg15[%dma_start3A_71, %dma_start3A_72] : memref<256x256xf32, #tpu.memory_space<vmem>> -> memref<128x256xf32, #tpu.memory_space<vmem>>
      %dma_start3A_74 = arith.constant 0 : i32
      %dma_start3A_75 = tpu.memref_slice %arg14[%dma_start3A_70, %dma_start3A_74] : memref<2x128xi32, #tpu.memory_space<vmem>> -> memref<1x128xi32, #tpu.memory_space<vmem>>
      %dma_start3A_76 = tpu.memref_squeeze %dma_start3A_75 : memref<1x128xi32, #tpu.memory_space<vmem>> -> memref<128xi32, #tpu.memory_space<vmem>>
      %dma_start3A_77 = arith.constant 0 : i32
      %dma_start3A_78 = arith.constant 0 : i32
      %dma_start3A_79 = tpu.memref_slice %arg5[%dma_start3A_77, %dma_start3A_78] : memref<100000x256xf32, #tpu.memory_space<hbm>> -> memref<100000x256xf32, #tpu.memory_space<hbm>>
      tpu.enqueue_indirect_dma source(%dma_start3A_79 : memref<100000x256xf32, #tpu.memory_space<hbm>>) target(%dma_start3A_73 : memref<128x256xf32, #tpu.memory_space<vmem>>) offsets(%dma_start3A_76 : memref<128xi32, #tpu.memory_space<vmem>>) semaphore(%arg18 : memref<!tpu.dma_semaphore, #tpu.memory_space<semaphore_mem>>)
      %dma_start3A_80 = arith.constant 1 : i32
      %dma_start3A_81 = arith.constant 128 : i32
      %dma_start3A_82 = arith.constant 0 : i32
      %dma_start3A_83 = tpu.memref_slice %arg15[%dma_start3A_81, %dma_start3A_82] : memref<256x256xf32, #tpu.memory_space<vmem>> -> memref<128x256xf32, #tpu.memory_space<vmem>>
      %dma_start3A_84 = arith.constant 0 : i32
      %dma_start3A_85 = tpu.memref_slice %arg14[%dma_start3A_80, %dma_start3A_84] : memref<2x128xi32, #tpu.memory_space<vmem>> -> memref<1x128xi32, #tpu.memory_space<vmem>>
      %dma_start3A_86 = tpu.memref_squeeze %dma_start3A_85 : memref<1x128xi32, #tpu.memory_space<vmem>> -> memref<128xi32, #tpu.memory_space<vmem>>
      %dma_start3A_87 = arith.constant 0 : i32
      %dma_start3A_88 = arith.constant 0 : i32
      %dma_start3A_89 = tpu.memref_slice %arg5[%dma_start3A_87, %dma_start3A_88] : memref<100000x256xf32, #tpu.memory_space<hbm>> -> memref<100000x256xf32, #tpu.memory_space<hbm>>
      tpu.enqueue_indirect_dma source(%dma_start3A_89 : memref<100000x256xf32, #tpu.memory_space<hbm>>) target(%dma_start3A_83 : memref<128x256xf32, #tpu.memory_space<vmem>>) offsets(%dma_start3A_86 : memref<128xi32, #tpu.memory_space<vmem>>) semaphore(%arg18 : memref<!tpu.dma_semaphore, #tpu.memory_space<semaphore_mem>>)
      %lt3A = arith.constant 3 : i32
      %lt3A_90 = arith.cmpi slt, %scan3A_39, %lt3A : i32
      %convert_element_type3A = arith.extui %lt3A_90 : i1 to i32
      %cond3A = arith.constant 0 : i32
      %cond3A_91 = arith.cmpi ne, %convert_element_type3A, %cond3A : i32
      scf.if %cond3A_91 {
        %add3A_120 = arith.constant 1 : i32
        %add3A_121 = arith.addi %scan3A_39, %add3A_120 : i32
        %mul3A_122 = arith.constant 8 : i32
        %mul3A_123 = arith.muli %add3A_121, %mul3A_122 : i32
        %add3A_124 = arith.addi %mul3A_2, %mul3A_123 : i32
        "tpu.region"() ({
          %run_scoped3A = tpu.sem_alloc : memref<!tpu.dma_semaphore, #tpu.memory_space<semaphore_mem>>
          %dma_start3A_152 = arith.constant 0 : i32
          %dma_start3A_153 = tpu.memref_slice %arg3[%add3A_124, %dma_start3A_152] : memref<1024x32xi32, #tpu.memory_space<hbm>> -> memref<8x32xi32, #tpu.memory_space<hbm>>
          %dma_start3A_154 = arith.constant 0 : i32
          %dma_start3A_155 = tpu.memref_slice %arg3[%add3A_124, %dma_start3A_154] : memref<1024x32xi32, #tpu.memory_space<hbm>> -> memref<8x32xi32, #tpu.memory_space<hbm>>
          tpu.enqueue_dma source(%dma_start3A_155 : memref<8x32xi32, #tpu.memory_space<hbm>>) target(%arg7 : memref<8x32xi32, #tpu.memory_space<vmem>>) target_semaphore(%run_scoped3A : memref<!tpu.dma_semaphore, #tpu.memory_space<semaphore_mem>>)
          %dma_wait3A_156 = arith.constant 0 : i32
          %dma_wait3A_157 = tpu.memref_slice %arg3[%add3A_124, %dma_wait3A_156] : memref<1024x32xi32, #tpu.memory_space<hbm>> -> memref<8x32xi32, #tpu.memory_space<hbm>>
          %dma_wait3A_158 = arith.constant 0 : i32
          %dma_wait3A_159 = tpu.memref_slice %arg3[%add3A_124, %dma_wait3A_158] : memref<1024x32xi32, #tpu.memory_space<hbm>> -> memref<8x32xi32, #tpu.memory_space<hbm>>
          tpu.wait_dma2 semaphore(%run_scoped3A : memref<!tpu.dma_semaphore, #tpu.memory_space<semaphore_mem>>) src(%dma_wait3A_159 : memref<8x32xi32, #tpu.memory_space<hbm>>) dst(%arg7 : memref<8x32xi32, #tpu.memory_space<vmem>>)
          tpu.yield
        }) : () -> ()
        "tpu.region"() ({
          %run_scoped3A = tpu.sem_alloc : memref<!tpu.dma_semaphore, #tpu.memory_space<semaphore_mem>>
          %dma_start3A_152 = arith.constant 0 : i32
          %dma_start3A_153 = tpu.memref_slice %arg4[%add3A_124, %dma_start3A_152] : memref<1024x16xf32, #tpu.memory_space<hbm>> -> memref<8x16xf32, #tpu.memory_space<hbm>>
          %dma_start3A_154 = arith.constant 0 : i32
          %dma_start3A_155 = tpu.memref_slice %arg4[%add3A_124, %dma_start3A_154] : memref<1024x16xf32, #tpu.memory_space<hbm>> -> memref<8x16xf32, #tpu.memory_space<hbm>>
          tpu.enqueue_dma source(%dma_start3A_155 : memref<8x16xf32, #tpu.memory_space<hbm>>) target(%arg8 : memref<8x16xf32, #tpu.memory_space<vmem>>) target_semaphore(%run_scoped3A : memref<!tpu.dma_semaphore, #tpu.memory_space<semaphore_mem>>)
          %dma_wait3A_156 = arith.constant 0 : i32
          %dma_wait3A_157 = tpu.memref_slice %arg4[%add3A_124, %dma_wait3A_156] : memref<1024x16xf32, #tpu.memory_space<hbm>> -> memref<8x16xf32, #tpu.memory_space<hbm>>
          %dma_wait3A_158 = arith.constant 0 : i32
          %dma_wait3A_159 = tpu.memref_slice %arg4[%add3A_124, %dma_wait3A_158] : memref<1024x16xf32, #tpu.memory_space<hbm>> -> memref<8x16xf32, #tpu.memory_space<hbm>>
          tpu.wait_dma2 semaphore(%run_scoped3A : memref<!tpu.dma_semaphore, #tpu.memory_space<semaphore_mem>>) src(%dma_wait3A_159 : memref<8x16xf32, #tpu.memory_space<hbm>>) dst(%arg8 : memref<8x16xf32, #tpu.memory_space<vmem>>)
          tpu.yield
        }) : () -> ()
        %scan3A_125 = arith.constant 0 : i32
        %scan3A_126 = arith.constant 0 : i32
        %scan3A_127 = arith.constant 8 : i32
        %scan3A_128 = arith.addi %scan3A_126, %scan3A_127 : i32
        %scan3A_129 = arith.constant 1 : i32
        %scan3A_130 = scf.for %scan3A_152 = %scan3A_126 to %scan3A_128 step %scan3A_129 iter_args(%scan3A_153 = %scan3A_125) -> (i32)  : i32 {
          %get3A = arith.index_cast %scan3A_152 : i32 to index
          %get3A_154 = arith.constant 0 : index
          %get3A_155 = tpu.vector_load %arg7[%get3A, %get3A_154] {strides = array<i32>} : memref<8x32xi32, #tpu.memory_space<vmem>>, vector<16xi32>,
          %mul3A_156 = arith.constant 1024 : i32
          %mul3A_157 = vector.broadcast %mul3A_156 : i32 to vector<16xi32>
          %mul3A_158 = arith.muli %get3A_155, %mul3A_157 : vector<16xi32>
          %add3A_159 = arith.addi %add3A_124, %scan3A_152 : i32
          %add3A_160 = vector.broadcast %add3A_159 : i32 to vector<16xi32>
          %add3A_161 = arith.addi %mul3A_158, %add3A_160 : vector<16xi32>
          %mul3A_162 = arith.constant 32 : i32
          %mul3A_163 = arith.muli %scan3A_152, %mul3A_162 : i32
          %add3A_164 = arith.constant 0 : i32
          %add3A_165 = arith.addi %mul3A_163, %add3A_164 : i32
          %shift_right_arithmetic3A = arith.constant 7 : i32
          %shift_right_arithmetic3A_166 = arith.shrsi %add3A_165, %shift_right_arithmetic3A : i32
          %and3A = arith.constant 127 : i32
          %and3A_167 = arith.andi %add3A_165, %and3A : i32
          %swap3A = arith.index_cast %shift_right_arithmetic3A_166 : i32 to index
          %swap3A_168 = arith.index_cast %and3A_167 : i32 to index
          %swap3A_169 = tpu.vector_load %arg9[%swap3A, %swap3A_168] {strides = array<i32>} : memref<2x128xi32, #tpu.memory_space<vmem>>, vector<16xi32>,
          tpu.vector_store %arg9[%swap3A, %swap3A_168], %add3A_161 {strides = array<i32>} : memref<2x128xi32, #tpu.memory_space<vmem>>, vector<16xi32>,
          %get3A_170 = arith.index_cast %scan3A_152 : i32 to index
          %get3A_171 = arith.constant 16 : index
          %get3A_172 = tpu.vector_load %arg7[%get3A_170, %get3A_171] {strides = array<i32>} : memref<8x32xi32, #tpu.memory_space<vmem>>, vector<16xi32>,
          %mul3A_173 = arith.constant 1024 : i32
          %mul3A_174 = vector.broadcast %mul3A_173 : i32 to vector<16xi32>
          %mul3A_175 = arith.muli %get3A_172, %mul3A_174 : vector<16xi32>
          %add3A_176 = arith.addi %add3A_124, %scan3A_152 : i32
          %add3A_177 = vector.broadcast %add3A_176 : i32 to vector<16xi32>
          %add3A_178 = arith.addi %mul3A_175, %add3A_177 : vector<16xi32>
          %mul3A_179 = arith.constant 32 : i32
          %mul3A_180 = arith.muli %scan3A_152, %mul3A_179 : i32
          %add3A_181 = arith.constant 16 : i32
          %add3A_182 = arith.addi %mul3A_180, %add3A_181 : i32
          %shift_right_arithmetic3A_183 = arith.constant 7 : i32
          %shift_right_arithmetic3A_184 = arith.shrsi %add3A_182, %shift_right_arithmetic3A_183 : i32
          %and3A_185 = arith.constant 127 : i32
          %and3A_186 = arith.andi %add3A_182, %and3A_185 : i32
          %swap3A_187 = arith.index_cast %shift_right_arithmetic3A_184 : i32 to index
          %swap3A_188 = arith.index_cast %and3A_186 : i32 to index
          %swap3A_189 = tpu.vector_load %arg9[%swap3A_187, %swap3A_188] {strides = array<i32>} : memref<2x128xi32, #tpu.memory_space<vmem>>, vector<16xi32>,
          tpu.vector_store %arg9[%swap3A_187, %swap3A_188], %add3A_178 {strides = array<i32>} : memref<2x128xi32, #tpu.memory_space<vmem>>, vector<16xi32>,
          %scan3A_190 = arith.constant 0 : i32
          scf.yield %scan3A_190 : i32
        }
        %scan3A_131 = arith.constant 8 : i32
        %dma_start3A_132 = arith.constant 0 : i32
        %dma_start3A_133 = arith.constant 0 : i32
        %dma_start3A_134 = arith.constant 0 : i32
        %dma_start3A_135 = tpu.memref_slice %arg10[%dma_start3A_133, %dma_start3A_134] : memref<256x128xf32, #tpu.memory_space<vmem>> -> memref<128x128xf32, #tpu.memory_space<vmem>>
        %dma_start3A_136 = arith.constant 0 : i32
        %dma_start3A_137 = tpu.memref_slice %arg9[%dma_start3A_132, %dma_start3A_136] : memref<2x128xi32, #tpu.memory_space<vmem>> -> memref<1x128xi32, #tpu.memory_space<vmem>>
        %dma_start3A_138 = tpu.memref_squeeze %dma_start3A_137 : memref<1x128xi32, #tpu.memory_space<vmem>> -> memref<128xi32, #tpu.memory_space<vmem>>
        %dma_start3A_139 = arith.constant 0 : i32
        %dma_start3A_140 = arith.constant 0 : i32
        %dma_start3A_141 = tpu.memref_slice %arg2[%dma_start3A_139, %dma_start3A_140] : memref<802816x128xf32, #tpu.memory_space<hbm>> -> memref<802816x128xf32, #tpu.memory_space<hbm>>
        tpu.enqueue_indirect_dma source(%dma_start3A_141 : memref<802816x128xf32, #tpu.memory_space<hbm>>) target(%dma_start3A_135 : memref<128x128xf32, #tpu.memory_space<vmem>>) offsets(%dma_start3A_138 : memref<128xi32, #tpu.memory_space<vmem>>) semaphore(%arg17 : memref<!tpu.dma_semaphore, #tpu.memory_space<semaphore_mem>>)
        %dma_start3A_142 = arith.constant 1 : i32
        %dma_start3A_143 = arith.constant 128 : i32
        %dma_start3A_144 = arith.constant 0 : i32
        %dma_start3A_145 = tpu.memref_slice %arg10[%dma_start3A_143, %dma_start3A_144] : memref<256x128xf32, #tpu.memory_space<vmem>> -> memref<128x128xf32, #tpu.memory_space<vmem>>
        %dma_start3A_146 = arith.constant 0 : i32
        %dma_start3A_147 = tpu.memref_slice %arg9[%dma_start3A_142, %dma_start3A_146] : memref<2x128xi32, #tpu.memory_space<vmem>> -> memref<1x128xi32, #tpu.memory_space<vmem>>
        %dma_start3A_148 = tpu.memref_squeeze %dma_start3A_147 : memref<1x128xi32, #tpu.memory_space<vmem>> -> memref<128xi32, #tpu.memory_space<vmem>>
        %dma_start3A_149 = arith.constant 0 : i32
        %dma_start3A_150 = arith.constant 0 : i32
        %dma_start3A_151 = tpu.memref_slice %arg2[%dma_start3A_149, %dma_start3A_150] : memref<802816x128xf32, #tpu.memory_space<hbm>> -> memref<802816x128xf32, #tpu.memory_space<hbm>>
        tpu.enqueue_indirect_dma source(%dma_start3A_151 : memref<802816x128xf32, #tpu.memory_space<hbm>>) target(%dma_start3A_145 : memref<128x128xf32, #tpu.memory_space<vmem>>) offsets(%dma_start3A_148 : memref<128xi32, #tpu.memory_space<vmem>>) semaphore(%arg17 : memref<!tpu.dma_semaphore, #tpu.memory_space<semaphore_mem>>)
      } else {
      }
      %dma_wait3A_92 = arith.constant 0 : i32
      %dma_wait3A_93 = arith.constant 0 : i32
      %dma_wait3A_94 = arith.constant 0 : i32
      %dma_wait3A_95 = tpu.memref_slice %arg15[%dma_wait3A_93, %dma_wait3A_94] : memref<256x256xf32, #tpu.memory_space<vmem>> -> memref<128x256xf32, #tpu.memory_space<vmem>>
      %dma_wait3A_96 = arith.constant 0 : i32
      %dma_wait3A_97 = tpu.memref_slice %arg14[%dma_wait3A_92, %dma_wait3A_96] : memref<2x128xi32, #tpu.memory_space<vmem>> -> memref<1x128xi32, #tpu.memory_space<vmem>>
      %dma_wait3A_98 = tpu.memref_squeeze %dma_wait3A_97 : memref<1x128xi32, #tpu.memory_space<vmem>> -> memref<128xi32, #tpu.memory_space<vmem>>
      %dma_wait3A_99 = arith.constant 0 : i32
      %dma_wait3A_100 = arith.constant 0 : i32
      %dma_wait3A_101 = tpu.memref_slice %arg5[%dma_wait3A_99, %dma_wait3A_100] : memref<100000x256xf32, #tpu.memory_space<hbm>> -> memref<100000x256xf32, #tpu.memory_space<hbm>>
      tpu.wait_indirect_dma semaphore(%arg18 : memref<!tpu.dma_semaphore, #tpu.memory_space<semaphore_mem>>) src(%dma_wait3A_101 : memref<100000x256xf32, #tpu.memory_space<hbm>>) dst(%dma_wait3A_95 : memref<128x256xf32, #tpu.memory_space<vmem>>)
      %dma_wait3A_102 = arith.constant 1 : i32
      %dma_wait3A_103 = arith.constant 128 : i32
      %dma_wait3A_104 = arith.constant 0 : i32
      %dma_wait3A_105 = tpu.memref_slice %arg15[%dma_wait3A_103, %dma_wait3A_104] : memref<256x256xf32, #tpu.memory_space<vmem>> -> memref<128x256xf32, #tpu.memory_space<vmem>>
      %dma_wait3A_106 = arith.constant 0 : i32
      %dma_wait3A_107 = tpu.memref_slice %arg14[%dma_wait3A_102, %dma_wait3A_106] : memref<2x128xi32, #tpu.memory_space<vmem>> -> memref<1x128xi32, #tpu.memory_space<vmem>>
      %dma_wait3A_108 = tpu.memref_squeeze %dma_wait3A_107 : memref<1x128xi32, #tpu.memory_space<vmem>> -> memref<128xi32, #tpu.memory_space<vmem>>
      %dma_wait3A_109 = arith.constant 0 : i32
      %dma_wait3A_110 = arith.constant 0 : i32
      %dma_wait3A_111 = tpu.memref_slice %arg5[%dma_wait3A_109, %dma_wait3A_110] : memref<100000x256xf32, #tpu.memory_space<hbm>> -> memref<100000x256xf32, #tpu.memory_space<hbm>>
      tpu.wait_indirect_dma semaphore(%arg18 : memref<!tpu.dma_semaphore, #tpu.memory_space<semaphore_mem>>) src(%dma_wait3A_111 : memref<100000x256xf32, #tpu.memory_space<hbm>>) dst(%dma_wait3A_105 : memref<128x256xf32, #tpu.memory_space<vmem>>)
      %scan3A_112 = arith.constant 0 : i32
      %scan3A_113 = arith.constant 0 : i32
      %scan3A_114 = arith.constant 8 : i32
      %scan3A_115 = arith.addi %scan3A_113, %scan3A_114 : i32
      %scan3A_116 = arith.constant 1 : i32
      %scan3A_117 = scf.for %scan3A_120 = %scan3A_113 to %scan3A_115 step %scan3A_116 iter_args(%scan3A_121 = %scan3A_112) -> (i32)  : i32 {
        %broadcast_in_dim3A = arith.constant 0.000000e+00 : f32
        %broadcast_in_dim3A_122 = vector.broadcast %broadcast_in_dim3A : f32 to vector<16xf32>
        %broadcast_in_dim3A_123 = arith.constant 0.000000e+00 : f32
        %broadcast_in_dim3A_124 = vector.broadcast %broadcast_in_dim3A_123 : f32 to vector<16xf32>
        %broadcast_in_dim3A_125 = arith.constant 0.000000e+00 : f32
        %broadcast_in_dim3A_126 = vector.broadcast %broadcast_in_dim3A_125 : f32 to vector<16xf32>
        %broadcast_in_dim3A_127 = arith.constant 0.000000e+00 : f32
        %broadcast_in_dim3A_128 = vector.broadcast %broadcast_in_dim3A_127 : f32 to vector<16xf32>
        %broadcast_in_dim3A_129 = arith.constant 0.000000e+00 : f32
        %broadcast_in_dim3A_130 = vector.broadcast %broadcast_in_dim3A_129 : f32 to vector<16xf32>
        %broadcast_in_dim3A_131 = arith.constant 0.000000e+00 : f32
        %broadcast_in_dim3A_132 = vector.broadcast %broadcast_in_dim3A_131 : f32 to vector<16xf32>
        %broadcast_in_dim3A_133 = arith.constant 0.000000e+00 : f32
        %broadcast_in_dim3A_134 = vector.broadcast %broadcast_in_dim3A_133 : f32 to vector<16xf32>
        %broadcast_in_dim3A_135 = arith.constant 0.000000e+00 : f32
        %broadcast_in_dim3A_136 = vector.broadcast %broadcast_in_dim3A_135 : f32 to vector<16xf32>
        %broadcast_in_dim3A_137 = arith.constant 0.000000e+00 : f32
        %broadcast_in_dim3A_138 = vector.broadcast %broadcast_in_dim3A_137 : f32 to vector<16xf32>
        %broadcast_in_dim3A_139 = arith.constant 0.000000e+00 : f32
        %broadcast_in_dim3A_140 = vector.broadcast %broadcast_in_dim3A_139 : f32 to vector<16xf32>
        %broadcast_in_dim3A_141 = arith.constant 0.000000e+00 : f32
        %broadcast_in_dim3A_142 = vector.broadcast %broadcast_in_dim3A_141 : f32 to vector<16xf32>
        %broadcast_in_dim3A_143 = arith.constant 0.000000e+00 : f32
        %broadcast_in_dim3A_144 = vector.broadcast %broadcast_in_dim3A_143 : f32 to vector<16xf32>
        %broadcast_in_dim3A_145 = arith.constant 0.000000e+00 : f32
        %broadcast_in_dim3A_146 = vector.broadcast %broadcast_in_dim3A_145 : f32 to vector<16xf32>
        %broadcast_in_dim3A_147 = arith.constant 0.000000e+00 : f32
        %broadcast_in_dim3A_148 = vector.broadcast %broadcast_in_dim3A_147 : f32 to vector<16xf32>
        %broadcast_in_dim3A_149 = arith.constant 0.000000e+00 : f32
        %broadcast_in_dim3A_150 = vector.broadcast %broadcast_in_dim3A_149 : f32 to vector<16xf32>
        %broadcast_in_dim3A_151 = arith.constant 0.000000e+00 : f32
        %broadcast_in_dim3A_152 = vector.broadcast %broadcast_in_dim3A_151 : f32 to vector<16xf32>
        %scan3A_153 = arith.constant 0 : i32
        %scan3A_154 = arith.constant 32 : i32
        %scan3A_155 = arith.addi %scan3A_153, %scan3A_154 : i32
        %scan3A_156 = arith.constant 4 : i32
        %scan3A_157:16 = scf.for %scan3A_207 = %scan3A_153 to %scan3A_155 step %scan3A_156 iter_args(%scan3A_208 = %broadcast_in_dim3A_122, %scan3A_209 = %broadcast_in_dim3A_124, %scan3A_210 = %broadcast_in_dim3A_126, %scan3A_211 = %broadcast_in_dim3A_128, %scan3A_212 = %broadcast_in_dim3A_130, %scan3A_213 = %broadcast_in_dim3A_132, %scan3A_214 = %broadcast_in_dim3A_134, %scan3A_215 = %broadcast_in_dim3A_136, %scan3A_216 = %broadcast_in_dim3A_138, %scan3A_217 = %broadcast_in_dim3A_140, %scan3A_218 = %broadcast_in_dim3A_142, %scan3A_219 = %broadcast_in_dim3A_144, %scan3A_220 = %broadcast_in_dim3A_146, %scan3A_221 = %broadcast_in_dim3A_148, %scan3A_222 = %broadcast_in_dim3A_150, %scan3A_223 = %broadcast_in_dim3A_152) -> (vector<16xf32>, vector<16xf32>, vector<16xf32>, vector<16xf32>, vector<16xf32>, vector<16xf32>, vector<16xf32>, vector<16xf32>, vector<16xf32>, vector<16xf32>, vector<16xf32>, vector<16xf32>, vector<16xf32>, vector<16xf32>, vector<16xf32>, vector<16xf32>)  : i32 {
          %shift_right_arithmetic3A = arith.constant 4 : i32
          %shift_right_arithmetic3A_224 = arith.shrsi %scan3A_207, %shift_right_arithmetic3A : i32
          %mul3A_225 = arith.constant 16 : i32
          %mul3A_226 = arith.muli %shift_right_arithmetic3A_224, %mul3A_225 : i32
          %get3A = arith.index_cast %scan3A_120 : i32 to index
          %get3A_227 = arith.index_cast %mul3A_226 : i32 to index
          %get3A_228 = tpu.vector_load %arg13[%get3A, %get3A_227] {strides = array<i32>} : memref<8x32xf32, #tpu.memory_space<vmem>>, vector<16xf32>,
          %and3A = arith.constant 15 : i32
          %and3A_229 = arith.andi %scan3A_207, %and3A : i32
          %eq3A = vector.broadcast %and3A_229 : i32 to vector<16xi32>
          %eq3A_230 = arith.cmpi eq, %iota3A, %eq3A : vector<16xi32>
          %jit3A = arith.constant 0.000000e+00 : f32
          %broadcast_in_dim3A_231 = vector.broadcast %jit3A : f32 to vector<16xf32>
          %select_n3A = arith.select %eq3A_230, %get3A_228, %broadcast_in_dim3A_231 : vector<16xi1>, vector<16xf32>
          %reduce_sum3A = arith.constant true
          %reduce_sum3A_232 = vector.broadcast %reduce_sum3A : i1 to vector<16xi1>
          %reduce_sum3A_233 = tpu.scan <sum>, %select_n3A masked %reduce_sum3A_232 : vector<16xf32>, vector<16xi1> -> vector<16xf32>
          %reduce_sum3A_234 = vector.extract %reduce_sum3A_233[15] : f32 from vector<16xf32>
          %mul3A_235 = arith.constant 32 : i32
          %mul3A_236 = arith.muli %scan3A_120, %mul3A_235 : i32
          %add3A_237 = arith.addi %mul3A_236, %scan3A_207 : i32
          %get3A_238 = arith.index_cast %add3A_237 : i32 to index
          %get3A_239 = arith.constant 0 : index
          %get3A_240 = tpu.vector_load %arg15[%get3A_238, %get3A_239] {strides = array<i32>} : memref<256x256xf32, #tpu.memory_space<vmem>>, vector<16xf32>,
          %mul3A_241 = vector.broadcast %reduce_sum3A_234 : f32 to vector<16xf32>
          %mul3A_242 = arith.mulf %mul3A_241, %get3A_240 : vector<16xf32>
          %add3A_243 = arith.addf %scan3A_208, %mul3A_242 : vector<16xf32>
          %get3A_244 = arith.index_cast %add3A_237 : i32 to index
          %get3A_245 = arith.constant 16 : index
          %get3A_246 = tpu.vector_load %arg15[%get3A_244, %get3A_245] {strides = array<i32>} : memref<256x256xf32, #tpu.memory_space<vmem>>, vector<16xf32>,
          %mul3A_247 = vector.broadcast %reduce_sum3A_234 : f32 to vector<16xf32>
          %mul3A_248 = arith.mulf %mul3A_247, %get3A_246 : vector<16xf32>
          %add3A_249 = arith.addf %scan3A_209, %mul3A_248 : vector<16xf32>
          %get3A_250 = arith.index_cast %add3A_237 : i32 to index
          %get3A_251 = arith.constant 32 : index
          %get3A_252 = tpu.vector_load %arg15[%get3A_250, %get3A_251] {strides = array<i32>} : memref<256x256xf32, #tpu.memory_space<vmem>>, vector<16xf32>,
          %mul3A_253 = vector.broadcast %reduce_sum3A_234 : f32 to vector<16xf32>
          %mul3A_254 = arith.mulf %mul3A_253, %get3A_252 : vector<16xf32>
          %add3A_255 = arith.addf %scan3A_210, %mul3A_254 : vector<16xf32>
          %get3A_256 = arith.index_cast %add3A_237 : i32 to index
          %get3A_257 = arith.constant 48 : index
          %get3A_258 = tpu.vector_load %arg15[%get3A_256, %get3A_257] {strides = array<i32>} : memref<256x256xf32, #tpu.memory_space<vmem>>, vector<16xf32>,
          %mul3A_259 = vector.broadcast %reduce_sum3A_234 : f32 to vector<16xf32>
          %mul3A_260 = arith.mulf %mul3A_259, %get3A_258 : vector<16xf32>
          %add3A_261 = arith.addf %scan3A_211, %mul3A_260 : vector<16xf32>
          %get3A_262 = arith.index_cast %add3A_237 : i32 to index
          %get3A_263 = arith.constant 64 : index
          %get3A_264 = tpu.vector_load %arg15[%get3A_262, %get3A_263] {strides = array<i32>} : memref<256x256xf32, #tpu.memory_space<vmem>>, vector<16xf32>,
          %mul3A_265 = vector.broadcast %reduce_sum3A_234 : f32 to vector<16xf32>
          %mul3A_266 = arith.mulf %mul3A_265, %get3A_264 : vector<16xf32>
          %add3A_267 = arith.addf %scan3A_212, %mul3A_266 : vector<16xf32>
          %get3A_268 = arith.index_cast %add3A_237 : i32 to index
          %get3A_269 = arith.constant 80 : index
          %get3A_270 = tpu.vector_load %arg15[%get3A_268, %get3A_269] {strides = array<i32>} : memref<256x256xf32, #tpu.memory_space<vmem>>, vector<16xf32>,
          %mul3A_271 = vector.broadcast %reduce_sum3A_234 : f32 to vector<16xf32>
          %mul3A_272 = arith.mulf %mul3A_271, %get3A_270 : vector<16xf32>
          %add3A_273 = arith.addf %scan3A_213, %mul3A_272 : vector<16xf32>
          %get3A_274 = arith.index_cast %add3A_237 : i32 to index
          %get3A_275 = arith.constant 96 : index
          %get3A_276 = tpu.vector_load %arg15[%get3A_274, %get3A_275] {strides = array<i32>} : memref<256x256xf32, #tpu.memory_space<vmem>>, vector<16xf32>,
          %mul3A_277 = vector.broadcast %reduce_sum3A_234 : f32 to vector<16xf32>
          %mul3A_278 = arith.mulf %mul3A_277, %get3A_276 : vector<16xf32>
          %add3A_279 = arith.addf %scan3A_214, %mul3A_278 : vector<16xf32>
          %get3A_280 = arith.index_cast %add3A_237 : i32 to index
          %get3A_281 = arith.constant 112 : index
          %get3A_282 = tpu.vector_load %arg15[%get3A_280, %get3A_281] {strides = array<i32>} : memref<256x256xf32, #tpu.memory_space<vmem>>, vector<16xf32>,
          %mul3A_283 = vector.broadcast %reduce_sum3A_234 : f32 to vector<16xf32>
          %mul3A_284 = arith.mulf %mul3A_283, %get3A_282 : vector<16xf32>
          %add3A_285 = arith.addf %scan3A_215, %mul3A_284 : vector<16xf32>
          %get3A_286 = arith.index_cast %add3A_237 : i32 to index
          %get3A_287 = arith.constant 128 : index
          %get3A_288 = tpu.vector_load %arg15[%get3A_286, %get3A_287] {strides = array<i32>} : memref<256x256xf32, #tpu.memory_space<vmem>>, vector<16xf32>,
          %mul3A_289 = vector.broadcast %reduce_sum3A_234 : f32 to vector<16xf32>
          %mul3A_290 = arith.mulf %mul3A_289, %get3A_288 : vector<16xf32>
          %add3A_291 = arith.addf %scan3A_216, %mul3A_290 : vector<16xf32>
          %get3A_292 = arith.index_cast %add3A_237 : i32 to index
          %get3A_293 = arith.constant 144 : index
          %get3A_294 = tpu.vector_load %arg15[%get3A_292, %get3A_293] {strides = array<i32>} : memref<256x256xf32, #tpu.memory_space<vmem>>, vector<16xf32>,
          %mul3A_295 = vector.broadcast %reduce_sum3A_234 : f32 to vector<16xf32>
          %mul3A_296 = arith.mulf %mul3A_295, %get3A_294 : vector<16xf32>
          %add3A_297 = arith.addf %scan3A_217, %mul3A_296 : vector<16xf32>
          %get3A_298 = arith.index_cast %add3A_237 : i32 to index
          %get3A_299 = arith.constant 160 : index
          %get3A_300 = tpu.vector_load %arg15[%get3A_298, %get3A_299] {strides = array<i32>} : memref<256x256xf32, #tpu.memory_space<vmem>>, vector<16xf32>,
          %mul3A_301 = vector.broadcast %reduce_sum3A_234 : f32 to vector<16xf32>
          %mul3A_302 = arith.mulf %mul3A_301, %get3A_300 : vector<16xf32>
          %add3A_303 = arith.addf %scan3A_218, %mul3A_302 : vector<16xf32>
          %get3A_304 = arith.index_cast %add3A_237 : i32 to index
          %get3A_305 = arith.constant 176 : index
          %get3A_306 = tpu.vector_load %arg15[%get3A_304, %get3A_305] {strides = array<i32>} : memref<256x256xf32, #tpu.memory_space<vmem>>, vector<16xf32>,
          %mul3A_307 = vector.broadcast %reduce_sum3A_234 : f32 to vector<16xf32>
          %mul3A_308 = arith.mulf %mul3A_307, %get3A_306 : vector<16xf32>
          %add3A_309 = arith.addf %scan3A_219, %mul3A_308 : vector<16xf32>
          %get3A_310 = arith.index_cast %add3A_237 : i32 to index
          %get3A_311 = arith.constant 192 : index
          %get3A_312 = tpu.vector_load %arg15[%get3A_310, %get3A_311] {strides = array<i32>} : memref<256x256xf32, #tpu.memory_space<vmem>>, vector<16xf32>,
          %mul3A_313 = vector.broadcast %reduce_sum3A_234 : f32 to vector<16xf32>
          %mul3A_314 = arith.mulf %mul3A_313, %get3A_312 : vector<16xf32>
          %add3A_315 = arith.addf %scan3A_220, %mul3A_314 : vector<16xf32>
          %get3A_316 = arith.index_cast %add3A_237 : i32 to index
          %get3A_317 = arith.constant 208 : index
          %get3A_318 = tpu.vector_load %arg15[%get3A_316, %get3A_317] {strides = array<i32>} : memref<256x256xf32, #tpu.memory_space<vmem>>, vector<16xf32>,
          %mul3A_319 = vector.broadcast %reduce_sum3A_234 : f32 to vector<16xf32>
          %mul3A_320 = arith.mulf %mul3A_319, %get3A_318 : vector<16xf32>
          %add3A_321 = arith.addf %scan3A_221, %mul3A_320 : vector<16xf32>
          %get3A_322 = arith.index_cast %add3A_237 : i32 to index
          %get3A_323 = arith.constant 224 : index
          %get3A_324 = tpu.vector_load %arg15[%get3A_322, %get3A_323] {strides = array<i32>} : memref<256x256xf32, #tpu.memory_space<vmem>>, vector<16xf32>,
          %mul3A_325 = vector.broadcast %reduce_sum3A_234 : f32 to vector<16xf32>
          %mul3A_326 = arith.mulf %mul3A_325, %get3A_324 : vector<16xf32>
          %add3A_327 = arith.addf %scan3A_222, %mul3A_326 : vector<16xf32>
          %get3A_328 = arith.index_cast %add3A_237 : i32 to index
          %get3A_329 = arith.constant 240 : index
          %get3A_330 = tpu.vector_load %arg15[%get3A_328, %get3A_329] {strides = array<i32>} : memref<256x256xf32, #tpu.memory_space<vmem>>, vector<16xf32>,
          %mul3A_331 = vector.broadcast %reduce_sum3A_234 : f32 to vector<16xf32>
          %mul3A_332 = arith.mulf %mul3A_331, %get3A_330 : vector<16xf32>
          %add3A_333 = arith.addf %scan3A_223, %mul3A_332 : vector<16xf32>
          %scan3A_334 = arith.constant 1 : i32
          %scan3A_335 = arith.addi %scan3A_207, %scan3A_334 : i32
          %shift_right_arithmetic3A_336 = arith.constant 4 : i32
          %shift_right_arithmetic3A_337 = arith.shrsi %scan3A_335, %shift_right_arithmetic3A_336 : i32
          %mul3A_338 = arith.constant 16 : i32
          %mul3A_339 = arith.muli %shift_right_arithmetic3A_337, %mul3A_338 : i32
          %get3A_340 = arith.index_cast %scan3A_120 : i32 to index
          %get3A_341 = arith.index_cast %mul3A_339 : i32 to index
          %get3A_342 = tpu.vector_load %arg13[%get3A_340, %get3A_341] {strides = array<i32>} : memref<8x32xf32, #tpu.memory_space<vmem>>, vector<16xf32>,
          %and3A_343 = arith.constant 15 : i32
          %and3A_344 = arith.andi %scan3A_335, %and3A_343 : i32
          %eq3A_345 = vector.broadcast %and3A_344 : i32 to vector<16xi32>
          %eq3A_346 = arith.cmpi eq, %iota3A, %eq3A_345 : vector<16xi32>
          %jit3A_347 = arith.constant 0.000000e+00 : f32
          %broadcast_in_dim3A_348 = vector.broadcast %jit3A_347 : f32 to vector<16xf32>
          %select_n3A_349 = arith.select %eq3A_346, %get3A_342, %broadcast_in_dim3A_348 : vector<16xi1>, vector<16xf32>
          %reduce_sum3A_350 = arith.constant true
          %reduce_sum3A_351 = vector.broadcast %reduce_sum3A_350 : i1 to vector<16xi1>
          %reduce_sum3A_352 = tpu.scan <sum>, %select_n3A_349 masked %reduce_sum3A_351 : vector<16xf32>, vector<16xi1> -> vector<16xf32>
          %reduce_sum3A_353 = vector.extract %reduce_sum3A_352[15] : f32 from vector<16xf32>
          %mul3A_354 = arith.constant 32 : i32
          %mul3A_355 = arith.muli %scan3A_120, %mul3A_354 : i32
          %add3A_356 = arith.addi %mul3A_355, %scan3A_335 : i32
          %get3A_357 = arith.index_cast %add3A_356 : i32 to index
          %get3A_358 = arith.constant 0 : index
          %get3A_359 = tpu.vector_load %arg15[%get3A_357, %get3A_358] {strides = array<i32>} : memref<256x256xf32, #tpu.memory_space<vmem>>, vector<16xf32>,
          %mul3A_360 = vector.broadcast %reduce_sum3A_353 : f32 to vector<16xf32>
          %mul3A_361 = arith.mulf %mul3A_360, %get3A_359 : vector<16xf32>
          %add3A_362 = arith.addf %add3A_243, %mul3A_361 : vector<16xf32>
          %get3A_363 = arith.index_cast %add3A_356 : i32 to index
          %get3A_364 = arith.constant 16 : index
          %get3A_365 = tpu.vector_load %arg15[%get3A_363, %get3A_364] {strides = array<i32>} : memref<256x256xf32, #tpu.memory_space<vmem>>, vector<16xf32>,
          %mul3A_366 = vector.broadcast %reduce_sum3A_353 : f32 to vector<16xf32>
          %mul3A_367 = arith.mulf %mul3A_366, %get3A_365 : vector<16xf32>
          %add3A_368 = arith.addf %add3A_249, %mul3A_367 : vector<16xf32>
          %get3A_369 = arith.index_cast %add3A_356 : i32 to index
          %get3A_370 = arith.constant 32 : index
          %get3A_371 = tpu.vector_load %arg15[%get3A_369, %get3A_370] {strides = array<i32>} : memref<256x256xf32, #tpu.memory_space<vmem>>, vector<16xf32>,
          %mul3A_372 = vector.broadcast %reduce_sum3A_353 : f32 to vector<16xf32>
          %mul3A_373 = arith.mulf %mul3A_372, %get3A_371 : vector<16xf32>
          %add3A_374 = arith.addf %add3A_255, %mul3A_373 : vector<16xf32>
          %get3A_375 = arith.index_cast %add3A_356 : i32 to index
          %get3A_376 = arith.constant 48 : index
          %get3A_377 = tpu.vector_load %arg15[%get3A_375, %get3A_376] {strides = array<i32>} : memref<256x256xf32, #tpu.memory_space<vmem>>, vector<16xf32>,
          %mul3A_378 = vector.broadcast %reduce_sum3A_353 : f32 to vector<16xf32>
          %mul3A_379 = arith.mulf %mul3A_378, %get3A_377 : vector<16xf32>
          %add3A_380 = arith.addf %add3A_261, %mul3A_379 : vector<16xf32>
          %get3A_381 = arith.index_cast %add3A_356 : i32 to index
          %get3A_382 = arith.constant 64 : index
          %get3A_383 = tpu.vector_load %arg15[%get3A_381, %get3A_382] {strides = array<i32>} : memref<256x256xf32, #tpu.memory_space<vmem>>, vector<16xf32>,
          %mul3A_384 = vector.broadcast %reduce_sum3A_353 : f32 to vector<16xf32>
          %mul3A_385 = arith.mulf %mul3A_384, %get3A_383 : vector<16xf32>
          %add3A_386 = arith.addf %add3A_267, %mul3A_385 : vector<16xf32>
          %get3A_387 = arith.index_cast %add3A_356 : i32 to index
          %get3A_388 = arith.constant 80 : index
          %get3A_389 = tpu.vector_load %arg15[%get3A_387, %get3A_388] {strides = array<i32>} : memref<256x256xf32, #tpu.memory_space<vmem>>, vector<16xf32>,
          %mul3A_390 = vector.broadcast %reduce_sum3A_353 : f32 to vector<16xf32>
          %mul3A_391 = arith.mulf %mul3A_390, %get3A_389 : vector<16xf32>
          %add3A_392 = arith.addf %add3A_273, %mul3A_391 : vector<16xf32>
          %get3A_393 = arith.index_cast %add3A_356 : i32 to index
          %get3A_394 = arith.constant 96 : index
          %get3A_395 = tpu.vector_load %arg15[%get3A_393, %get3A_394] {strides = array<i32>} : memref<256x256xf32, #tpu.memory_space<vmem>>, vector<16xf32>,
          %mul3A_396 = vector.broadcast %reduce_sum3A_353 : f32 to vector<16xf32>
          %mul3A_397 = arith.mulf %mul3A_396, %get3A_395 : vector<16xf32>
          %add3A_398 = arith.addf %add3A_279, %mul3A_397 : vector<16xf32>
          %get3A_399 = arith.index_cast %add3A_356 : i32 to index
          %get3A_400 = arith.constant 112 : index
          %get3A_401 = tpu.vector_load %arg15[%get3A_399, %get3A_400] {strides = array<i32>} : memref<256x256xf32, #tpu.memory_space<vmem>>, vector<16xf32>,
          %mul3A_402 = vector.broadcast %reduce_sum3A_353 : f32 to vector<16xf32>
          %mul3A_403 = arith.mulf %mul3A_402, %get3A_401 : vector<16xf32>
          %add3A_404 = arith.addf %add3A_285, %mul3A_403 : vector<16xf32>
          %get3A_405 = arith.index_cast %add3A_356 : i32 to index
          %get3A_406 = arith.constant 128 : index
          %get3A_407 = tpu.vector_load %arg15[%get3A_405, %get3A_406] {strides = array<i32>} : memref<256x256xf32, #tpu.memory_space<vmem>>, vector<16xf32>,
          %mul3A_408 = vector.broadcast %reduce_sum3A_353 : f32 to vector<16xf32>
          %mul3A_409 = arith.mulf %mul3A_408, %get3A_407 : vector<16xf32>
          %add3A_410 = arith.addf %add3A_291, %mul3A_409 : vector<16xf32>
          %get3A_411 = arith.index_cast %add3A_356 : i32 to index
          %get3A_412 = arith.constant 144 : index
          %get3A_413 = tpu.vector_load %arg15[%get3A_411, %get3A_412] {strides = array<i32>} : memref<256x256xf32, #tpu.memory_space<vmem>>, vector<16xf32>,
          %mul3A_414 = vector.broadcast %reduce_sum3A_353 : f32 to vector<16xf32>
          %mul3A_415 = arith.mulf %mul3A_414, %get3A_413 : vector<16xf32>
          %add3A_416 = arith.addf %add3A_297, %mul3A_415 : vector<16xf32>
          %get3A_417 = arith.index_cast %add3A_356 : i32 to index
          %get3A_418 = arith.constant 160 : index
          %get3A_419 = tpu.vector_load %arg15[%get3A_417, %get3A_418] {strides = array<i32>} : memref<256x256xf32, #tpu.memory_space<vmem>>, vector<16xf32>,
          %mul3A_420 = vector.broadcast %reduce_sum3A_353 : f32 to vector<16xf32>
          %mul3A_421 = arith.mulf %mul3A_420, %get3A_419 : vector<16xf32>
          %add3A_422 = arith.addf %add3A_303, %mul3A_421 : vector<16xf32>
          %get3A_423 = arith.index_cast %add3A_356 : i32 to index
          %get3A_424 = arith.constant 176 : index
          %get3A_425 = tpu.vector_load %arg15[%get3A_423, %get3A_424] {strides = array<i32>} : memref<256x256xf32, #tpu.memory_space<vmem>>, vector<16xf32>,
          %mul3A_426 = vector.broadcast %reduce_sum3A_353 : f32 to vector<16xf32>
          %mul3A_427 = arith.mulf %mul3A_426, %get3A_425 : vector<16xf32>
          %add3A_428 = arith.addf %add3A_309, %mul3A_427 : vector<16xf32>
          %get3A_429 = arith.index_cast %add3A_356 : i32 to index
          %get3A_430 = arith.constant 192 : index
          %get3A_431 = tpu.vector_load %arg15[%get3A_429, %get3A_430] {strides = array<i32>} : memref<256x256xf32, #tpu.memory_space<vmem>>, vector<16xf32>,
          %mul3A_432 = vector.broadcast %reduce_sum3A_353 : f32 to vector<16xf32>
          %mul3A_433 = arith.mulf %mul3A_432, %get3A_431 : vector<16xf32>
          %add3A_434 = arith.addf %add3A_315, %mul3A_433 : vector<16xf32>
          %get3A_435 = arith.index_cast %add3A_356 : i32 to index
          %get3A_436 = arith.constant 208 : index
          %get3A_437 = tpu.vector_load %arg15[%get3A_435, %get3A_436] {strides = array<i32>} : memref<256x256xf32, #tpu.memory_space<vmem>>, vector<16xf32>,
          %mul3A_438 = vector.broadcast %reduce_sum3A_353 : f32 to vector<16xf32>
          %mul3A_439 = arith.mulf %mul3A_438, %get3A_437 : vector<16xf32>
          %add3A_440 = arith.addf %add3A_321, %mul3A_439 : vector<16xf32>
          %get3A_441 = arith.index_cast %add3A_356 : i32 to index
          %get3A_442 = arith.constant 224 : index
          %get3A_443 = tpu.vector_load %arg15[%get3A_441, %get3A_442] {strides = array<i32>} : memref<256x256xf32, #tpu.memory_space<vmem>>, vector<16xf32>,
          %mul3A_444 = vector.broadcast %reduce_sum3A_353 : f32 to vector<16xf32>
          %mul3A_445 = arith.mulf %mul3A_444, %get3A_443 : vector<16xf32>
          %add3A_446 = arith.addf %add3A_327, %mul3A_445 : vector<16xf32>
          %get3A_447 = arith.index_cast %add3A_356 : i32 to index
          %get3A_448 = arith.constant 240 : index
          %get3A_449 = tpu.vector_load %arg15[%get3A_447, %get3A_448] {strides = array<i32>} : memref<256x256xf32, #tpu.memory_space<vmem>>, vector<16xf32>,
          %mul3A_450 = vector.broadcast %reduce_sum3A_353 : f32 to vector<16xf32>
          %mul3A_451 = arith.mulf %mul3A_450, %get3A_449 : vector<16xf32>
          %add3A_452 = arith.addf %add3A_333, %mul3A_451 : vector<16xf32>
          %scan3A_453 = arith.constant 2 : i32
          %scan3A_454 = arith.addi %scan3A_207, %scan3A_453 : i32
          %shift_right_arithmetic3A_455 = arith.constant 4 : i32
          %shift_right_arithmetic3A_456 = arith.shrsi %scan3A_454, %shift_right_arithmetic3A_455 : i32
          %mul3A_457 = arith.constant 16 : i32
          %mul3A_458 = arith.muli %shift_right_arithmetic3A_456, %mul3A_457 : i32
          %get3A_459 = arith.index_cast %scan3A_120 : i32 to index
          %get3A_460 = arith.index_cast %mul3A_458 : i32 to index
          %get3A_461 = tpu.vector_load %arg13[%get3A_459, %get3A_460] {strides = array<i32>} : memref<8x32xf32, #tpu.memory_space<vmem>>, vector<16xf32>,
          %and3A_462 = arith.constant 15 : i32
          %and3A_463 = arith.andi %scan3A_454, %and3A_462 : i32
          %eq3A_464 = vector.broadcast %and3A_463 : i32 to vector<16xi32>
          %eq3A_465 = arith.cmpi eq, %iota3A, %eq3A_464 : vector<16xi32>
          %jit3A_466 = arith.constant 0.000000e+00 : f32
          %broadcast_in_dim3A_467 = vector.broadcast %jit3A_466 : f32 to vector<16xf32>
          %select_n3A_468 = arith.select %eq3A_465, %get3A_461, %broadcast_in_dim3A_467 : vector<16xi1>, vector<16xf32>
          %reduce_sum3A_469 = arith.constant true
          %reduce_sum3A_470 = vector.broadcast %reduce_sum3A_469 : i1 to vector<16xi1>
          %reduce_sum3A_471 = tpu.scan <sum>, %select_n3A_468 masked %reduce_sum3A_470 : vector<16xf32>, vector<16xi1> -> vector<16xf32>
          %reduce_sum3A_472 = vector.extract %reduce_sum3A_471[15] : f32 from vector<16xf32>
          %mul3A_473 = arith.constant 32 : i32
          %mul3A_474 = arith.muli %scan3A_120, %mul3A_473 : i32
          %add3A_475 = arith.addi %mul3A_474, %scan3A_454 : i32
          %get3A_476 = arith.index_cast %add3A_475 : i32 to index
          %get3A_477 = arith.constant 0 : index
          %get3A_478 = tpu.vector_load %arg15[%get3A_476, %get3A_477] {strides = array<i32>} : memref<256x256xf32, #tpu.memory_space<vmem>>, vector<16xf32>,
          %mul3A_479 = vector.broadcast %reduce_sum3A_472 : f32 to vector<16xf32>
          %mul3A_480 = arith.mulf %mul3A_479, %get3A_478 : vector<16xf32>
          %add3A_481 = arith.addf %add3A_362, %mul3A_480 : vector<16xf32>
          %get3A_482 = arith.index_cast %add3A_475 : i32 to index
          %get3A_483 = arith.constant 16 : index
          %get3A_484 = tpu.vector_load %arg15[%get3A_482, %get3A_483] {strides = array<i32>} : memref<256x256xf32, #tpu.memory_space<vmem>>, vector<16xf32>,
          %mul3A_485 = vector.broadcast %reduce_sum3A_472 : f32 to vector<16xf32>
          %mul3A_486 = arith.mulf %mul3A_485, %get3A_484 : vector<16xf32>
          %add3A_487 = arith.addf %add3A_368, %mul3A_486 : vector<16xf32>
          %get3A_488 = arith.index_cast %add3A_475 : i32 to index
          %get3A_489 = arith.constant 32 : index
          %get3A_490 = tpu.vector_load %arg15[%get3A_488, %get3A_489] {strides = array<i32>} : memref<256x256xf32, #tpu.memory_space<vmem>>, vector<16xf32>,
          %mul3A_491 = vector.broadcast %reduce_sum3A_472 : f32 to vector<16xf32>
          %mul3A_492 = arith.mulf %mul3A_491, %get3A_490 : vector<16xf32>
          %add3A_493 = arith.addf %add3A_374, %mul3A_492 : vector<16xf32>
          %get3A_494 = arith.index_cast %add3A_475 : i32 to index
          %get3A_495 = arith.constant 48 : index
          %get3A_496 = tpu.vector_load %arg15[%get3A_494, %get3A_495] {strides = array<i32>} : memref<256x256xf32, #tpu.memory_space<vmem>>, vector<16xf32>,
          %mul3A_497 = vector.broadcast %reduce_sum3A_472 : f32 to vector<16xf32>
          %mul3A_498 = arith.mulf %mul3A_497, %get3A_496 : vector<16xf32>
          %add3A_499 = arith.addf %add3A_380, %mul3A_498 : vector<16xf32>
          %get3A_500 = arith.index_cast %add3A_475 : i32 to index
          %get3A_501 = arith.constant 64 : index
          %get3A_502 = tpu.vector_load %arg15[%get3A_500, %get3A_501] {strides = array<i32>} : memref<256x256xf32, #tpu.memory_space<vmem>>, vector<16xf32>,
          %mul3A_503 = vector.broadcast %reduce_sum3A_472 : f32 to vector<16xf32>
          %mul3A_504 = arith.mulf %mul3A_503, %get3A_502 : vector<16xf32>
          %add3A_505 = arith.addf %add3A_386, %mul3A_504 : vector<16xf32>
          %get3A_506 = arith.index_cast %add3A_475 : i32 to index
          %get3A_507 = arith.constant 80 : index
          %get3A_508 = tpu.vector_load %arg15[%get3A_506, %get3A_507] {strides = array<i32>} : memref<256x256xf32, #tpu.memory_space<vmem>>, vector<16xf32>,
          %mul3A_509 = vector.broadcast %reduce_sum3A_472 : f32 to vector<16xf32>
          %mul3A_510 = arith.mulf %mul3A_509, %get3A_508 : vector<16xf32>
          %add3A_511 = arith.addf %add3A_392, %mul3A_510 : vector<16xf32>
          %get3A_512 = arith.index_cast %add3A_475 : i32 to index
          %get3A_513 = arith.constant 96 : index
          %get3A_514 = tpu.vector_load %arg15[%get3A_512, %get3A_513] {strides = array<i32>} : memref<256x256xf32, #tpu.memory_space<vmem>>, vector<16xf32>,
          %mul3A_515 = vector.broadcast %reduce_sum3A_472 : f32 to vector<16xf32>
          %mul3A_516 = arith.mulf %mul3A_515, %get3A_514 : vector<16xf32>
          %add3A_517 = arith.addf %add3A_398, %mul3A_516 : vector<16xf32>
          %get3A_518 = arith.index_cast %add3A_475 : i32 to index
          %get3A_519 = arith.constant 112 : index
          %get3A_520 = tpu.vector_load %arg15[%get3A_518, %get3A_519] {strides = array<i32>} : memref<256x256xf32, #tpu.memory_space<vmem>>, vector<16xf32>,
          %mul3A_521 = vector.broadcast %reduce_sum3A_472 : f32 to vector<16xf32>
          %mul3A_522 = arith.mulf %mul3A_521, %get3A_520 : vector<16xf32>
          %add3A_523 = arith.addf %add3A_404, %mul3A_522 : vector<16xf32>
          %get3A_524 = arith.index_cast %add3A_475 : i32 to index
          %get3A_525 = arith.constant 128 : index
          %get3A_526 = tpu.vector_load %arg15[%get3A_524, %get3A_525] {strides = array<i32>} : memref<256x256xf32, #tpu.memory_space<vmem>>, vector<16xf32>,
          %mul3A_527 = vector.broadcast %reduce_sum3A_472 : f32 to vector<16xf32>
          %mul3A_528 = arith.mulf %mul3A_527, %get3A_526 : vector<16xf32>
          %add3A_529 = arith.addf %add3A_410, %mul3A_528 : vector<16xf32>
          %get3A_530 = arith.index_cast %add3A_475 : i32 to index
          %get3A_531 = arith.constant 144 : index
          %get3A_532 = tpu.vector_load %arg15[%get3A_530, %get3A_531] {strides = array<i32>} : memref<256x256xf32, #tpu.memory_space<vmem>>, vector<16xf32>,
          %mul3A_533 = vector.broadcast %reduce_sum3A_472 : f32 to vector<16xf32>
          %mul3A_534 = arith.mulf %mul3A_533, %get3A_532 : vector<16xf32>
          %add3A_535 = arith.addf %add3A_416, %mul3A_534 : vector<16xf32>
          %get3A_536 = arith.index_cast %add3A_475 : i32 to index
          %get3A_537 = arith.constant 160 : index
          %get3A_538 = tpu.vector_load %arg15[%get3A_536, %get3A_537] {strides = array<i32>} : memref<256x256xf32, #tpu.memory_space<vmem>>, vector<16xf32>,
          %mul3A_539 = vector.broadcast %reduce_sum3A_472 : f32 to vector<16xf32>
          %mul3A_540 = arith.mulf %mul3A_539, %get3A_538 : vector<16xf32>
          %add3A_541 = arith.addf %add3A_422, %mul3A_540 : vector<16xf32>
          %get3A_542 = arith.index_cast %add3A_475 : i32 to index
          %get3A_543 = arith.constant 176 : index
          %get3A_544 = tpu.vector_load %arg15[%get3A_542, %get3A_543] {strides = array<i32>} : memref<256x256xf32, #tpu.memory_space<vmem>>, vector<16xf32>,
          %mul3A_545 = vector.broadcast %reduce_sum3A_472 : f32 to vector<16xf32>
          %mul3A_546 = arith.mulf %mul3A_545, %get3A_544 : vector<16xf32>
          %add3A_547 = arith.addf %add3A_428, %mul3A_546 : vector<16xf32>
          %get3A_548 = arith.index_cast %add3A_475 : i32 to index
          %get3A_549 = arith.constant 192 : index
          %get3A_550 = tpu.vector_load %arg15[%get3A_548, %get3A_549] {strides = array<i32>} : memref<256x256xf32, #tpu.memory_space<vmem>>, vector<16xf32>,
          %mul3A_551 = vector.broadcast %reduce_sum3A_472 : f32 to vector<16xf32>
          %mul3A_552 = arith.mulf %mul3A_551, %get3A_550 : vector<16xf32>
          %add3A_553 = arith.addf %add3A_434, %mul3A_552 : vector<16xf32>
          %get3A_554 = arith.index_cast %add3A_475 : i32 to index
          %get3A_555 = arith.constant 208 : index
          %get3A_556 = tpu.vector_load %arg15[%get3A_554, %get3A_555] {strides = array<i32>} : memref<256x256xf32, #tpu.memory_space<vmem>>, vector<16xf32>,
          %mul3A_557 = vector.broadcast %reduce_sum3A_472 : f32 to vector<16xf32>
          %mul3A_558 = arith.mulf %mul3A_557, %get3A_556 : vector<16xf32>
          %add3A_559 = arith.addf %add3A_440, %mul3A_558 : vector<16xf32>
          %get3A_560 = arith.index_cast %add3A_475 : i32 to index
          %get3A_561 = arith.constant 224 : index
          %get3A_562 = tpu.vector_load %arg15[%get3A_560, %get3A_561] {strides = array<i32>} : memref<256x256xf32, #tpu.memory_space<vmem>>, vector<16xf32>,
          %mul3A_563 = vector.broadcast %reduce_sum3A_472 : f32 to vector<16xf32>
          %mul3A_564 = arith.mulf %mul3A_563, %get3A_562 : vector<16xf32>
          %add3A_565 = arith.addf %add3A_446, %mul3A_564 : vector<16xf32>
          %get3A_566 = arith.index_cast %add3A_475 : i32 to index
          %get3A_567 = arith.constant 240 : index
          %get3A_568 = tpu.vector_load %arg15[%get3A_566, %get3A_567] {strides = array<i32>} : memref<256x256xf32, #tpu.memory_space<vmem>>, vector<16xf32>,
          %mul3A_569 = vector.broadcast %reduce_sum3A_472 : f32 to vector<16xf32>
          %mul3A_570 = arith.mulf %mul3A_569, %get3A_568 : vector<16xf32>
          %add3A_571 = arith.addf %add3A_452, %mul3A_570 : vector<16xf32>
          %scan3A_572 = arith.constant 3 : i32
          %scan3A_573 = arith.addi %scan3A_207, %scan3A_572 : i32
          %shift_right_arithmetic3A_574 = arith.constant 4 : i32
          %shift_right_arithmetic3A_575 = arith.shrsi %scan3A_573, %shift_right_arithmetic3A_574 : i32
          %mul3A_576 = arith.constant 16 : i32
          %mul3A_577 = arith.muli %shift_right_arithmetic3A_575, %mul3A_576 : i32
          %get3A_578 = arith.index_cast %scan3A_120 : i32 to index
          %get3A_579 = arith.index_cast %mul3A_577 : i32 to index
          %get3A_580 = tpu.vector_load %arg13[%get3A_578, %get3A_579] {strides = array<i32>} : memref<8x32xf32, #tpu.memory_space<vmem>>, vector<16xf32>,
          %and3A_581 = arith.constant 15 : i32
          %and3A_582 = arith.andi %scan3A_573, %and3A_581 : i32
          %eq3A_583 = vector.broadcast %and3A_582 : i32 to vector<16xi32>
          %eq3A_584 = arith.cmpi eq, %iota3A, %eq3A_583 : vector<16xi32>
          %jit3A_585 = arith.constant 0.000000e+00 : f32
          %broadcast_in_dim3A_586 = vector.broadcast %jit3A_585 : f32 to vector<16xf32>
          %select_n3A_587 = arith.select %eq3A_584, %get3A_580, %broadcast_in_dim3A_586 : vector<16xi1>, vector<16xf32>
          %reduce_sum3A_588 = arith.constant true
          %reduce_sum3A_589 = vector.broadcast %reduce_sum3A_588 : i1 to vector<16xi1>
          %reduce_sum3A_590 = tpu.scan <sum>, %select_n3A_587 masked %reduce_sum3A_589 : vector<16xf32>, vector<16xi1> -> vector<16xf32>
          %reduce_sum3A_591 = vector.extract %reduce_sum3A_590[15] : f32 from vector<16xf32>
          %mul3A_592 = arith.constant 32 : i32
          %mul3A_593 = arith.muli %scan3A_120, %mul3A_592 : i32
          %add3A_594 = arith.addi %mul3A_593, %scan3A_573 : i32
          %get3A_595 = arith.index_cast %add3A_594 : i32 to index
          %get3A_596 = arith.constant 0 : index
          %get3A_597 = tpu.vector_load %arg15[%get3A_595, %get3A_596] {strides = array<i32>} : memref<256x256xf32, #tpu.memory_space<vmem>>, vector<16xf32>,
          %mul3A_598 = vector.broadcast %reduce_sum3A_591 : f32 to vector<16xf32>
          %mul3A_599 = arith.mulf %mul3A_598, %get3A_597 : vector<16xf32>
          %add3A_600 = arith.addf %add3A_481, %mul3A_599 : vector<16xf32>
          %get3A_601 = arith.index_cast %add3A_594 : i32 to index
          %get3A_602 = arith.constant 16 : index
          %get3A_603 = tpu.vector_load %arg15[%get3A_601, %get3A_602] {strides = array<i32>} : memref<256x256xf32, #tpu.memory_space<vmem>>, vector<16xf32>,
          %mul3A_604 = vector.broadcast %reduce_sum3A_591 : f32 to vector<16xf32>
          %mul3A_605 = arith.mulf %mul3A_604, %get3A_603 : vector<16xf32>
          %add3A_606 = arith.addf %add3A_487, %mul3A_605 : vector<16xf32>
          %get3A_607 = arith.index_cast %add3A_594 : i32 to index
          %get3A_608 = arith.constant 32 : index
          %get3A_609 = tpu.vector_load %arg15[%get3A_607, %get3A_608] {strides = array<i32>} : memref<256x256xf32, #tpu.memory_space<vmem>>, vector<16xf32>,
          %mul3A_610 = vector.broadcast %reduce_sum3A_591 : f32 to vector<16xf32>
          %mul3A_611 = arith.mulf %mul3A_610, %get3A_609 : vector<16xf32>
          %add3A_612 = arith.addf %add3A_493, %mul3A_611 : vector<16xf32>
          %get3A_613 = arith.index_cast %add3A_594 : i32 to index
          %get3A_614 = arith.constant 48 : index
          %get3A_615 = tpu.vector_load %arg15[%get3A_613, %get3A_614] {strides = array<i32>} : memref<256x256xf32, #tpu.memory_space<vmem>>, vector<16xf32>,
          %mul3A_616 = vector.broadcast %reduce_sum3A_591 : f32 to vector<16xf32>
          %mul3A_617 = arith.mulf %mul3A_616, %get3A_615 : vector<16xf32>
          %add3A_618 = arith.addf %add3A_499, %mul3A_617 : vector<16xf32>
          %get3A_619 = arith.index_cast %add3A_594 : i32 to index
          %get3A_620 = arith.constant 64 : index
          %get3A_621 = tpu.vector_load %arg15[%get3A_619, %get3A_620] {strides = array<i32>} : memref<256x256xf32, #tpu.memory_space<vmem>>, vector<16xf32>,
          %mul3A_622 = vector.broadcast %reduce_sum3A_591 : f32 to vector<16xf32>
          %mul3A_623 = arith.mulf %mul3A_622, %get3A_621 : vector<16xf32>
          %add3A_624 = arith.addf %add3A_505, %mul3A_623 : vector<16xf32>
          %get3A_625 = arith.index_cast %add3A_594 : i32 to index
          %get3A_626 = arith.constant 80 : index
          %get3A_627 = tpu.vector_load %arg15[%get3A_625, %get3A_626] {strides = array<i32>} : memref<256x256xf32, #tpu.memory_space<vmem>>, vector<16xf32>,
          %mul3A_628 = vector.broadcast %reduce_sum3A_591 : f32 to vector<16xf32>
          %mul3A_629 = arith.mulf %mul3A_628, %get3A_627 : vector<16xf32>
          %add3A_630 = arith.addf %add3A_511, %mul3A_629 : vector<16xf32>
          %get3A_631 = arith.index_cast %add3A_594 : i32 to index
          %get3A_632 = arith.constant 96 : index
          %get3A_633 = tpu.vector_load %arg15[%get3A_631, %get3A_632] {strides = array<i32>} : memref<256x256xf32, #tpu.memory_space<vmem>>, vector<16xf32>,
          %mul3A_634 = vector.broadcast %reduce_sum3A_591 : f32 to vector<16xf32>
          %mul3A_635 = arith.mulf %mul3A_634, %get3A_633 : vector<16xf32>
          %add3A_636 = arith.addf %add3A_517, %mul3A_635 : vector<16xf32>
          %get3A_637 = arith.index_cast %add3A_594 : i32 to index
          %get3A_638 = arith.constant 112 : index
          %get3A_639 = tpu.vector_load %arg15[%get3A_637, %get3A_638] {strides = array<i32>} : memref<256x256xf32, #tpu.memory_space<vmem>>, vector<16xf32>,
          %mul3A_640 = vector.broadcast %reduce_sum3A_591 : f32 to vector<16xf32>
          %mul3A_641 = arith.mulf %mul3A_640, %get3A_639 : vector<16xf32>
          %add3A_642 = arith.addf %add3A_523, %mul3A_641 : vector<16xf32>
          %get3A_643 = arith.index_cast %add3A_594 : i32 to index
          %get3A_644 = arith.constant 128 : index
          %get3A_645 = tpu.vector_load %arg15[%get3A_643, %get3A_644] {strides = array<i32>} : memref<256x256xf32, #tpu.memory_space<vmem>>, vector<16xf32>,
          %mul3A_646 = vector.broadcast %reduce_sum3A_591 : f32 to vector<16xf32>
          %mul3A_647 = arith.mulf %mul3A_646, %get3A_645 : vector<16xf32>
          %add3A_648 = arith.addf %add3A_529, %mul3A_647 : vector<16xf32>
          %get3A_649 = arith.index_cast %add3A_594 : i32 to index
          %get3A_650 = arith.constant 144 : index
          %get3A_651 = tpu.vector_load %arg15[%get3A_649, %get3A_650] {strides = array<i32>} : memref<256x256xf32, #tpu.memory_space<vmem>>, vector<16xf32>,
          %mul3A_652 = vector.broadcast %reduce_sum3A_591 : f32 to vector<16xf32>
          %mul3A_653 = arith.mulf %mul3A_652, %get3A_651 : vector<16xf32>
          %add3A_654 = arith.addf %add3A_535, %mul3A_653 : vector<16xf32>
          %get3A_655 = arith.index_cast %add3A_594 : i32 to index
          %get3A_656 = arith.constant 160 : index
          %get3A_657 = tpu.vector_load %arg15[%get3A_655, %get3A_656] {strides = array<i32>} : memref<256x256xf32, #tpu.memory_space<vmem>>, vector<16xf32>,
          %mul3A_658 = vector.broadcast %reduce_sum3A_591 : f32 to vector<16xf32>
          %mul3A_659 = arith.mulf %mul3A_658, %get3A_657 : vector<16xf32>
          %add3A_660 = arith.addf %add3A_541, %mul3A_659 : vector<16xf32>
          %get3A_661 = arith.index_cast %add3A_594 : i32 to index
          %get3A_662 = arith.constant 176 : index
          %get3A_663 = tpu.vector_load %arg15[%get3A_661, %get3A_662] {strides = array<i32>} : memref<256x256xf32, #tpu.memory_space<vmem>>, vector<16xf32>,
          %mul3A_664 = vector.broadcast %reduce_sum3A_591 : f32 to vector<16xf32>
          %mul3A_665 = arith.mulf %mul3A_664, %get3A_663 : vector<16xf32>
          %add3A_666 = arith.addf %add3A_547, %mul3A_665 : vector<16xf32>
          %get3A_667 = arith.index_cast %add3A_594 : i32 to index
          %get3A_668 = arith.constant 192 : index
          %get3A_669 = tpu.vector_load %arg15[%get3A_667, %get3A_668] {strides = array<i32>} : memref<256x256xf32, #tpu.memory_space<vmem>>, vector<16xf32>,
          %mul3A_670 = vector.broadcast %reduce_sum3A_591 : f32 to vector<16xf32>
          %mul3A_671 = arith.mulf %mul3A_670, %get3A_669 : vector<16xf32>
          %add3A_672 = arith.addf %add3A_553, %mul3A_671 : vector<16xf32>
          %get3A_673 = arith.index_cast %add3A_594 : i32 to index
          %get3A_674 = arith.constant 208 : index
          %get3A_675 = tpu.vector_load %arg15[%get3A_673, %get3A_674] {strides = array<i32>} : memref<256x256xf32, #tpu.memory_space<vmem>>, vector<16xf32>,
          %mul3A_676 = vector.broadcast %reduce_sum3A_591 : f32 to vector<16xf32>
          %mul3A_677 = arith.mulf %mul3A_676, %get3A_675 : vector<16xf32>
          %add3A_678 = arith.addf %add3A_559, %mul3A_677 : vector<16xf32>
          %get3A_679 = arith.index_cast %add3A_594 : i32 to index
          %get3A_680 = arith.constant 224 : index
          %get3A_681 = tpu.vector_load %arg15[%get3A_679, %get3A_680] {strides = array<i32>} : memref<256x256xf32, #tpu.memory_space<vmem>>, vector<16xf32>,
          %mul3A_682 = vector.broadcast %reduce_sum3A_591 : f32 to vector<16xf32>
          %mul3A_683 = arith.mulf %mul3A_682, %get3A_681 : vector<16xf32>
          %add3A_684 = arith.addf %add3A_565, %mul3A_683 : vector<16xf32>
          %get3A_685 = arith.index_cast %add3A_594 : i32 to index
          %get3A_686 = arith.constant 240 : index
          %get3A_687 = tpu.vector_load %arg15[%get3A_685, %get3A_686] {strides = array<i32>} : memref<256x256xf32, #tpu.memory_space<vmem>>, vector<16xf32>,
          %mul3A_688 = vector.broadcast %reduce_sum3A_591 : f32 to vector<16xf32>
          %mul3A_689 = arith.mulf %mul3A_688, %get3A_687 : vector<16xf32>
          %add3A_690 = arith.addf %add3A_571, %mul3A_689 : vector<16xf32>
          scf.yield %add3A_600, %add3A_606, %add3A_612, %add3A_618, %add3A_624, %add3A_630, %add3A_636, %add3A_642, %add3A_648, %add3A_654, %add3A_660, %add3A_666, %add3A_672, %add3A_678, %add3A_684, %add3A_690 : vector<16xf32>, vector<16xf32>, vector<16xf32>, vector<16xf32>, vector<16xf32>, vector<16xf32>, vector<16xf32>, vector<16xf32>, vector<16xf32>, vector<16xf32>, vector<16xf32>, vector<16xf32>, vector<16xf32>, vector<16xf32>, vector<16xf32>, vector<16xf32>
        }
        %scan3A_158 = arith.constant 32 : i32
        %swap3A = arith.index_cast %scan3A_120 : i32 to index
        %swap3A_159 = arith.constant 0 : index
        %swap3A_160 = tpu.vector_load %arg16[%swap3A, %swap3A_159] {strides = array<i32>} : memref<8x256xf32, #tpu.memory_space<vmem>>, vector<16xf32>,
        tpu.vector_store %arg16[%swap3A, %swap3A_159], %scan3A_157#0 {strides = array<i32>} : memref<8x256xf32, #tpu.memory_space<vmem>>, vector<16xf32>,
        %swap3A_161 = arith.index_cast %scan3A_120 : i32 to index
        %swap3A_162 = arith.constant 16 : index
        %swap3A_163 = tpu.vector_load %arg16[%swap3A_161, %swap3A_162] {strides = array<i32>} : memref<8x256xf32, #tpu.memory_space<vmem>>, vector<16xf32>,
        tpu.vector_store %arg16[%swap3A_161, %swap3A_162], %scan3A_157#1 {strides = array<i32>} : memref<8x256xf32, #tpu.memory_space<vmem>>, vector<16xf32>,
        %swap3A_164 = arith.index_cast %scan3A_120 : i32 to index
        %swap3A_165 = arith.constant 32 : index
        %swap3A_166 = tpu.vector_load %arg16[%swap3A_164, %swap3A_165] {strides = array<i32>} : memref<8x256xf32, #tpu.memory_space<vmem>>, vector<16xf32>,
        tpu.vector_store %arg16[%swap3A_164, %swap3A_165], %scan3A_157#2 {strides = array<i32>} : memref<8x256xf32, #tpu.memory_space<vmem>>, vector<16xf32>,
        %swap3A_167 = arith.index_cast %scan3A_120 : i32 to index
        %swap3A_168 = arith.constant 48 : index
        %swap3A_169 = tpu.vector_load %arg16[%swap3A_167, %swap3A_168] {strides = array<i32>} : memref<8x256xf32, #tpu.memory_space<vmem>>, vector<16xf32>,
        tpu.vector_store %arg16[%swap3A_167, %swap3A_168], %scan3A_157#3 {strides = array<i32>} : memref<8x256xf32, #tpu.memory_space<vmem>>, vector<16xf32>,
        %swap3A_170 = arith.index_cast %scan3A_120 : i32 to index
        %swap3A_171 = arith.constant 64 : index
        %swap3A_172 = tpu.vector_load %arg16[%swap3A_170, %swap3A_171] {strides = array<i32>} : memref<8x256xf32, #tpu.memory_space<vmem>>, vector<16xf32>,
        tpu.vector_store %arg16[%swap3A_170, %swap3A_171], %scan3A_157#4 {strides = array<i32>} : memref<8x256xf32, #tpu.memory_space<vmem>>, vector<16xf32>,
        %swap3A_173 = arith.index_cast %scan3A_120 : i32 to index
        %swap3A_174 = arith.constant 80 : index
        %swap3A_175 = tpu.vector_load %arg16[%swap3A_173, %swap3A_174] {strides = array<i32>} : memref<8x256xf32, #tpu.memory_space<vmem>>, vector<16xf32>,
        tpu.vector_store %arg16[%swap3A_173, %swap3A_174], %scan3A_157#5 {strides = array<i32>} : memref<8x256xf32, #tpu.memory_space<vmem>>, vector<16xf32>,
        %swap3A_176 = arith.index_cast %scan3A_120 : i32 to index
        %swap3A_177 = arith.constant 96 : index
        %swap3A_178 = tpu.vector_load %arg16[%swap3A_176, %swap3A_177] {strides = array<i32>} : memref<8x256xf32, #tpu.memory_space<vmem>>, vector<16xf32>,
        tpu.vector_store %arg16[%swap3A_176, %swap3A_177], %scan3A_157#6 {strides = array<i32>} : memref<8x256xf32, #tpu.memory_space<vmem>>, vector<16xf32>,
        %swap3A_179 = arith.index_cast %scan3A_120 : i32 to index
        %swap3A_180 = arith.constant 112 : index
        %swap3A_181 = tpu.vector_load %arg16[%swap3A_179, %swap3A_180] {strides = array<i32>} : memref<8x256xf32, #tpu.memory_space<vmem>>, vector<16xf32>,
        tpu.vector_store %arg16[%swap3A_179, %swap3A_180], %scan3A_157#7 {strides = array<i32>} : memref<8x256xf32, #tpu.memory_space<vmem>>, vector<16xf32>,
        %swap3A_182 = arith.index_cast %scan3A_120 : i32 to index
        %swap3A_183 = arith.constant 128 : index
        %swap3A_184 = tpu.vector_load %arg16[%swap3A_182, %swap3A_183] {strides = array<i32>} : memref<8x256xf32, #tpu.memory_space<vmem>>, vector<16xf32>,
        tpu.vector_store %arg16[%swap3A_182, %swap3A_183], %scan3A_157#8 {strides = array<i32>} : memref<8x256xf32, #tpu.memory_space<vmem>>, vector<16xf32>,
        %swap3A_185 = arith.index_cast %scan3A_120 : i32 to index
        %swap3A_186 = arith.constant 144 : index
        %swap3A_187 = tpu.vector_load %arg16[%swap3A_185, %swap3A_186] {strides = array<i32>} : memref<8x256xf32, #tpu.memory_space<vmem>>, vector<16xf32>,
        tpu.vector_store %arg16[%swap3A_185, %swap3A_186], %scan3A_157#9 {strides = array<i32>} : memref<8x256xf32, #tpu.memory_space<vmem>>, vector<16xf32>,
        %swap3A_188 = arith.index_cast %scan3A_120 : i32 to index
        %swap3A_189 = arith.constant 160 : index
        %swap3A_190 = tpu.vector_load %arg16[%swap3A_188, %swap3A_189] {strides = array<i32>} : memref<8x256xf32, #tpu.memory_space<vmem>>, vector<16xf32>,
        tpu.vector_store %arg16[%swap3A_188, %swap3A_189], %scan3A_157#10 {strides = array<i32>} : memref<8x256xf32, #tpu.memory_space<vmem>>, vector<16xf32>,
        %swap3A_191 = arith.index_cast %scan3A_120 : i32 to index
        %swap3A_192 = arith.constant 176 : index
        %swap3A_193 = tpu.vector_load %arg16[%swap3A_191, %swap3A_192] {strides = array<i32>} : memref<8x256xf32, #tpu.memory_space<vmem>>, vector<16xf32>,
        tpu.vector_store %arg16[%swap3A_191, %swap3A_192], %scan3A_157#11 {strides = array<i32>} : memref<8x256xf32, #tpu.memory_space<vmem>>, vector<16xf32>,
        %swap3A_194 = arith.index_cast %scan3A_120 : i32 to index
        %swap3A_195 = arith.constant 192 : index
        %swap3A_196 = tpu.vector_load %arg16[%swap3A_194, %swap3A_195] {strides = array<i32>} : memref<8x256xf32, #tpu.memory_space<vmem>>, vector<16xf32>,
        tpu.vector_store %arg16[%swap3A_194, %swap3A_195], %scan3A_157#12 {strides = array<i32>} : memref<8x256xf32, #tpu.memory_space<vmem>>, vector<16xf32>,
        %swap3A_197 = arith.index_cast %scan3A_120 : i32 to index
        %swap3A_198 = arith.constant 208 : index
        %swap3A_199 = tpu.vector_load %arg16[%swap3A_197, %swap3A_198] {strides = array<i32>} : memref<8x256xf32, #tpu.memory_space<vmem>>, vector<16xf32>,
        tpu.vector_store %arg16[%swap3A_197, %swap3A_198], %scan3A_157#13 {strides = array<i32>} : memref<8x256xf32, #tpu.memory_space<vmem>>, vector<16xf32>,
        %swap3A_200 = arith.index_cast %scan3A_120 : i32 to index
        %swap3A_201 = arith.constant 224 : index
        %swap3A_202 = tpu.vector_load %arg16[%swap3A_200, %swap3A_201] {strides = array<i32>} : memref<8x256xf32, #tpu.memory_space<vmem>>, vector<16xf32>,
        tpu.vector_store %arg16[%swap3A_200, %swap3A_201], %scan3A_157#14 {strides = array<i32>} : memref<8x256xf32, #tpu.memory_space<vmem>>, vector<16xf32>,
        %swap3A_203 = arith.index_cast %scan3A_120 : i32 to index
        %swap3A_204 = arith.constant 240 : index
        %swap3A_205 = tpu.vector_load %arg16[%swap3A_203, %swap3A_204] {strides = array<i32>} : memref<8x256xf32, #tpu.memory_space<vmem>>, vector<16xf32>,
        tpu.vector_store %arg16[%swap3A_203, %swap3A_204], %scan3A_157#15 {strides = array<i32>} : memref<8x256xf32, #tpu.memory_space<vmem>>, vector<16xf32>,
        %scan3A_206 = arith.constant 0 : i32
        scf.yield %scan3A_206 : i32
      }
      %scan3A_118 = arith.constant 8 : i32
      "tpu.region"() ({
        %run_scoped3A = tpu.sem_alloc : memref<!tpu.dma_semaphore, #tpu.memory_space<semaphore_mem>>
        %dma_start3A_120 = arith.constant 0 : i32
        %dma_start3A_121 = tpu.memref_slice %arg6[%add3A_43, %dma_start3A_120] : memref<1024x256xf32, #tpu.memory_space<hbm>> -> memref<8x256xf32, #tpu.memory_space<hbm>>
        %dma_start3A_122 = arith.constant 0 : i32
        %dma_start3A_123 = tpu.memref_slice %arg6[%add3A_43, %dma_start3A_122] : memref<1024x256xf32, #tpu.memory_space<hbm>> -> memref<8x256xf32, #tpu.memory_space<hbm>>
        tpu.enqueue_dma source(%arg16 : memref<8x256xf32, #tpu.memory_space<vmem>>) target(%dma_start3A_123 : memref<8x256xf32, #tpu.memory_space<hbm>>) target_semaphore(%run_scoped3A : memref<!tpu.dma_semaphore, #tpu.memory_space<semaphore_mem>>)
        %dma_wait3A_124 = arith.constant 0 : i32
        %dma_wait3A_125 = tpu.memref_slice %arg6[%add3A_43, %dma_wait3A_124] : memref<1024x256xf32, #tpu.memory_space<hbm>> -> memref<8x256xf32, #tpu.memory_space<hbm>>
        %dma_wait3A_126 = arith.constant 0 : i32
        %dma_wait3A_127 = tpu.memref_slice %arg6[%add3A_43, %dma_wait3A_126] : memref<1024x256xf32, #tpu.memory_space<hbm>> -> memref<8x256xf32, #tpu.memory_space<hbm>>
        tpu.wait_dma2 semaphore(%run_scoped3A : memref<!tpu.dma_semaphore, #tpu.memory_space<semaphore_mem>>) src(%arg16 : memref<8x256xf32, #tpu.memory_space<vmem>>) dst(%dma_wait3A_127 : memref<8x256xf32, #tpu.memory_space<hbm>>)
        tpu.yield
      }) : () -> ()
      %scan3A_119 = arith.constant 0 : i32
      scf.yield %scan3A_119 : i32
    }
    %scan3A_38 = arith.constant 4 : i32
    return
  }
}

module attributes {stable_mosaic.version = 14 : i64} {
  func.func @_scores_body(%arg0: i32, %arg1: memref<1024x256xf32, #tpu.memory_space<vmem>>, %arg2: memref<256x256xf32, #tpu.memory_space<vmem>>, %arg3: memref<1x256xf32, #tpu.memory_space<vmem>>, %arg4: memref<2048x256xf32, #tpu.memory_space<vmem>>, %arg5: memref<1x2048xf32, #tpu.memory_space<vmem>>, %arg6: memref<16384x128xf32, #tpu.memory_space<vmem>>, %arg7: memref<1x1024x16xf32, #tpu.memory_space<vmem>>) attributes {dimension_semantics = [#tpu.dimension_semantics<arbitrary>], iteration_bounds = array<i64: 49>, scalar_prefetch = 0 : i64, scratch_operands = 0 : i64, tpu.core_type = #tpu.core_type<tc>, window_params = [{pipeline_mode = #tpu.pipeline_mode<synchronous>, transform_indices = @transform_0, window_bounds = array<i64: 1024, 256>}, {pipeline_mode = #tpu.pipeline_mode<synchronous>, transform_indices = @transform_1, window_bounds = array<i64: 256, 256>}, {pipeline_mode = #tpu.pipeline_mode<synchronous>, transform_indices = @transform_2, window_bounds = array<i64: 1, 256>}, {transform_indices = @transform_3, window_bounds = array<i64: 2048, 256>}, {transform_indices = @transform_4, window_bounds = array<i64: 1, 2048>}, {transform_indices = @transform_5, window_bounds = array<i64: 16384, 128>}, {transform_indices = @transform_6, window_bounds = array<i64: 1, 1024, 16>}]} {
    %get3A = arith.constant 0 : index
    %get3A_0 = arith.constant 0 : index
    %get3A_1 = vector.load %arg1[%get3A, %get3A_0] : memref<1024x256xf32, #tpu.memory_space<vmem>>, vector<1024x256xf32>
    %get3A_2 = arith.constant 0 : index
    %get3A_3 = arith.constant 0 : index
    %get3A_4 = vector.load %arg2[%get3A_2, %get3A_3] : memref<256x256xf32, #tpu.memory_space<vmem>>, vector<256x256xf32>
    %dot_general3A = arith.constant dense<0.000000e+00> : vector<1024x256xf32>
    %dot_general3A_5 = tpu.matmul %get3A_1, %get3A_4, %dot_general3A {dimension_numbers = #tpu.dot_dimension_numbers<[1], [1], [0], [0], [0, 0, 1, 0], [], []>, transpose_lhs_hint = false} : vector<1024x256xf32>, vector<256x256xf32>, vector<1024x256xf32> -> vector<1024x256xf32>
    %get3A_6 = arith.constant 0 : index
    %get3A_7 = arith.constant 0 : index
    %get3A_8 = vector.load %arg3[%get3A_6, %get3A_7] : memref<1x256xf32, #tpu.memory_space<vmem>>, vector<1x256xf32>
    %add3A = vector.broadcast %get3A_8 : vector<1x256xf32> to vector<1024x256xf32>
    %add3A_9 = arith.addf %dot_general3A_5, %add3A : vector<1024x256xf32>
    %mul3A = arith.mulf %add3A_9, %add3A_9 : vector<1024x256xf32>
    %reduce_sum3A = arith.constant dense<0.000000e+00> : vector<1024xf32>
    %reduce_sum3A_10 = vector.multi_reduction <add>, %mul3A, %reduce_sum3A [1] : vector<1024x256xf32> to vector<1024xf32>
    %broadcast_in_dim3A = vector.shape_cast %reduce_sum3A_10 : vector<1024xf32> to vector<1024x1xf32>
    %sqrt3A = math.sqrt %broadcast_in_dim3A : vector<1024x1xf32>
    %max3A = arith.constant 9.99999993E-9 : f32
    %max3A_11 = vector.broadcast %max3A : f32 to vector<1024x1xf32>
    %max3A_12 = arith.maximumf %sqrt3A, %max3A_11 : vector<1024x1xf32>
    %div3A = arith.constant 1.000000e+00 : f32
    %div3A_13 = vector.broadcast %div3A : f32 to vector<1024x1xf32>
    %div3A_14 = arith.divf %div3A_13, %max3A_12 : vector<1024x1xf32>
    %get3A_15 = arith.constant 0 : index
    %get3A_16 = arith.constant 0 : index
    %get3A_17 = vector.load %arg4[%get3A_15, %get3A_16] : memref<2048x256xf32, #tpu.memory_space<vmem>>, vector<2048x256xf32>
    %dot_general3A_18 = arith.constant dense<0.000000e+00> : vector<1024x2048xf32>
    %dot_general3A_19 = tpu.matmul %add3A_9, %get3A_17, %dot_general3A_18 {dimension_numbers = #tpu.dot_dimension_numbers<[1], [1], [0], [0], [0, 0, 1, 0], [], []>, transpose_lhs_hint = false} : vector<1024x256xf32>, vector<2048x256xf32>, vector<1024x2048xf32> -> vector<1024x2048xf32>
    %broadcast_in_dim3A_20 = arith.constant 1.000000e+00 : f32
    %broadcast_in_dim3A_21 = vector.broadcast %broadcast_in_dim3A_20 : f32 to vector<1x256xf32>
    %mul3A_22 = arith.mulf %get3A_17, %get3A_17 : vector<2048x256xf32>
    %dot_general3A_23 = arith.constant dense<0.000000e+00> : vector<1x2048xf32>
    %dot_general3A_24 = tpu.matmul %broadcast_in_dim3A_21, %mul3A_22, %dot_general3A_23 {dimension_numbers = #tpu.dot_dimension_numbers<[1], [1], [0], [0], [0, 0, 1, 0], [], []>, precision = #tpu.contract_precision<fp32>, transpose_lhs_hint = false} : vector<1x256xf32>, vector<2048x256xf32>, vector<1x2048xf32> -> vector<1x2048xf32>
    %sqrt3A_25 = math.sqrt %dot_general3A_24 : vector<1x2048xf32>
    %get3A_26 = arith.constant 0 : index
    %get3A_27 = arith.constant 0 : index
    %get3A_28 = vector.load %arg5[%get3A_26, %get3A_27] : memref<1x2048xf32, #tpu.memory_space<vmem>>, vector<1x2048xf32>
    %max3A_29 = arith.constant 9.99999993E-9 : f32
    %max3A_30 = vector.broadcast %max3A_29 : f32 to vector<1x2048xf32>
    %max3A_31 = arith.maximumf %sqrt3A_25, %max3A_30 : vector<1x2048xf32>
    %div3A_32 = arith.divf %get3A_28, %max3A_31 : vector<1x2048xf32>
    %mul3A_33 = vector.broadcast %div3A_14 : vector<1024x1xf32> to vector<1024x2048xf32>
    %mul3A_34 = arith.mulf %dot_general3A_19, %mul3A_33 : vector<1024x2048xf32>
    %mul3A_35 = vector.broadcast %div3A_32 : vector<1x2048xf32> to vector<1024x2048xf32>
    %mul3A_36 = arith.mulf %mul3A_34, %mul3A_35 : vector<1024x2048xf32>
    %mul3A_37 = arith.constant 2048 : i32
    %mul3A_38 = arith.muli %arg0, %mul3A_37 : i32
    %iota3A = tpu.iota {dimensions = array<i32: 1>} : vector<1x2048xi32>
    %add3A_39 = vector.broadcast %mul3A_38 : i32 to vector<1x2048xi32>
    %add3A_40 = arith.addi %add3A_39, %iota3A : vector<1x2048xi32>
    %lt3A = arith.constant 100000 : i32
    %lt3A_41 = vector.broadcast %lt3A : i32 to vector<1x2048xi32>
    %lt3A_42 = arith.cmpi slt, %add3A_40, %lt3A_41 : vector<1x2048xi32>
    %jit3A = arith.constant 0.000000e+00 : f32
    %broadcast_in_dim3A_43 = vector.shape_cast %lt3A_42 : vector<1x2048xi1> to vector<1x2048xi1>
    %broadcast_in_dim3A_44 = vector.broadcast %broadcast_in_dim3A_43 : vector<1x2048xi1> to vector<1024x2048xi1>
    %broadcast_in_dim3A_45 = vector.broadcast %jit3A : f32 to vector<1024x2048xf32>
    %select_n3A = arith.select %broadcast_in_dim3A_44, %mul3A_36, %broadcast_in_dim3A_45 : vector<1024x2048xi1>, vector<1024x2048xf32>
    %slice3A = vector.extract_strided_slice %select_n3A {offsets = [0, 0], sizes = [1024, 128], strides = [1, 1]} : vector<1024x2048xf32> to vector<1024x128xf32>
    %swap3A = arith.constant 0 : index
    %swap3A_46 = arith.constant 0 : index
    %swap3A_47 = vector.load %arg6[%swap3A, %swap3A_46] : memref<16384x128xf32, #tpu.memory_space<vmem>>, vector<1024x128xf32>
    tpu.vector_store %arg6[%swap3A, %swap3A_46], %slice3A {strides = array<i32>} : memref<16384x128xf32, #tpu.memory_space<vmem>>, vector<1024x128xf32>,
    %reduce_max3A = arith.constant dense<0xFF800000> : vector<1024xf32>
    %reduce_max3A_48 = vector.multi_reduction <maximumf>, %slice3A, %reduce_max3A [1] : vector<1024x128xf32> to vector<1024xf32>
    %broadcast_in_dim3A_49 = vector.shape_cast %reduce_max3A_48 : vector<1024xf32> to vector<1024x1xf32>
    %slice3A_50 = vector.extract_strided_slice %select_n3A {offsets = [0, 128], sizes = [1024, 128], strides = [1, 1]} : vector<1024x2048xf32> to vector<1024x128xf32>
    %swap3A_51 = arith.constant 1024 : index
    %swap3A_52 = arith.constant 0 : index
    %swap3A_53 = vector.load %arg6[%swap3A_51, %swap3A_52] : memref<16384x128xf32, #tpu.memory_space<vmem>>, vector<1024x128xf32>
    tpu.vector_store %arg6[%swap3A_51, %swap3A_52], %slice3A_50 {strides = array<i32>} : memref<16384x128xf32, #tpu.memory_space<vmem>>, vector<1024x128xf32>,
    %reduce_max3A_54 = arith.constant dense<0xFF800000> : vector<1024xf32>
    %reduce_max3A_55 = vector.multi_reduction <maximumf>, %slice3A_50, %reduce_max3A_54 [1] : vector<1024x128xf32> to vector<1024xf32>
    %broadcast_in_dim3A_56 = vector.shape_cast %reduce_max3A_55 : vector<1024xf32> to vector<1024x1xf32>
    %slice3A_57 = vector.extract_strided_slice %select_n3A {offsets = [0, 256], sizes = [1024, 128], strides = [1, 1]} : vector<1024x2048xf32> to vector<1024x128xf32>
    %swap3A_58 = arith.constant 2048 : index
    %swap3A_59 = arith.constant 0 : index
    %swap3A_60 = vector.load %arg6[%swap3A_58, %swap3A_59] : memref<16384x128xf32, #tpu.memory_space<vmem>>, vector<1024x128xf32>
    tpu.vector_store %arg6[%swap3A_58, %swap3A_59], %slice3A_57 {strides = array<i32>} : memref<16384x128xf32, #tpu.memory_space<vmem>>, vector<1024x128xf32>,
    %reduce_max3A_61 = arith.constant dense<0xFF800000> : vector<1024xf32>
    %reduce_max3A_62 = vector.multi_reduction <maximumf>, %slice3A_57, %reduce_max3A_61 [1] : vector<1024x128xf32> to vector<1024xf32>
    %broadcast_in_dim3A_63 = vector.shape_cast %reduce_max3A_62 : vector<1024xf32> to vector<1024x1xf32>
    %slice3A_64 = vector.extract_strided_slice %select_n3A {offsets = [0, 384], sizes = [1024, 128], strides = [1, 1]} : vector<1024x2048xf32> to vector<1024x128xf32>
    %swap3A_65 = arith.constant 3072 : index
    %swap3A_66 = arith.constant 0 : index
    %swap3A_67 = vector.load %arg6[%swap3A_65, %swap3A_66] : memref<16384x128xf32, #tpu.memory_space<vmem>>, vector<1024x128xf32>
    tpu.vector_store %arg6[%swap3A_65, %swap3A_66], %slice3A_64 {strides = array<i32>} : memref<16384x128xf32, #tpu.memory_space<vmem>>, vector<1024x128xf32>,
    %reduce_max3A_68 = arith.constant dense<0xFF800000> : vector<1024xf32>
    %reduce_max3A_69 = vector.multi_reduction <maximumf>, %slice3A_64, %reduce_max3A_68 [1] : vector<1024x128xf32> to vector<1024xf32>
    %broadcast_in_dim3A_70 = vector.shape_cast %reduce_max3A_69 : vector<1024xf32> to vector<1024x1xf32>
    %slice3A_71 = vector.extract_strided_slice %select_n3A {offsets = [0, 512], sizes = [1024, 128], strides = [1, 1]} : vector<1024x2048xf32> to vector<1024x128xf32>
    %swap3A_72 = arith.constant 4096 : index
    %swap3A_73 = arith.constant 0 : index
    %swap3A_74 = vector.load %arg6[%swap3A_72, %swap3A_73] : memref<16384x128xf32, #tpu.memory_space<vmem>>, vector<1024x128xf32>
    tpu.vector_store %arg6[%swap3A_72, %swap3A_73], %slice3A_71 {strides = array<i32>} : memref<16384x128xf32, #tpu.memory_space<vmem>>, vector<1024x128xf32>,
    %reduce_max3A_75 = arith.constant dense<0xFF800000> : vector<1024xf32>
    %reduce_max3A_76 = vector.multi_reduction <maximumf>, %slice3A_71, %reduce_max3A_75 [1] : vector<1024x128xf32> to vector<1024xf32>
    %broadcast_in_dim3A_77 = vector.shape_cast %reduce_max3A_76 : vector<1024xf32> to vector<1024x1xf32>
    %slice3A_78 = vector.extract_strided_slice %select_n3A {offsets = [0, 640], sizes = [1024, 128], strides = [1, 1]} : vector<1024x2048xf32> to vector<1024x128xf32>
    %swap3A_79 = arith.constant 5120 : index
    %swap3A_80 = arith.constant 0 : index
    %swap3A_81 = vector.load %arg6[%swap3A_79, %swap3A_80] : memref<16384x128xf32, #tpu.memory_space<vmem>>, vector<1024x128xf32>
    tpu.vector_store %arg6[%swap3A_79, %swap3A_80], %slice3A_78 {strides = array<i32>} : memref<16384x128xf32, #tpu.memory_space<vmem>>, vector<1024x128xf32>,
    %reduce_max3A_82 = arith.constant dense<0xFF800000> : vector<1024xf32>
    %reduce_max3A_83 = vector.multi_reduction <maximumf>, %slice3A_78, %reduce_max3A_82 [1] : vector<1024x128xf32> to vector<1024xf32>
    %broadcast_in_dim3A_84 = vector.shape_cast %reduce_max3A_83 : vector<1024xf32> to vector<1024x1xf32>
    %slice3A_85 = vector.extract_strided_slice %select_n3A {offsets = [0, 768], sizes = [1024, 128], strides = [1, 1]} : vector<1024x2048xf32> to vector<1024x128xf32>
    %swap3A_86 = arith.constant 6144 : index
    %swap3A_87 = arith.constant 0 : index
    %swap3A_88 = vector.load %arg6[%swap3A_86, %swap3A_87] : memref<16384x128xf32, #tpu.memory_space<vmem>>, vector<1024x128xf32>
    tpu.vector_store %arg6[%swap3A_86, %swap3A_87], %slice3A_85 {strides = array<i32>} : memref<16384x128xf32, #tpu.memory_space<vmem>>, vector<1024x128xf32>,
    %reduce_max3A_89 = arith.constant dense<0xFF800000> : vector<1024xf32>
    %reduce_max3A_90 = vector.multi_reduction <maximumf>, %slice3A_85, %reduce_max3A_89 [1] : vector<1024x128xf32> to vector<1024xf32>
    %broadcast_in_dim3A_91 = vector.shape_cast %reduce_max3A_90 : vector<1024xf32> to vector<1024x1xf32>
    %slice3A_92 = vector.extract_strided_slice %select_n3A {offsets = [0, 896], sizes = [1024, 128], strides = [1, 1]} : vector<1024x2048xf32> to vector<1024x128xf32>
    %swap3A_93 = arith.constant 7168 : index
    %swap3A_94 = arith.constant 0 : index
    %swap3A_95 = vector.load %arg6[%swap3A_93, %swap3A_94] : memref<16384x128xf32, #tpu.memory_space<vmem>>, vector<1024x128xf32>
    tpu.vector_store %arg6[%swap3A_93, %swap3A_94], %slice3A_92 {strides = array<i32>} : memref<16384x128xf32, #tpu.memory_space<vmem>>, vector<1024x128xf32>,
    %reduce_max3A_96 = arith.constant dense<0xFF800000> : vector<1024xf32>
    %reduce_max3A_97 = vector.multi_reduction <maximumf>, %slice3A_92, %reduce_max3A_96 [1] : vector<1024x128xf32> to vector<1024xf32>
    %broadcast_in_dim3A_98 = vector.shape_cast %reduce_max3A_97 : vector<1024xf32> to vector<1024x1xf32>
    %slice3A_99 = vector.extract_strided_slice %select_n3A {offsets = [0, 1024], sizes = [1024, 128], strides = [1, 1]} : vector<1024x2048xf32> to vector<1024x128xf32>
    %swap3A_100 = arith.constant 8192 : index
    %swap3A_101 = arith.constant 0 : index
    %swap3A_102 = vector.load %arg6[%swap3A_100, %swap3A_101] : memref<16384x128xf32, #tpu.memory_space<vmem>>, vector<1024x128xf32>
    tpu.vector_store %arg6[%swap3A_100, %swap3A_101], %slice3A_99 {strides = array<i32>} : memref<16384x128xf32, #tpu.memory_space<vmem>>, vector<1024x128xf32>,
    %reduce_max3A_103 = arith.constant dense<0xFF800000> : vector<1024xf32>
    %reduce_max3A_104 = vector.multi_reduction <maximumf>, %slice3A_99, %reduce_max3A_103 [1] : vector<1024x128xf32> to vector<1024xf32>
    %broadcast_in_dim3A_105 = vector.shape_cast %reduce_max3A_104 : vector<1024xf32> to vector<1024x1xf32>
    %slice3A_106 = vector.extract_strided_slice %select_n3A {offsets = [0, 1152], sizes = [1024, 128], strides = [1, 1]} : vector<1024x2048xf32> to vector<1024x128xf32>
    %swap3A_107 = arith.constant 9216 : index
    %swap3A_108 = arith.constant 0 : index
    %swap3A_109 = vector.load %arg6[%swap3A_107, %swap3A_108] : memref<16384x128xf32, #tpu.memory_space<vmem>>, vector<1024x128xf32>
    tpu.vector_store %arg6[%swap3A_107, %swap3A_108], %slice3A_106 {strides = array<i32>} : memref<16384x128xf32, #tpu.memory_space<vmem>>, vector<1024x128xf32>,
    %reduce_max3A_110 = arith.constant dense<0xFF800000> : vector<1024xf32>
    %reduce_max3A_111 = vector.multi_reduction <maximumf>, %slice3A_106, %reduce_max3A_110 [1] : vector<1024x128xf32> to vector<1024xf32>
    %broadcast_in_dim3A_112 = vector.shape_cast %reduce_max3A_111 : vector<1024xf32> to vector<1024x1xf32>
    %slice3A_113 = vector.extract_strided_slice %select_n3A {offsets = [0, 1280], sizes = [1024, 128], strides = [1, 1]} : vector<1024x2048xf32> to vector<1024x128xf32>
    %swap3A_114 = arith.constant 10240 : index
    %swap3A_115 = arith.constant 0 : index
    %swap3A_116 = vector.load %arg6[%swap3A_114, %swap3A_115] : memref<16384x128xf32, #tpu.memory_space<vmem>>, vector<1024x128xf32>
    tpu.vector_store %arg6[%swap3A_114, %swap3A_115], %slice3A_113 {strides = array<i32>} : memref<16384x128xf32, #tpu.memory_space<vmem>>, vector<1024x128xf32>,
    %reduce_max3A_117 = arith.constant dense<0xFF800000> : vector<1024xf32>
    %reduce_max3A_118 = vector.multi_reduction <maximumf>, %slice3A_113, %reduce_max3A_117 [1] : vector<1024x128xf32> to vector<1024xf32>
    %broadcast_in_dim3A_119 = vector.shape_cast %reduce_max3A_118 : vector<1024xf32> to vector<1024x1xf32>
    %slice3A_120 = vector.extract_strided_slice %select_n3A {offsets = [0, 1408], sizes = [1024, 128], strides = [1, 1]} : vector<1024x2048xf32> to vector<1024x128xf32>
    %swap3A_121 = arith.constant 11264 : index
    %swap3A_122 = arith.constant 0 : index
    %swap3A_123 = vector.load %arg6[%swap3A_121, %swap3A_122] : memref<16384x128xf32, #tpu.memory_space<vmem>>, vector<1024x128xf32>
    tpu.vector_store %arg6[%swap3A_121, %swap3A_122], %slice3A_120 {strides = array<i32>} : memref<16384x128xf32, #tpu.memory_space<vmem>>, vector<1024x128xf32>,
    %reduce_max3A_124 = arith.constant dense<0xFF800000> : vector<1024xf32>
    %reduce_max3A_125 = vector.multi_reduction <maximumf>, %slice3A_120, %reduce_max3A_124 [1] : vector<1024x128xf32> to vector<1024xf32>
    %broadcast_in_dim3A_126 = vector.shape_cast %reduce_max3A_125 : vector<1024xf32> to vector<1024x1xf32>
    %slice3A_127 = vector.extract_strided_slice %select_n3A {offsets = [0, 1536], sizes = [1024, 128], strides = [1, 1]} : vector<1024x2048xf32> to vector<1024x128xf32>
    %swap3A_128 = arith.constant 12288 : index
    %swap3A_129 = arith.constant 0 : index
    %swap3A_130 = vector.load %arg6[%swap3A_128, %swap3A_129] : memref<16384x128xf32, #tpu.memory_space<vmem>>, vector<1024x128xf32>
    tpu.vector_store %arg6[%swap3A_128, %swap3A_129], %slice3A_127 {strides = array<i32>} : memref<16384x128xf32, #tpu.memory_space<vmem>>, vector<1024x128xf32>,
    %reduce_max3A_131 = arith.constant dense<0xFF800000> : vector<1024xf32>
    %reduce_max3A_132 = vector.multi_reduction <maximumf>, %slice3A_127, %reduce_max3A_131 [1] : vector<1024x128xf32> to vector<1024xf32>
    %broadcast_in_dim3A_133 = vector.shape_cast %reduce_max3A_132 : vector<1024xf32> to vector<1024x1xf32>
    %slice3A_134 = vector.extract_strided_slice %select_n3A {offsets = [0, 1664], sizes = [1024, 128], strides = [1, 1]} : vector<1024x2048xf32> to vector<1024x128xf32>
    %swap3A_135 = arith.constant 13312 : index
    %swap3A_136 = arith.constant 0 : index
    %swap3A_137 = vector.load %arg6[%swap3A_135, %swap3A_136] : memref<16384x128xf32, #tpu.memory_space<vmem>>, vector<1024x128xf32>
    tpu.vector_store %arg6[%swap3A_135, %swap3A_136], %slice3A_134 {strides = array<i32>} : memref<16384x128xf32, #tpu.memory_space<vmem>>, vector<1024x128xf32>,
    %reduce_max3A_138 = arith.constant dense<0xFF800000> : vector<1024xf32>
    %reduce_max3A_139 = vector.multi_reduction <maximumf>, %slice3A_134, %reduce_max3A_138 [1] : vector<1024x128xf32> to vector<1024xf32>
    %broadcast_in_dim3A_140 = vector.shape_cast %reduce_max3A_139 : vector<1024xf32> to vector<1024x1xf32>
    %slice3A_141 = vector.extract_strided_slice %select_n3A {offsets = [0, 1792], sizes = [1024, 128], strides = [1, 1]} : vector<1024x2048xf32> to vector<1024x128xf32>
    %swap3A_142 = arith.constant 14336 : index
    %swap3A_143 = arith.constant 0 : index
    %swap3A_144 = vector.load %arg6[%swap3A_142, %swap3A_143] : memref<16384x128xf32, #tpu.memory_space<vmem>>, vector<1024x128xf32>
    tpu.vector_store %arg6[%swap3A_142, %swap3A_143], %slice3A_141 {strides = array<i32>} : memref<16384x128xf32, #tpu.memory_space<vmem>>, vector<1024x128xf32>,
    %reduce_max3A_145 = arith.constant dense<0xFF800000> : vector<1024xf32>
    %reduce_max3A_146 = vector.multi_reduction <maximumf>, %slice3A_141, %reduce_max3A_145 [1] : vector<1024x128xf32> to vector<1024xf32>
    %broadcast_in_dim3A_147 = vector.shape_cast %reduce_max3A_146 : vector<1024xf32> to vector<1024x1xf32>
    %slice3A_148 = vector.extract_strided_slice %select_n3A {offsets = [0, 1920], sizes = [1024, 128], strides = [1, 1]} : vector<1024x2048xf32> to vector<1024x128xf32>
    %swap3A_149 = arith.constant 15360 : index
    %swap3A_150 = arith.constant 0 : index
    %swap3A_151 = vector.load %arg6[%swap3A_149, %swap3A_150] : memref<16384x128xf32, #tpu.memory_space<vmem>>, vector<1024x128xf32>
    tpu.vector_store %arg6[%swap3A_149, %swap3A_150], %slice3A_148 {strides = array<i32>} : memref<16384x128xf32, #tpu.memory_space<vmem>>, vector<1024x128xf32>,
    %reduce_max3A_152 = arith.constant dense<0xFF800000> : vector<1024xf32>
    %reduce_max3A_153 = vector.multi_reduction <maximumf>, %slice3A_148, %reduce_max3A_152 [1] : vector<1024x128xf32> to vector<1024xf32>
    %broadcast_in_dim3A_154 = vector.shape_cast %reduce_max3A_153 : vector<1024xf32> to vector<1024x1xf32>
    %concatenate3A = tpu.concatenate %broadcast_in_dim3A_49, %broadcast_in_dim3A_56, %broadcast_in_dim3A_63, %broadcast_in_dim3A_70, %broadcast_in_dim3A_77, %broadcast_in_dim3A_84, %broadcast_in_dim3A_91, %broadcast_in_dim3A_98, %broadcast_in_dim3A_105, %broadcast_in_dim3A_112, %broadcast_in_dim3A_119, %broadcast_in_dim3A_126, %broadcast_in_dim3A_133, %broadcast_in_dim3A_140, %broadcast_in_dim3A_147, %broadcast_in_dim3A_154 in 1 : vector<1024x1xf32>, vector<1024x1xf32>, vector<1024x1xf32>, vector<1024x1xf32>, vector<1024x1xf32>, vector<1024x1xf32>, vector<1024x1xf32>, vector<1024x1xf32>, vector<1024x1xf32>, vector<1024x1xf32>, vector<1024x1xf32>, vector<1024x1xf32>, vector<1024x1xf32>, vector<1024x1xf32>, vector<1024x1xf32>, vector<1024x1xf32> -> vector<1024x16xf32>
    %swap3A_155 = arith.constant 0 : index
    %swap3A_156 = arith.constant 0 : index
    %swap3A_157 = arith.constant 0 : index
    %swap3A_158 = vector.load %arg7[%swap3A_155, %swap3A_156, %swap3A_157] : memref<1x1024x16xf32, #tpu.memory_space<vmem>>, vector<1x1024x16xf32>
    %swap3A_159 = vector.shape_cast %swap3A_158 : vector<1x1024x16xf32> to vector<1024x16xf32>
    %swap3A_160 = vector.shape_cast %concatenate3A : vector<1024x16xf32> to vector<1x1024x16xf32>
    tpu.vector_store %arg7[%swap3A_155, %swap3A_156, %swap3A_157], %swap3A_160 {strides = array<i32>} : memref<1x1024x16xf32, #tpu.memory_space<vmem>>, vector<1x1024x16xf32>,
    return
  }
  func.func @transform_0(%arg0: i32) -> (i32, i32) {
    %c0_i32 = arith.constant 0 : i32
    %c0_i32_0 = arith.constant 0 : i32
    %c0_i32_1 = arith.constant 0 : i32
    return %c0_i32, %c0_i32_0 : i32, i32
  }
  func.func @transform_1(%arg0: i32) -> (i32, i32) {
    %c0_i32 = arith.constant 0 : i32
    %c0_i32_0 = arith.constant 0 : i32
    %c0_i32_1 = arith.constant 0 : i32
    return %c0_i32, %c0_i32_0 : i32, i32
  }
  func.func @transform_2(%arg0: i32) -> (i32, i32) {
    %c0_i32 = arith.constant 0 : i32
    %c0_i32_0 = arith.constant 0 : i32
    %c0_i32_1 = arith.constant 0 : i32
    return %c0_i32, %c0_i32_0 : i32, i32
  }
  func.func @transform_3(%arg0: i32) -> (i32, i32) {
    %c0_i32 = arith.constant 0 : i32
    %c0_i32_0 = arith.constant 0 : i32
    return %arg0, %c0_i32 : i32, i32
  }
  func.func @transform_4(%arg0: i32) -> (i32, i32) {
    %c0_i32 = arith.constant 0 : i32
    %c0_i32_0 = arith.constant 0 : i32
    return %c0_i32, %arg0 : i32, i32
  }
  func.func @transform_5(%arg0: i32) -> (i32, i32) {
    %c0_i32 = arith.constant 0 : i32
    %c0_i32_0 = arith.constant 0 : i32
    return %arg0, %c0_i32 : i32, i32
  }
  func.func @transform_6(%arg0: i32) -> (i32, i32, i32) {
    %c0_i32 = arith.constant 0 : i32
    %c0_i32_0 = arith.constant 0 : i32
    %c0_i32_1 = arith.constant 0 : i32
    return %arg0, %c0_i32, %c0_i32_0 : i32, i32, i32
  }
}

module attributes {stable_mosaic.version = 14 : i64} {
  func.func @_buckets_body(%arg0: i32, %arg1: memref<256x784xf32, #tpu.memory_space<vmem>>, %arg2: memref<256x32xi32, #tpu.memory_space<vmem>>, %arg3: memref<256x16xf32, #tpu.memory_space<vmem>>) attributes {dimension_semantics = [#tpu.dimension_semantics<arbitrary>], iteration_bounds = array<i64: 4>, scalar_prefetch = 0 : i64, scratch_operands = 0 : i64, tpu.core_type = #tpu.core_type<tc>, window_params = [{transform_indices = @transform_0, window_bounds = array<i64: 256, 784>}, {transform_indices = @transform_1, window_bounds = array<i64: 256, 32>}, {transform_indices = @transform_2, window_bounds = array<i64: 256, 16>}]} {
    %get3A = arith.constant 0 : index
    %get3A_0 = arith.constant 0 : index
    %get3A_1 = vector.load %arg1[%get3A, %get3A_0] : memref<256x784xf32, #tpu.memory_space<vmem>>, vector<256x784xf32>
    %iota3A = tpu.iota {dimensions = array<i32: 1>} : vector<256x784xi32>
    %reduce_max3A = arith.constant dense<0xFF800000> : vector<256xf32>
    %reduce_max3A_2 = vector.multi_reduction <maximumf>, %get3A_1, %reduce_max3A [1] : vector<256x784xf32> to vector<256xf32>
    %broadcast_in_dim3A = vector.shape_cast %reduce_max3A_2 : vector<256xf32> to vector<256x1xf32>
    %eq3A = vector.broadcast %broadcast_in_dim3A : vector<256x1xf32> to vector<256x784xf32>
    %eq3A_3 = arith.cmpf oeq, %get3A_1, %eq3A : vector<256x784xf32>
    %jit3A = arith.constant 1073741824 : i32
    %broadcast_in_dim3A_4 = vector.broadcast %jit3A : i32 to vector<256x784xi32>
    %select_n3A = arith.select %eq3A_3, %iota3A, %broadcast_in_dim3A_4 : vector<256x784xi1>, vector<256x784xi32>
    %reduce_min3A = arith.constant dense<2147483647> : vector<256xi32>
    %reduce_min3A_5 = vector.multi_reduction <minsi>, %select_n3A, %reduce_min3A [1] : vector<256x784xi32> to vector<256xi32>
    %broadcast_in_dim3A_6 = vector.shape_cast %reduce_min3A_5 : vector<256xi32> to vector<256x1xi32>
    %swap3A = arith.constant 0 : index
    %swap3A_7 = arith.constant 0 : index
    %swap3A_8 = vector.load %arg2[%swap3A, %swap3A_7] : memref<256x32xi32, #tpu.memory_space<vmem>>, vector<256x1xi32>
    tpu.vector_store %arg2[%swap3A, %swap3A_7], %broadcast_in_dim3A_6 {strides = array<i32>} : memref<256x32xi32, #tpu.memory_space<vmem>>, vector<256x1xi32>,
    %eq3A_9 = vector.broadcast %broadcast_in_dim3A_6 : vector<256x1xi32> to vector<256x784xi32>
    %eq3A_10 = arith.cmpi eq, %iota3A, %eq3A_9 : vector<256x784xi32>
    %jit3A_11 = arith.constant -3.000000e+38 : f32
    %broadcast_in_dim3A_12 = vector.broadcast %jit3A_11 : f32 to vector<256x784xf32>
    %select_n3A_13 = arith.select %eq3A_10, %broadcast_in_dim3A_12, %get3A_1 : vector<256x784xi1>, vector<256x784xf32>
    %reduce_max3A_14 = arith.constant dense<0xFF800000> : vector<256xf32>
    %reduce_max3A_15 = vector.multi_reduction <maximumf>, %select_n3A_13, %reduce_max3A_14 [1] : vector<256x784xf32> to vector<256xf32>
    %broadcast_in_dim3A_16 = vector.shape_cast %reduce_max3A_15 : vector<256xf32> to vector<256x1xf32>
    %eq3A_17 = vector.broadcast %broadcast_in_dim3A_16 : vector<256x1xf32> to vector<256x784xf32>
    %eq3A_18 = arith.cmpf oeq, %select_n3A_13, %eq3A_17 : vector<256x784xf32>
    %jit3A_19 = arith.constant 1073741824 : i32
    %broadcast_in_dim3A_20 = vector.broadcast %jit3A_19 : i32 to vector<256x784xi32>
    %select_n3A_21 = arith.select %eq3A_18, %iota3A, %broadcast_in_dim3A_20 : vector<256x784xi1>, vector<256x784xi32>
    %reduce_min3A_22 = arith.constant dense<2147483647> : vector<256xi32>
    %reduce_min3A_23 = vector.multi_reduction <minsi>, %select_n3A_21, %reduce_min3A_22 [1] : vector<256x784xi32> to vector<256xi32>
    %broadcast_in_dim3A_24 = vector.shape_cast %reduce_min3A_23 : vector<256xi32> to vector<256x1xi32>
    %swap3A_25 = arith.constant 0 : index
    %swap3A_26 = arith.constant 1 : index
    %swap3A_27 = vector.load %arg2[%swap3A_25, %swap3A_26] : memref<256x32xi32, #tpu.memory_space<vmem>>, vector<256x1xi32>
    tpu.vector_store %arg2[%swap3A_25, %swap3A_26], %broadcast_in_dim3A_24 {strides = array<i32>} : memref<256x32xi32, #tpu.memory_space<vmem>>, vector<256x1xi32>,
    %eq3A_28 = vector.broadcast %broadcast_in_dim3A_24 : vector<256x1xi32> to vector<256x784xi32>
    %eq3A_29 = arith.cmpi eq, %iota3A, %eq3A_28 : vector<256x784xi32>
    %jit3A_30 = arith.constant -3.000000e+38 : f32
    %broadcast_in_dim3A_31 = vector.broadcast %jit3A_30 : f32 to vector<256x784xf32>
    %select_n3A_32 = arith.select %eq3A_29, %broadcast_in_dim3A_31, %select_n3A_13 : vector<256x784xi1>, vector<256x784xf32>
    %reduce_max3A_33 = arith.constant dense<0xFF800000> : vector<256xf32>
    %reduce_max3A_34 = vector.multi_reduction <maximumf>, %select_n3A_32, %reduce_max3A_33 [1] : vector<256x784xf32> to vector<256xf32>
    %broadcast_in_dim3A_35 = vector.shape_cast %reduce_max3A_34 : vector<256xf32> to vector<256x1xf32>
    %eq3A_36 = vector.broadcast %broadcast_in_dim3A_35 : vector<256x1xf32> to vector<256x784xf32>
    %eq3A_37 = arith.cmpf oeq, %select_n3A_32, %eq3A_36 : vector<256x784xf32>
    %jit3A_38 = arith.constant 1073741824 : i32
    %broadcast_in_dim3A_39 = vector.broadcast %jit3A_38 : i32 to vector<256x784xi32>
    %select_n3A_40 = arith.select %eq3A_37, %iota3A, %broadcast_in_dim3A_39 : vector<256x784xi1>, vector<256x784xi32>
    %reduce_min3A_41 = arith.constant dense<2147483647> : vector<256xi32>
    %reduce_min3A_42 = vector.multi_reduction <minsi>, %select_n3A_40, %reduce_min3A_41 [1] : vector<256x784xi32> to vector<256xi32>
    %broadcast_in_dim3A_43 = vector.shape_cast %reduce_min3A_42 : vector<256xi32> to vector<256x1xi32>
    %swap3A_44 = arith.constant 0 : index
    %swap3A_45 = arith.constant 2 : index
    %swap3A_46 = vector.load %arg2[%swap3A_44, %swap3A_45] : memref<256x32xi32, #tpu.memory_space<vmem>>, vector<256x1xi32>
    tpu.vector_store %arg2[%swap3A_44, %swap3A_45], %broadcast_in_dim3A_43 {strides = array<i32>} : memref<256x32xi32, #tpu.memory_space<vmem>>, vector<256x1xi32>,
    %eq3A_47 = vector.broadcast %broadcast_in_dim3A_43 : vector<256x1xi32> to vector<256x784xi32>
    %eq3A_48 = arith.cmpi eq, %iota3A, %eq3A_47 : vector<256x784xi32>
    %jit3A_49 = arith.constant -3.000000e+38 : f32
    %broadcast_in_dim3A_50 = vector.broadcast %jit3A_49 : f32 to vector<256x784xf32>
    %select_n3A_51 = arith.select %eq3A_48, %broadcast_in_dim3A_50, %select_n3A_32 : vector<256x784xi1>, vector<256x784xf32>
    %reduce_max3A_52 = arith.constant dense<0xFF800000> : vector<256xf32>
    %reduce_max3A_53 = vector.multi_reduction <maximumf>, %select_n3A_51, %reduce_max3A_52 [1] : vector<256x784xf32> to vector<256xf32>
    %broadcast_in_dim3A_54 = vector.shape_cast %reduce_max3A_53 : vector<256xf32> to vector<256x1xf32>
    %eq3A_55 = vector.broadcast %broadcast_in_dim3A_54 : vector<256x1xf32> to vector<256x784xf32>
    %eq3A_56 = arith.cmpf oeq, %select_n3A_51, %eq3A_55 : vector<256x784xf32>
    %jit3A_57 = arith.constant 1073741824 : i32
    %broadcast_in_dim3A_58 = vector.broadcast %jit3A_57 : i32 to vector<256x784xi32>
    %select_n3A_59 = arith.select %eq3A_56, %iota3A, %broadcast_in_dim3A_58 : vector<256x784xi1>, vector<256x784xi32>
    %reduce_min3A_60 = arith.constant dense<2147483647> : vector<256xi32>
    %reduce_min3A_61 = vector.multi_reduction <minsi>, %select_n3A_59, %reduce_min3A_60 [1] : vector<256x784xi32> to vector<256xi32>
    %broadcast_in_dim3A_62 = vector.shape_cast %reduce_min3A_61 : vector<256xi32> to vector<256x1xi32>
    %swap3A_63 = arith.constant 0 : index
    %swap3A_64 = arith.constant 3 : index
    %swap3A_65 = vector.load %arg2[%swap3A_63, %swap3A_64] : memref<256x32xi32, #tpu.memory_space<vmem>>, vector<256x1xi32>
    tpu.vector_store %arg2[%swap3A_63, %swap3A_64], %broadcast_in_dim3A_62 {strides = array<i32>} : memref<256x32xi32, #tpu.memory_space<vmem>>, vector<256x1xi32>,
    %eq3A_66 = vector.broadcast %broadcast_in_dim3A_62 : vector<256x1xi32> to vector<256x784xi32>
    %eq3A_67 = arith.cmpi eq, %iota3A, %eq3A_66 : vector<256x784xi32>
    %jit3A_68 = arith.constant -3.000000e+38 : f32
    %broadcast_in_dim3A_69 = vector.broadcast %jit3A_68 : f32 to vector<256x784xf32>
    %select_n3A_70 = arith.select %eq3A_67, %broadcast_in_dim3A_69, %select_n3A_51 : vector<256x784xi1>, vector<256x784xf32>
    %reduce_max3A_71 = arith.constant dense<0xFF800000> : vector<256xf32>
    %reduce_max3A_72 = vector.multi_reduction <maximumf>, %select_n3A_70, %reduce_max3A_71 [1] : vector<256x784xf32> to vector<256xf32>
    %broadcast_in_dim3A_73 = vector.shape_cast %reduce_max3A_72 : vector<256xf32> to vector<256x1xf32>
    %eq3A_74 = vector.broadcast %broadcast_in_dim3A_73 : vector<256x1xf32> to vector<256x784xf32>
    %eq3A_75 = arith.cmpf oeq, %select_n3A_70, %eq3A_74 : vector<256x784xf32>
    %jit3A_76 = arith.constant 1073741824 : i32
    %broadcast_in_dim3A_77 = vector.broadcast %jit3A_76 : i32 to vector<256x784xi32>
    %select_n3A_78 = arith.select %eq3A_75, %iota3A, %broadcast_in_dim3A_77 : vector<256x784xi1>, vector<256x784xi32>
    %reduce_min3A_79 = arith.constant dense<2147483647> : vector<256xi32>
    %reduce_min3A_80 = vector.multi_reduction <minsi>, %select_n3A_78, %reduce_min3A_79 [1] : vector<256x784xi32> to vector<256xi32>
    %broadcast_in_dim3A_81 = vector.shape_cast %reduce_min3A_80 : vector<256xi32> to vector<256x1xi32>
    %swap3A_82 = arith.constant 0 : index
    %swap3A_83 = arith.constant 4 : index
    %swap3A_84 = vector.load %arg2[%swap3A_82, %swap3A_83] : memref<256x32xi32, #tpu.memory_space<vmem>>, vector<256x1xi32>
    tpu.vector_store %arg2[%swap3A_82, %swap3A_83], %broadcast_in_dim3A_81 {strides = array<i32>} : memref<256x32xi32, #tpu.memory_space<vmem>>, vector<256x1xi32>,
    %eq3A_85 = vector.broadcast %broadcast_in_dim3A_81 : vector<256x1xi32> to vector<256x784xi32>
    %eq3A_86 = arith.cmpi eq, %iota3A, %eq3A_85 : vector<256x784xi32>
    %jit3A_87 = arith.constant -3.000000e+38 : f32
    %broadcast_in_dim3A_88 = vector.broadcast %jit3A_87 : f32 to vector<256x784xf32>
    %select_n3A_89 = arith.select %eq3A_86, %broadcast_in_dim3A_88, %select_n3A_70 : vector<256x784xi1>, vector<256x784xf32>
    %reduce_max3A_90 = arith.constant dense<0xFF800000> : vector<256xf32>
    %reduce_max3A_91 = vector.multi_reduction <maximumf>, %select_n3A_89, %reduce_max3A_90 [1] : vector<256x784xf32> to vector<256xf32>
    %broadcast_in_dim3A_92 = vector.shape_cast %reduce_max3A_91 : vector<256xf32> to vector<256x1xf32>
    %eq3A_93 = vector.broadcast %broadcast_in_dim3A_92 : vector<256x1xf32> to vector<256x784xf32>
    %eq3A_94 = arith.cmpf oeq, %select_n3A_89, %eq3A_93 : vector<256x784xf32>
    %jit3A_95 = arith.constant 1073741824 : i32
    %broadcast_in_dim3A_96 = vector.broadcast %jit3A_95 : i32 to vector<256x784xi32>
    %select_n3A_97 = arith.select %eq3A_94, %iota3A, %broadcast_in_dim3A_96 : vector<256x784xi1>, vector<256x784xi32>
    %reduce_min3A_98 = arith.constant dense<2147483647> : vector<256xi32>
    %reduce_min3A_99 = vector.multi_reduction <minsi>, %select_n3A_97, %reduce_min3A_98 [1] : vector<256x784xi32> to vector<256xi32>
    %broadcast_in_dim3A_100 = vector.shape_cast %reduce_min3A_99 : vector<256xi32> to vector<256x1xi32>
    %swap3A_101 = arith.constant 0 : index
    %swap3A_102 = arith.constant 5 : index
    %swap3A_103 = vector.load %arg2[%swap3A_101, %swap3A_102] : memref<256x32xi32, #tpu.memory_space<vmem>>, vector<256x1xi32>
    tpu.vector_store %arg2[%swap3A_101, %swap3A_102], %broadcast_in_dim3A_100 {strides = array<i32>} : memref<256x32xi32, #tpu.memory_space<vmem>>, vector<256x1xi32>,
    %eq3A_104 = vector.broadcast %broadcast_in_dim3A_100 : vector<256x1xi32> to vector<256x784xi32>
    %eq3A_105 = arith.cmpi eq, %iota3A, %eq3A_104 : vector<256x784xi32>
    %jit3A_106 = arith.constant -3.000000e+38 : f32
    %broadcast_in_dim3A_107 = vector.broadcast %jit3A_106 : f32 to vector<256x784xf32>
    %select_n3A_108 = arith.select %eq3A_105, %broadcast_in_dim3A_107, %select_n3A_89 : vector<256x784xi1>, vector<256x784xf32>
    %reduce_max3A_109 = arith.constant dense<0xFF800000> : vector<256xf32>
    %reduce_max3A_110 = vector.multi_reduction <maximumf>, %select_n3A_108, %reduce_max3A_109 [1] : vector<256x784xf32> to vector<256xf32>
    %broadcast_in_dim3A_111 = vector.shape_cast %reduce_max3A_110 : vector<256xf32> to vector<256x1xf32>
    %eq3A_112 = vector.broadcast %broadcast_in_dim3A_111 : vector<256x1xf32> to vector<256x784xf32>
    %eq3A_113 = arith.cmpf oeq, %select_n3A_108, %eq3A_112 : vector<256x784xf32>
    %jit3A_114 = arith.constant 1073741824 : i32
    %broadcast_in_dim3A_115 = vector.broadcast %jit3A_114 : i32 to vector<256x784xi32>
    %select_n3A_116 = arith.select %eq3A_113, %iota3A, %broadcast_in_dim3A_115 : vector<256x784xi1>, vector<256x784xi32>
    %reduce_min3A_117 = arith.constant dense<2147483647> : vector<256xi32>
    %reduce_min3A_118 = vector.multi_reduction <minsi>, %select_n3A_116, %reduce_min3A_117 [1] : vector<256x784xi32> to vector<256xi32>
    %broadcast_in_dim3A_119 = vector.shape_cast %reduce_min3A_118 : vector<256xi32> to vector<256x1xi32>
    %swap3A_120 = arith.constant 0 : index
    %swap3A_121 = arith.constant 6 : index
    %swap3A_122 = vector.load %arg2[%swap3A_120, %swap3A_121] : memref<256x32xi32, #tpu.memory_space<vmem>>, vector<256x1xi32>
    tpu.vector_store %arg2[%swap3A_120, %swap3A_121], %broadcast_in_dim3A_119 {strides = array<i32>} : memref<256x32xi32, #tpu.memory_space<vmem>>, vector<256x1xi32>,
    %eq3A_123 = vector.broadcast %broadcast_in_dim3A_119 : vector<256x1xi32> to vector<256x784xi32>
    %eq3A_124 = arith.cmpi eq, %iota3A, %eq3A_123 : vector<256x784xi32>
    %jit3A_125 = arith.constant -3.000000e+38 : f32
    %broadcast_in_dim3A_126 = vector.broadcast %jit3A_125 : f32 to vector<256x784xf32>
    %select_n3A_127 = arith.select %eq3A_124, %broadcast_in_dim3A_126, %select_n3A_108 : vector<256x784xi1>, vector<256x784xf32>
    %reduce_max3A_128 = arith.constant dense<0xFF800000> : vector<256xf32>
    %reduce_max3A_129 = vector.multi_reduction <maximumf>, %select_n3A_127, %reduce_max3A_128 [1] : vector<256x784xf32> to vector<256xf32>
    %broadcast_in_dim3A_130 = vector.shape_cast %reduce_max3A_129 : vector<256xf32> to vector<256x1xf32>
    %eq3A_131 = vector.broadcast %broadcast_in_dim3A_130 : vector<256x1xf32> to vector<256x784xf32>
    %eq3A_132 = arith.cmpf oeq, %select_n3A_127, %eq3A_131 : vector<256x784xf32>
    %jit3A_133 = arith.constant 1073741824 : i32
    %broadcast_in_dim3A_134 = vector.broadcast %jit3A_133 : i32 to vector<256x784xi32>
    %select_n3A_135 = arith.select %eq3A_132, %iota3A, %broadcast_in_dim3A_134 : vector<256x784xi1>, vector<256x784xi32>
    %reduce_min3A_136 = arith.constant dense<2147483647> : vector<256xi32>
    %reduce_min3A_137 = vector.multi_reduction <minsi>, %select_n3A_135, %reduce_min3A_136 [1] : vector<256x784xi32> to vector<256xi32>
    %broadcast_in_dim3A_138 = vector.shape_cast %reduce_min3A_137 : vector<256xi32> to vector<256x1xi32>
    %swap3A_139 = arith.constant 0 : index
    %swap3A_140 = arith.constant 7 : index
    %swap3A_141 = vector.load %arg2[%swap3A_139, %swap3A_140] : memref<256x32xi32, #tpu.memory_space<vmem>>, vector<256x1xi32>
    tpu.vector_store %arg2[%swap3A_139, %swap3A_140], %broadcast_in_dim3A_138 {strides = array<i32>} : memref<256x32xi32, #tpu.memory_space<vmem>>, vector<256x1xi32>,
    %eq3A_142 = vector.broadcast %broadcast_in_dim3A_138 : vector<256x1xi32> to vector<256x784xi32>
    %eq3A_143 = arith.cmpi eq, %iota3A, %eq3A_142 : vector<256x784xi32>
    %jit3A_144 = arith.constant -3.000000e+38 : f32
    %broadcast_in_dim3A_145 = vector.broadcast %jit3A_144 : f32 to vector<256x784xf32>
    %select_n3A_146 = arith.select %eq3A_143, %broadcast_in_dim3A_145, %select_n3A_127 : vector<256x784xi1>, vector<256x784xf32>
    %reduce_max3A_147 = arith.constant dense<0xFF800000> : vector<256xf32>
    %reduce_max3A_148 = vector.multi_reduction <maximumf>, %select_n3A_146, %reduce_max3A_147 [1] : vector<256x784xf32> to vector<256xf32>
    %broadcast_in_dim3A_149 = vector.shape_cast %reduce_max3A_148 : vector<256xf32> to vector<256x1xf32>
    %eq3A_150 = vector.broadcast %broadcast_in_dim3A_149 : vector<256x1xf32> to vector<256x784xf32>
    %eq3A_151 = arith.cmpf oeq, %select_n3A_146, %eq3A_150 : vector<256x784xf32>
    %jit3A_152 = arith.constant 1073741824 : i32
    %broadcast_in_dim3A_153 = vector.broadcast %jit3A_152 : i32 to vector<256x784xi32>
    %select_n3A_154 = arith.select %eq3A_151, %iota3A, %broadcast_in_dim3A_153 : vector<256x784xi1>, vector<256x784xi32>
    %reduce_min3A_155 = arith.constant dense<2147483647> : vector<256xi32>
    %reduce_min3A_156 = vector.multi_reduction <minsi>, %select_n3A_154, %reduce_min3A_155 [1] : vector<256x784xi32> to vector<256xi32>
    %broadcast_in_dim3A_157 = vector.shape_cast %reduce_min3A_156 : vector<256xi32> to vector<256x1xi32>
    %swap3A_158 = arith.constant 0 : index
    %swap3A_159 = arith.constant 8 : index
    %swap3A_160 = vector.load %arg2[%swap3A_158, %swap3A_159] : memref<256x32xi32, #tpu.memory_space<vmem>>, vector<256x1xi32>
    tpu.vector_store %arg2[%swap3A_158, %swap3A_159], %broadcast_in_dim3A_157 {strides = array<i32>} : memref<256x32xi32, #tpu.memory_space<vmem>>, vector<256x1xi32>,
    %eq3A_161 = vector.broadcast %broadcast_in_dim3A_157 : vector<256x1xi32> to vector<256x784xi32>
    %eq3A_162 = arith.cmpi eq, %iota3A, %eq3A_161 : vector<256x784xi32>
    %jit3A_163 = arith.constant -3.000000e+38 : f32
    %broadcast_in_dim3A_164 = vector.broadcast %jit3A_163 : f32 to vector<256x784xf32>
    %select_n3A_165 = arith.select %eq3A_162, %broadcast_in_dim3A_164, %select_n3A_146 : vector<256x784xi1>, vector<256x784xf32>
    %reduce_max3A_166 = arith.constant dense<0xFF800000> : vector<256xf32>
    %reduce_max3A_167 = vector.multi_reduction <maximumf>, %select_n3A_165, %reduce_max3A_166 [1] : vector<256x784xf32> to vector<256xf32>
    %broadcast_in_dim3A_168 = vector.shape_cast %reduce_max3A_167 : vector<256xf32> to vector<256x1xf32>
    %eq3A_169 = vector.broadcast %broadcast_in_dim3A_168 : vector<256x1xf32> to vector<256x784xf32>
    %eq3A_170 = arith.cmpf oeq, %select_n3A_165, %eq3A_169 : vector<256x784xf32>
    %jit3A_171 = arith.constant 1073741824 : i32
    %broadcast_in_dim3A_172 = vector.broadcast %jit3A_171 : i32 to vector<256x784xi32>
    %select_n3A_173 = arith.select %eq3A_170, %iota3A, %broadcast_in_dim3A_172 : vector<256x784xi1>, vector<256x784xi32>
    %reduce_min3A_174 = arith.constant dense<2147483647> : vector<256xi32>
    %reduce_min3A_175 = vector.multi_reduction <minsi>, %select_n3A_173, %reduce_min3A_174 [1] : vector<256x784xi32> to vector<256xi32>
    %broadcast_in_dim3A_176 = vector.shape_cast %reduce_min3A_175 : vector<256xi32> to vector<256x1xi32>
    %swap3A_177 = arith.constant 0 : index
    %swap3A_178 = arith.constant 9 : index
    %swap3A_179 = vector.load %arg2[%swap3A_177, %swap3A_178] : memref<256x32xi32, #tpu.memory_space<vmem>>, vector<256x1xi32>
    tpu.vector_store %arg2[%swap3A_177, %swap3A_178], %broadcast_in_dim3A_176 {strides = array<i32>} : memref<256x32xi32, #tpu.memory_space<vmem>>, vector<256x1xi32>,
    %eq3A_180 = vector.broadcast %broadcast_in_dim3A_176 : vector<256x1xi32> to vector<256x784xi32>
    %eq3A_181 = arith.cmpi eq, %iota3A, %eq3A_180 : vector<256x784xi32>
    %jit3A_182 = arith.constant -3.000000e+38 : f32
    %broadcast_in_dim3A_183 = vector.broadcast %jit3A_182 : f32 to vector<256x784xf32>
    %select_n3A_184 = arith.select %eq3A_181, %broadcast_in_dim3A_183, %select_n3A_165 : vector<256x784xi1>, vector<256x784xf32>
    %reduce_max3A_185 = arith.constant dense<0xFF800000> : vector<256xf32>
    %reduce_max3A_186 = vector.multi_reduction <maximumf>, %select_n3A_184, %reduce_max3A_185 [1] : vector<256x784xf32> to vector<256xf32>
    %broadcast_in_dim3A_187 = vector.shape_cast %reduce_max3A_186 : vector<256xf32> to vector<256x1xf32>
    %eq3A_188 = vector.broadcast %broadcast_in_dim3A_187 : vector<256x1xf32> to vector<256x784xf32>
    %eq3A_189 = arith.cmpf oeq, %select_n3A_184, %eq3A_188 : vector<256x784xf32>
    %jit3A_190 = arith.constant 1073741824 : i32
    %broadcast_in_dim3A_191 = vector.broadcast %jit3A_190 : i32 to vector<256x784xi32>
    %select_n3A_192 = arith.select %eq3A_189, %iota3A, %broadcast_in_dim3A_191 : vector<256x784xi1>, vector<256x784xi32>
    %reduce_min3A_193 = arith.constant dense<2147483647> : vector<256xi32>
    %reduce_min3A_194 = vector.multi_reduction <minsi>, %select_n3A_192, %reduce_min3A_193 [1] : vector<256x784xi32> to vector<256xi32>
    %broadcast_in_dim3A_195 = vector.shape_cast %reduce_min3A_194 : vector<256xi32> to vector<256x1xi32>
    %swap3A_196 = arith.constant 0 : index
    %swap3A_197 = arith.constant 10 : index
    %swap3A_198 = vector.load %arg2[%swap3A_196, %swap3A_197] : memref<256x32xi32, #tpu.memory_space<vmem>>, vector<256x1xi32>
    tpu.vector_store %arg2[%swap3A_196, %swap3A_197], %broadcast_in_dim3A_195 {strides = array<i32>} : memref<256x32xi32, #tpu.memory_space<vmem>>, vector<256x1xi32>,
    %eq3A_199 = vector.broadcast %broadcast_in_dim3A_195 : vector<256x1xi32> to vector<256x784xi32>
    %eq3A_200 = arith.cmpi eq, %iota3A, %eq3A_199 : vector<256x784xi32>
    %jit3A_201 = arith.constant -3.000000e+38 : f32
    %broadcast_in_dim3A_202 = vector.broadcast %jit3A_201 : f32 to vector<256x784xf32>
    %select_n3A_203 = arith.select %eq3A_200, %broadcast_in_dim3A_202, %select_n3A_184 : vector<256x784xi1>, vector<256x784xf32>
    %reduce_max3A_204 = arith.constant dense<0xFF800000> : vector<256xf32>
    %reduce_max3A_205 = vector.multi_reduction <maximumf>, %select_n3A_203, %reduce_max3A_204 [1] : vector<256x784xf32> to vector<256xf32>
    %broadcast_in_dim3A_206 = vector.shape_cast %reduce_max3A_205 : vector<256xf32> to vector<256x1xf32>
    %eq3A_207 = vector.broadcast %broadcast_in_dim3A_206 : vector<256x1xf32> to vector<256x784xf32>
    %eq3A_208 = arith.cmpf oeq, %select_n3A_203, %eq3A_207 : vector<256x784xf32>
    %jit3A_209 = arith.constant 1073741824 : i32
    %broadcast_in_dim3A_210 = vector.broadcast %jit3A_209 : i32 to vector<256x784xi32>
    %select_n3A_211 = arith.select %eq3A_208, %iota3A, %broadcast_in_dim3A_210 : vector<256x784xi1>, vector<256x784xi32>
    %reduce_min3A_212 = arith.constant dense<2147483647> : vector<256xi32>
    %reduce_min3A_213 = vector.multi_reduction <minsi>, %select_n3A_211, %reduce_min3A_212 [1] : vector<256x784xi32> to vector<256xi32>
    %broadcast_in_dim3A_214 = vector.shape_cast %reduce_min3A_213 : vector<256xi32> to vector<256x1xi32>
    %swap3A_215 = arith.constant 0 : index
    %swap3A_216 = arith.constant 11 : index
    %swap3A_217 = vector.load %arg2[%swap3A_215, %swap3A_216] : memref<256x32xi32, #tpu.memory_space<vmem>>, vector<256x1xi32>
    tpu.vector_store %arg2[%swap3A_215, %swap3A_216], %broadcast_in_dim3A_214 {strides = array<i32>} : memref<256x32xi32, #tpu.memory_space<vmem>>, vector<256x1xi32>,
    %eq3A_218 = vector.broadcast %broadcast_in_dim3A_214 : vector<256x1xi32> to vector<256x784xi32>
    %eq3A_219 = arith.cmpi eq, %iota3A, %eq3A_218 : vector<256x784xi32>
    %jit3A_220 = arith.constant -3.000000e+38 : f32
    %broadcast_in_dim3A_221 = vector.broadcast %jit3A_220 : f32 to vector<256x784xf32>
    %select_n3A_222 = arith.select %eq3A_219, %broadcast_in_dim3A_221, %select_n3A_203 : vector<256x784xi1>, vector<256x784xf32>
    %reduce_max3A_223 = arith.constant dense<0xFF800000> : vector<256xf32>
    %reduce_max3A_224 = vector.multi_reduction <maximumf>, %select_n3A_222, %reduce_max3A_223 [1] : vector<256x784xf32> to vector<256xf32>
    %broadcast_in_dim3A_225 = vector.shape_cast %reduce_max3A_224 : vector<256xf32> to vector<256x1xf32>
    %eq3A_226 = vector.broadcast %broadcast_in_dim3A_225 : vector<256x1xf32> to vector<256x784xf32>
    %eq3A_227 = arith.cmpf oeq, %select_n3A_222, %eq3A_226 : vector<256x784xf32>
    %jit3A_228 = arith.constant 1073741824 : i32
    %broadcast_in_dim3A_229 = vector.broadcast %jit3A_228 : i32 to vector<256x784xi32>
    %select_n3A_230 = arith.select %eq3A_227, %iota3A, %broadcast_in_dim3A_229 : vector<256x784xi1>, vector<256x784xi32>
    %reduce_min3A_231 = arith.constant dense<2147483647> : vector<256xi32>
    %reduce_min3A_232 = vector.multi_reduction <minsi>, %select_n3A_230, %reduce_min3A_231 [1] : vector<256x784xi32> to vector<256xi32>
    %broadcast_in_dim3A_233 = vector.shape_cast %reduce_min3A_232 : vector<256xi32> to vector<256x1xi32>
    %swap3A_234 = arith.constant 0 : index
    %swap3A_235 = arith.constant 12 : index
    %swap3A_236 = vector.load %arg2[%swap3A_234, %swap3A_235] : memref<256x32xi32, #tpu.memory_space<vmem>>, vector<256x1xi32>
    tpu.vector_store %arg2[%swap3A_234, %swap3A_235], %broadcast_in_dim3A_233 {strides = array<i32>} : memref<256x32xi32, #tpu.memory_space<vmem>>, vector<256x1xi32>,
    %eq3A_237 = vector.broadcast %broadcast_in_dim3A_233 : vector<256x1xi32> to vector<256x784xi32>
    %eq3A_238 = arith.cmpi eq, %iota3A, %eq3A_237 : vector<256x784xi32>
    %jit3A_239 = arith.constant -3.000000e+38 : f32
    %broadcast_in_dim3A_240 = vector.broadcast %jit3A_239 : f32 to vector<256x784xf32>
    %select_n3A_241 = arith.select %eq3A_238, %broadcast_in_dim3A_240, %select_n3A_222 : vector<256x784xi1>, vector<256x784xf32>
    %reduce_max3A_242 = arith.constant dense<0xFF800000> : vector<256xf32>
    %reduce_max3A_243 = vector.multi_reduction <maximumf>, %select_n3A_241, %reduce_max3A_242 [1] : vector<256x784xf32> to vector<256xf32>
    %broadcast_in_dim3A_244 = vector.shape_cast %reduce_max3A_243 : vector<256xf32> to vector<256x1xf32>
    %eq3A_245 = vector.broadcast %broadcast_in_dim3A_244 : vector<256x1xf32> to vector<256x784xf32>
    %eq3A_246 = arith.cmpf oeq, %select_n3A_241, %eq3A_245 : vector<256x784xf32>
    %jit3A_247 = arith.constant 1073741824 : i32
    %broadcast_in_dim3A_248 = vector.broadcast %jit3A_247 : i32 to vector<256x784xi32>
    %select_n3A_249 = arith.select %eq3A_246, %iota3A, %broadcast_in_dim3A_248 : vector<256x784xi1>, vector<256x784xi32>
    %reduce_min3A_250 = arith.constant dense<2147483647> : vector<256xi32>
    %reduce_min3A_251 = vector.multi_reduction <minsi>, %select_n3A_249, %reduce_min3A_250 [1] : vector<256x784xi32> to vector<256xi32>
    %broadcast_in_dim3A_252 = vector.shape_cast %reduce_min3A_251 : vector<256xi32> to vector<256x1xi32>
    %swap3A_253 = arith.constant 0 : index
    %swap3A_254 = arith.constant 13 : index
    %swap3A_255 = vector.load %arg2[%swap3A_253, %swap3A_254] : memref<256x32xi32, #tpu.memory_space<vmem>>, vector<256x1xi32>
    tpu.vector_store %arg2[%swap3A_253, %swap3A_254], %broadcast_in_dim3A_252 {strides = array<i32>} : memref<256x32xi32, #tpu.memory_space<vmem>>, vector<256x1xi32>,
    %eq3A_256 = vector.broadcast %broadcast_in_dim3A_252 : vector<256x1xi32> to vector<256x784xi32>
    %eq3A_257 = arith.cmpi eq, %iota3A, %eq3A_256 : vector<256x784xi32>
    %jit3A_258 = arith.constant -3.000000e+38 : f32
    %broadcast_in_dim3A_259 = vector.broadcast %jit3A_258 : f32 to vector<256x784xf32>
    %select_n3A_260 = arith.select %eq3A_257, %broadcast_in_dim3A_259, %select_n3A_241 : vector<256x784xi1>, vector<256x784xf32>
    %reduce_max3A_261 = arith.constant dense<0xFF800000> : vector<256xf32>
    %reduce_max3A_262 = vector.multi_reduction <maximumf>, %select_n3A_260, %reduce_max3A_261 [1] : vector<256x784xf32> to vector<256xf32>
    %broadcast_in_dim3A_263 = vector.shape_cast %reduce_max3A_262 : vector<256xf32> to vector<256x1xf32>
    %eq3A_264 = vector.broadcast %broadcast_in_dim3A_263 : vector<256x1xf32> to vector<256x784xf32>
    %eq3A_265 = arith.cmpf oeq, %select_n3A_260, %eq3A_264 : vector<256x784xf32>
    %jit3A_266 = arith.constant 1073741824 : i32
    %broadcast_in_dim3A_267 = vector.broadcast %jit3A_266 : i32 to vector<256x784xi32>
    %select_n3A_268 = arith.select %eq3A_265, %iota3A, %broadcast_in_dim3A_267 : vector<256x784xi1>, vector<256x784xi32>
    %reduce_min3A_269 = arith.constant dense<2147483647> : vector<256xi32>
    %reduce_min3A_270 = vector.multi_reduction <minsi>, %select_n3A_268, %reduce_min3A_269 [1] : vector<256x784xi32> to vector<256xi32>
    %broadcast_in_dim3A_271 = vector.shape_cast %reduce_min3A_270 : vector<256xi32> to vector<256x1xi32>
    %swap3A_272 = arith.constant 0 : index
    %swap3A_273 = arith.constant 14 : index
    %swap3A_274 = vector.load %arg2[%swap3A_272, %swap3A_273] : memref<256x32xi32, #tpu.memory_space<vmem>>, vector<256x1xi32>
    tpu.vector_store %arg2[%swap3A_272, %swap3A_273], %broadcast_in_dim3A_271 {strides = array<i32>} : memref<256x32xi32, #tpu.memory_space<vmem>>, vector<256x1xi32>,
    %eq3A_275 = vector.broadcast %broadcast_in_dim3A_271 : vector<256x1xi32> to vector<256x784xi32>
    %eq3A_276 = arith.cmpi eq, %iota3A, %eq3A_275 : vector<256x784xi32>
    %jit3A_277 = arith.constant -3.000000e+38 : f32
    %broadcast_in_dim3A_278 = vector.broadcast %jit3A_277 : f32 to vector<256x784xf32>
    %select_n3A_279 = arith.select %eq3A_276, %broadcast_in_dim3A_278, %select_n3A_260 : vector<256x784xi1>, vector<256x784xf32>
    %reduce_max3A_280 = arith.constant dense<0xFF800000> : vector<256xf32>
    %reduce_max3A_281 = vector.multi_reduction <maximumf>, %select_n3A_279, %reduce_max3A_280 [1] : vector<256x784xf32> to vector<256xf32>
    %broadcast_in_dim3A_282 = vector.shape_cast %reduce_max3A_281 : vector<256xf32> to vector<256x1xf32>
    %eq3A_283 = vector.broadcast %broadcast_in_dim3A_282 : vector<256x1xf32> to vector<256x784xf32>
    %eq3A_284 = arith.cmpf oeq, %select_n3A_279, %eq3A_283 : vector<256x784xf32>
    %jit3A_285 = arith.constant 1073741824 : i32
    %broadcast_in_dim3A_286 = vector.broadcast %jit3A_285 : i32 to vector<256x784xi32>
    %select_n3A_287 = arith.select %eq3A_284, %iota3A, %broadcast_in_dim3A_286 : vector<256x784xi1>, vector<256x784xi32>
    %reduce_min3A_288 = arith.constant dense<2147483647> : vector<256xi32>
    %reduce_min3A_289 = vector.multi_reduction <minsi>, %select_n3A_287, %reduce_min3A_288 [1] : vector<256x784xi32> to vector<256xi32>
    %broadcast_in_dim3A_290 = vector.shape_cast %reduce_min3A_289 : vector<256xi32> to vector<256x1xi32>
    %swap3A_291 = arith.constant 0 : index
    %swap3A_292 = arith.constant 15 : index
    %swap3A_293 = vector.load %arg2[%swap3A_291, %swap3A_292] : memref<256x32xi32, #tpu.memory_space<vmem>>, vector<256x1xi32>
    tpu.vector_store %arg2[%swap3A_291, %swap3A_292], %broadcast_in_dim3A_290 {strides = array<i32>} : memref<256x32xi32, #tpu.memory_space<vmem>>, vector<256x1xi32>,
    %eq3A_294 = vector.broadcast %broadcast_in_dim3A_290 : vector<256x1xi32> to vector<256x784xi32>
    %eq3A_295 = arith.cmpi eq, %iota3A, %eq3A_294 : vector<256x784xi32>
    %jit3A_296 = arith.constant -3.000000e+38 : f32
    %broadcast_in_dim3A_297 = vector.broadcast %jit3A_296 : f32 to vector<256x784xf32>
    %select_n3A_298 = arith.select %eq3A_295, %broadcast_in_dim3A_297, %select_n3A_279 : vector<256x784xi1>, vector<256x784xf32>
    %reduce_max3A_299 = arith.constant dense<0xFF800000> : vector<256xf32>
    %reduce_max3A_300 = vector.multi_reduction <maximumf>, %select_n3A_298, %reduce_max3A_299 [1] : vector<256x784xf32> to vector<256xf32>
    %broadcast_in_dim3A_301 = vector.shape_cast %reduce_max3A_300 : vector<256xf32> to vector<256x1xf32>
    %eq3A_302 = vector.broadcast %broadcast_in_dim3A_301 : vector<256x1xf32> to vector<256x784xf32>
    %eq3A_303 = arith.cmpf oeq, %select_n3A_298, %eq3A_302 : vector<256x784xf32>
    %jit3A_304 = arith.constant 1073741824 : i32
    %broadcast_in_dim3A_305 = vector.broadcast %jit3A_304 : i32 to vector<256x784xi32>
    %select_n3A_306 = arith.select %eq3A_303, %iota3A, %broadcast_in_dim3A_305 : vector<256x784xi1>, vector<256x784xi32>
    %reduce_min3A_307 = arith.constant dense<2147483647> : vector<256xi32>
    %reduce_min3A_308 = vector.multi_reduction <minsi>, %select_n3A_306, %reduce_min3A_307 [1] : vector<256x784xi32> to vector<256xi32>
    %broadcast_in_dim3A_309 = vector.shape_cast %reduce_min3A_308 : vector<256xi32> to vector<256x1xi32>
    %swap3A_310 = arith.constant 0 : index
    %swap3A_311 = arith.constant 16 : index
    %swap3A_312 = vector.load %arg2[%swap3A_310, %swap3A_311] : memref<256x32xi32, #tpu.memory_space<vmem>>, vector<256x1xi32>
    tpu.vector_store %arg2[%swap3A_310, %swap3A_311], %broadcast_in_dim3A_309 {strides = array<i32>} : memref<256x32xi32, #tpu.memory_space<vmem>>, vector<256x1xi32>,
    %eq3A_313 = vector.broadcast %broadcast_in_dim3A_309 : vector<256x1xi32> to vector<256x784xi32>
    %eq3A_314 = arith.cmpi eq, %iota3A, %eq3A_313 : vector<256x784xi32>
    %jit3A_315 = arith.constant -3.000000e+38 : f32
    %broadcast_in_dim3A_316 = vector.broadcast %jit3A_315 : f32 to vector<256x784xf32>
    %select_n3A_317 = arith.select %eq3A_314, %broadcast_in_dim3A_316, %select_n3A_298 : vector<256x784xi1>, vector<256x784xf32>
    %reduce_max3A_318 = arith.constant dense<0xFF800000> : vector<256xf32>
    %reduce_max3A_319 = vector.multi_reduction <maximumf>, %select_n3A_317, %reduce_max3A_318 [1] : vector<256x784xf32> to vector<256xf32>
    %broadcast_in_dim3A_320 = vector.shape_cast %reduce_max3A_319 : vector<256xf32> to vector<256x1xf32>
    %eq3A_321 = vector.broadcast %broadcast_in_dim3A_320 : vector<256x1xf32> to vector<256x784xf32>
    %eq3A_322 = arith.cmpf oeq, %select_n3A_317, %eq3A_321 : vector<256x784xf32>
    %jit3A_323 = arith.constant 1073741824 : i32
    %broadcast_in_dim3A_324 = vector.broadcast %jit3A_323 : i32 to vector<256x784xi32>
    %select_n3A_325 = arith.select %eq3A_322, %iota3A, %broadcast_in_dim3A_324 : vector<256x784xi1>, vector<256x784xi32>
    %reduce_min3A_326 = arith.constant dense<2147483647> : vector<256xi32>
    %reduce_min3A_327 = vector.multi_reduction <minsi>, %select_n3A_325, %reduce_min3A_326 [1] : vector<256x784xi32> to vector<256xi32>
    %broadcast_in_dim3A_328 = vector.shape_cast %reduce_min3A_327 : vector<256xi32> to vector<256x1xi32>
    %swap3A_329 = arith.constant 0 : index
    %swap3A_330 = arith.constant 17 : index
    %swap3A_331 = vector.load %arg2[%swap3A_329, %swap3A_330] : memref<256x32xi32, #tpu.memory_space<vmem>>, vector<256x1xi32>
    tpu.vector_store %arg2[%swap3A_329, %swap3A_330], %broadcast_in_dim3A_328 {strides = array<i32>} : memref<256x32xi32, #tpu.memory_space<vmem>>, vector<256x1xi32>,
    %eq3A_332 = vector.broadcast %broadcast_in_dim3A_328 : vector<256x1xi32> to vector<256x784xi32>
    %eq3A_333 = arith.cmpi eq, %iota3A, %eq3A_332 : vector<256x784xi32>
    %jit3A_334 = arith.constant -3.000000e+38 : f32
    %broadcast_in_dim3A_335 = vector.broadcast %jit3A_334 : f32 to vector<256x784xf32>
    %select_n3A_336 = arith.select %eq3A_333, %broadcast_in_dim3A_335, %select_n3A_317 : vector<256x784xi1>, vector<256x784xf32>
    %reduce_max3A_337 = arith.constant dense<0xFF800000> : vector<256xf32>
    %reduce_max3A_338 = vector.multi_reduction <maximumf>, %select_n3A_336, %reduce_max3A_337 [1] : vector<256x784xf32> to vector<256xf32>
    %broadcast_in_dim3A_339 = vector.shape_cast %reduce_max3A_338 : vector<256xf32> to vector<256x1xf32>
    %eq3A_340 = vector.broadcast %broadcast_in_dim3A_339 : vector<256x1xf32> to vector<256x784xf32>
    %eq3A_341 = arith.cmpf oeq, %select_n3A_336, %eq3A_340 : vector<256x784xf32>
    %jit3A_342 = arith.constant 1073741824 : i32
    %broadcast_in_dim3A_343 = vector.broadcast %jit3A_342 : i32 to vector<256x784xi32>
    %select_n3A_344 = arith.select %eq3A_341, %iota3A, %broadcast_in_dim3A_343 : vector<256x784xi1>, vector<256x784xi32>
    %reduce_min3A_345 = arith.constant dense<2147483647> : vector<256xi32>
    %reduce_min3A_346 = vector.multi_reduction <minsi>, %select_n3A_344, %reduce_min3A_345 [1] : vector<256x784xi32> to vector<256xi32>
    %broadcast_in_dim3A_347 = vector.shape_cast %reduce_min3A_346 : vector<256xi32> to vector<256x1xi32>
    %swap3A_348 = arith.constant 0 : index
    %swap3A_349 = arith.constant 18 : index
    %swap3A_350 = vector.load %arg2[%swap3A_348, %swap3A_349] : memref<256x32xi32, #tpu.memory_space<vmem>>, vector<256x1xi32>
    tpu.vector_store %arg2[%swap3A_348, %swap3A_349], %broadcast_in_dim3A_347 {strides = array<i32>} : memref<256x32xi32, #tpu.memory_space<vmem>>, vector<256x1xi32>,
    %eq3A_351 = vector.broadcast %broadcast_in_dim3A_347 : vector<256x1xi32> to vector<256x784xi32>
    %eq3A_352 = arith.cmpi eq, %iota3A, %eq3A_351 : vector<256x784xi32>
    %jit3A_353 = arith.constant -3.000000e+38 : f32
    %broadcast_in_dim3A_354 = vector.broadcast %jit3A_353 : f32 to vector<256x784xf32>
    %select_n3A_355 = arith.select %eq3A_352, %broadcast_in_dim3A_354, %select_n3A_336 : vector<256x784xi1>, vector<256x784xf32>
    %reduce_max3A_356 = arith.constant dense<0xFF800000> : vector<256xf32>
    %reduce_max3A_357 = vector.multi_reduction <maximumf>, %select_n3A_355, %reduce_max3A_356 [1] : vector<256x784xf32> to vector<256xf32>
    %broadcast_in_dim3A_358 = vector.shape_cast %reduce_max3A_357 : vector<256xf32> to vector<256x1xf32>
    %eq3A_359 = vector.broadcast %broadcast_in_dim3A_358 : vector<256x1xf32> to vector<256x784xf32>
    %eq3A_360 = arith.cmpf oeq, %select_n3A_355, %eq3A_359 : vector<256x784xf32>
    %jit3A_361 = arith.constant 1073741824 : i32
    %broadcast_in_dim3A_362 = vector.broadcast %jit3A_361 : i32 to vector<256x784xi32>
    %select_n3A_363 = arith.select %eq3A_360, %iota3A, %broadcast_in_dim3A_362 : vector<256x784xi1>, vector<256x784xi32>
    %reduce_min3A_364 = arith.constant dense<2147483647> : vector<256xi32>
    %reduce_min3A_365 = vector.multi_reduction <minsi>, %select_n3A_363, %reduce_min3A_364 [1] : vector<256x784xi32> to vector<256xi32>
    %broadcast_in_dim3A_366 = vector.shape_cast %reduce_min3A_365 : vector<256xi32> to vector<256x1xi32>
    %swap3A_367 = arith.constant 0 : index
    %swap3A_368 = arith.constant 19 : index
    %swap3A_369 = vector.load %arg2[%swap3A_367, %swap3A_368] : memref<256x32xi32, #tpu.memory_space<vmem>>, vector<256x1xi32>
    tpu.vector_store %arg2[%swap3A_367, %swap3A_368], %broadcast_in_dim3A_366 {strides = array<i32>} : memref<256x32xi32, #tpu.memory_space<vmem>>, vector<256x1xi32>,
    %eq3A_370 = vector.broadcast %broadcast_in_dim3A_366 : vector<256x1xi32> to vector<256x784xi32>
    %eq3A_371 = arith.cmpi eq, %iota3A, %eq3A_370 : vector<256x784xi32>
    %jit3A_372 = arith.constant -3.000000e+38 : f32
    %broadcast_in_dim3A_373 = vector.broadcast %jit3A_372 : f32 to vector<256x784xf32>
    %select_n3A_374 = arith.select %eq3A_371, %broadcast_in_dim3A_373, %select_n3A_355 : vector<256x784xi1>, vector<256x784xf32>
    %reduce_max3A_375 = arith.constant dense<0xFF800000> : vector<256xf32>
    %reduce_max3A_376 = vector.multi_reduction <maximumf>, %select_n3A_374, %reduce_max3A_375 [1] : vector<256x784xf32> to vector<256xf32>
    %broadcast_in_dim3A_377 = vector.shape_cast %reduce_max3A_376 : vector<256xf32> to vector<256x1xf32>
    %eq3A_378 = vector.broadcast %broadcast_in_dim3A_377 : vector<256x1xf32> to vector<256x784xf32>
    %eq3A_379 = arith.cmpf oeq, %select_n3A_374, %eq3A_378 : vector<256x784xf32>
    %jit3A_380 = arith.constant 1073741824 : i32
    %broadcast_in_dim3A_381 = vector.broadcast %jit3A_380 : i32 to vector<256x784xi32>
    %select_n3A_382 = arith.select %eq3A_379, %iota3A, %broadcast_in_dim3A_381 : vector<256x784xi1>, vector<256x784xi32>
    %reduce_min3A_383 = arith.constant dense<2147483647> : vector<256xi32>
    %reduce_min3A_384 = vector.multi_reduction <minsi>, %select_n3A_382, %reduce_min3A_383 [1] : vector<256x784xi32> to vector<256xi32>
    %broadcast_in_dim3A_385 = vector.shape_cast %reduce_min3A_384 : vector<256xi32> to vector<256x1xi32>
    %swap3A_386 = arith.constant 0 : index
    %swap3A_387 = arith.constant 20 : index
    %swap3A_388 = vector.load %arg2[%swap3A_386, %swap3A_387] : memref<256x32xi32, #tpu.memory_space<vmem>>, vector<256x1xi32>
    tpu.vector_store %arg2[%swap3A_386, %swap3A_387], %broadcast_in_dim3A_385 {strides = array<i32>} : memref<256x32xi32, #tpu.memory_space<vmem>>, vector<256x1xi32>,
    %eq3A_389 = vector.broadcast %broadcast_in_dim3A_385 : vector<256x1xi32> to vector<256x784xi32>
    %eq3A_390 = arith.cmpi eq, %iota3A, %eq3A_389 : vector<256x784xi32>
    %jit3A_391 = arith.constant -3.000000e+38 : f32
    %broadcast_in_dim3A_392 = vector.broadcast %jit3A_391 : f32 to vector<256x784xf32>
    %select_n3A_393 = arith.select %eq3A_390, %broadcast_in_dim3A_392, %select_n3A_374 : vector<256x784xi1>, vector<256x784xf32>
    %reduce_max3A_394 = arith.constant dense<0xFF800000> : vector<256xf32>
    %reduce_max3A_395 = vector.multi_reduction <maximumf>, %select_n3A_393, %reduce_max3A_394 [1] : vector<256x784xf32> to vector<256xf32>
    %broadcast_in_dim3A_396 = vector.shape_cast %reduce_max3A_395 : vector<256xf32> to vector<256x1xf32>
    %eq3A_397 = vector.broadcast %broadcast_in_dim3A_396 : vector<256x1xf32> to vector<256x784xf32>
    %eq3A_398 = arith.cmpf oeq, %select_n3A_393, %eq3A_397 : vector<256x784xf32>
    %jit3A_399 = arith.constant 1073741824 : i32
    %broadcast_in_dim3A_400 = vector.broadcast %jit3A_399 : i32 to vector<256x784xi32>
    %select_n3A_401 = arith.select %eq3A_398, %iota3A, %broadcast_in_dim3A_400 : vector<256x784xi1>, vector<256x784xi32>
    %reduce_min3A_402 = arith.constant dense<2147483647> : vector<256xi32>
    %reduce_min3A_403 = vector.multi_reduction <minsi>, %select_n3A_401, %reduce_min3A_402 [1] : vector<256x784xi32> to vector<256xi32>
    %broadcast_in_dim3A_404 = vector.shape_cast %reduce_min3A_403 : vector<256xi32> to vector<256x1xi32>
    %swap3A_405 = arith.constant 0 : index
    %swap3A_406 = arith.constant 21 : index
    %swap3A_407 = vector.load %arg2[%swap3A_405, %swap3A_406] : memref<256x32xi32, #tpu.memory_space<vmem>>, vector<256x1xi32>
    tpu.vector_store %arg2[%swap3A_405, %swap3A_406], %broadcast_in_dim3A_404 {strides = array<i32>} : memref<256x32xi32, #tpu.memory_space<vmem>>, vector<256x1xi32>,
    %eq3A_408 = vector.broadcast %broadcast_in_dim3A_404 : vector<256x1xi32> to vector<256x784xi32>
    %eq3A_409 = arith.cmpi eq, %iota3A, %eq3A_408 : vector<256x784xi32>
    %jit3A_410 = arith.constant -3.000000e+38 : f32
    %broadcast_in_dim3A_411 = vector.broadcast %jit3A_410 : f32 to vector<256x784xf32>
    %select_n3A_412 = arith.select %eq3A_409, %broadcast_in_dim3A_411, %select_n3A_393 : vector<256x784xi1>, vector<256x784xf32>
    %reduce_max3A_413 = arith.constant dense<0xFF800000> : vector<256xf32>
    %reduce_max3A_414 = vector.multi_reduction <maximumf>, %select_n3A_412, %reduce_max3A_413 [1] : vector<256x784xf32> to vector<256xf32>
    %broadcast_in_dim3A_415 = vector.shape_cast %reduce_max3A_414 : vector<256xf32> to vector<256x1xf32>
    %eq3A_416 = vector.broadcast %broadcast_in_dim3A_415 : vector<256x1xf32> to vector<256x784xf32>
    %eq3A_417 = arith.cmpf oeq, %select_n3A_412, %eq3A_416 : vector<256x784xf32>
    %jit3A_418 = arith.constant 1073741824 : i32
    %broadcast_in_dim3A_419 = vector.broadcast %jit3A_418 : i32 to vector<256x784xi32>
    %select_n3A_420 = arith.select %eq3A_417, %iota3A, %broadcast_in_dim3A_419 : vector<256x784xi1>, vector<256x784xi32>
    %reduce_min3A_421 = arith.constant dense<2147483647> : vector<256xi32>
    %reduce_min3A_422 = vector.multi_reduction <minsi>, %select_n3A_420, %reduce_min3A_421 [1] : vector<256x784xi32> to vector<256xi32>
    %broadcast_in_dim3A_423 = vector.shape_cast %reduce_min3A_422 : vector<256xi32> to vector<256x1xi32>
    %swap3A_424 = arith.constant 0 : index
    %swap3A_425 = arith.constant 22 : index
    %swap3A_426 = vector.load %arg2[%swap3A_424, %swap3A_425] : memref<256x32xi32, #tpu.memory_space<vmem>>, vector<256x1xi32>
    tpu.vector_store %arg2[%swap3A_424, %swap3A_425], %broadcast_in_dim3A_423 {strides = array<i32>} : memref<256x32xi32, #tpu.memory_space<vmem>>, vector<256x1xi32>,
    %eq3A_427 = vector.broadcast %broadcast_in_dim3A_423 : vector<256x1xi32> to vector<256x784xi32>
    %eq3A_428 = arith.cmpi eq, %iota3A, %eq3A_427 : vector<256x784xi32>
    %jit3A_429 = arith.constant -3.000000e+38 : f32
    %broadcast_in_dim3A_430 = vector.broadcast %jit3A_429 : f32 to vector<256x784xf32>
    %select_n3A_431 = arith.select %eq3A_428, %broadcast_in_dim3A_430, %select_n3A_412 : vector<256x784xi1>, vector<256x784xf32>
    %reduce_max3A_432 = arith.constant dense<0xFF800000> : vector<256xf32>
    %reduce_max3A_433 = vector.multi_reduction <maximumf>, %select_n3A_431, %reduce_max3A_432 [1] : vector<256x784xf32> to vector<256xf32>
    %broadcast_in_dim3A_434 = vector.shape_cast %reduce_max3A_433 : vector<256xf32> to vector<256x1xf32>
    %eq3A_435 = vector.broadcast %broadcast_in_dim3A_434 : vector<256x1xf32> to vector<256x784xf32>
    %eq3A_436 = arith.cmpf oeq, %select_n3A_431, %eq3A_435 : vector<256x784xf32>
    %jit3A_437 = arith.constant 1073741824 : i32
    %broadcast_in_dim3A_438 = vector.broadcast %jit3A_437 : i32 to vector<256x784xi32>
    %select_n3A_439 = arith.select %eq3A_436, %iota3A, %broadcast_in_dim3A_438 : vector<256x784xi1>, vector<256x784xi32>
    %reduce_min3A_440 = arith.constant dense<2147483647> : vector<256xi32>
    %reduce_min3A_441 = vector.multi_reduction <minsi>, %select_n3A_439, %reduce_min3A_440 [1] : vector<256x784xi32> to vector<256xi32>
    %broadcast_in_dim3A_442 = vector.shape_cast %reduce_min3A_441 : vector<256xi32> to vector<256x1xi32>
    %swap3A_443 = arith.constant 0 : index
    %swap3A_444 = arith.constant 23 : index
    %swap3A_445 = vector.load %arg2[%swap3A_443, %swap3A_444] : memref<256x32xi32, #tpu.memory_space<vmem>>, vector<256x1xi32>
    tpu.vector_store %arg2[%swap3A_443, %swap3A_444], %broadcast_in_dim3A_442 {strides = array<i32>} : memref<256x32xi32, #tpu.memory_space<vmem>>, vector<256x1xi32>,
    %eq3A_446 = vector.broadcast %broadcast_in_dim3A_442 : vector<256x1xi32> to vector<256x784xi32>
    %eq3A_447 = arith.cmpi eq, %iota3A, %eq3A_446 : vector<256x784xi32>
    %jit3A_448 = arith.constant -3.000000e+38 : f32
    %broadcast_in_dim3A_449 = vector.broadcast %jit3A_448 : f32 to vector<256x784xf32>
    %select_n3A_450 = arith.select %eq3A_447, %broadcast_in_dim3A_449, %select_n3A_431 : vector<256x784xi1>, vector<256x784xf32>
    %reduce_max3A_451 = arith.constant dense<0xFF800000> : vector<256xf32>
    %reduce_max3A_452 = vector.multi_reduction <maximumf>, %select_n3A_450, %reduce_max3A_451 [1] : vector<256x784xf32> to vector<256xf32>
    %broadcast_in_dim3A_453 = vector.shape_cast %reduce_max3A_452 : vector<256xf32> to vector<256x1xf32>
    %eq3A_454 = vector.broadcast %broadcast_in_dim3A_453 : vector<256x1xf32> to vector<256x784xf32>
    %eq3A_455 = arith.cmpf oeq, %select_n3A_450, %eq3A_454 : vector<256x784xf32>
    %jit3A_456 = arith.constant 1073741824 : i32
    %broadcast_in_dim3A_457 = vector.broadcast %jit3A_456 : i32 to vector<256x784xi32>
    %select_n3A_458 = arith.select %eq3A_455, %iota3A, %broadcast_in_dim3A_457 : vector<256x784xi1>, vector<256x784xi32>
    %reduce_min3A_459 = arith.constant dense<2147483647> : vector<256xi32>
    %reduce_min3A_460 = vector.multi_reduction <minsi>, %select_n3A_458, %reduce_min3A_459 [1] : vector<256x784xi32> to vector<256xi32>
    %broadcast_in_dim3A_461 = vector.shape_cast %reduce_min3A_460 : vector<256xi32> to vector<256x1xi32>
    %swap3A_462 = arith.constant 0 : index
    %swap3A_463 = arith.constant 24 : index
    %swap3A_464 = vector.load %arg2[%swap3A_462, %swap3A_463] : memref<256x32xi32, #tpu.memory_space<vmem>>, vector<256x1xi32>
    tpu.vector_store %arg2[%swap3A_462, %swap3A_463], %broadcast_in_dim3A_461 {strides = array<i32>} : memref<256x32xi32, #tpu.memory_space<vmem>>, vector<256x1xi32>,
    %eq3A_465 = vector.broadcast %broadcast_in_dim3A_461 : vector<256x1xi32> to vector<256x784xi32>
    %eq3A_466 = arith.cmpi eq, %iota3A, %eq3A_465 : vector<256x784xi32>
    %jit3A_467 = arith.constant -3.000000e+38 : f32
    %broadcast_in_dim3A_468 = vector.broadcast %jit3A_467 : f32 to vector<256x784xf32>
    %select_n3A_469 = arith.select %eq3A_466, %broadcast_in_dim3A_468, %select_n3A_450 : vector<256x784xi1>, vector<256x784xf32>
    %reduce_max3A_470 = arith.constant dense<0xFF800000> : vector<256xf32>
    %reduce_max3A_471 = vector.multi_reduction <maximumf>, %select_n3A_469, %reduce_max3A_470 [1] : vector<256x784xf32> to vector<256xf32>
    %broadcast_in_dim3A_472 = vector.shape_cast %reduce_max3A_471 : vector<256xf32> to vector<256x1xf32>
    %eq3A_473 = vector.broadcast %broadcast_in_dim3A_472 : vector<256x1xf32> to vector<256x784xf32>
    %eq3A_474 = arith.cmpf oeq, %select_n3A_469, %eq3A_473 : vector<256x784xf32>
    %jit3A_475 = arith.constant 1073741824 : i32
    %broadcast_in_dim3A_476 = vector.broadcast %jit3A_475 : i32 to vector<256x784xi32>
    %select_n3A_477 = arith.select %eq3A_474, %iota3A, %broadcast_in_dim3A_476 : vector<256x784xi1>, vector<256x784xi32>
    %reduce_min3A_478 = arith.constant dense<2147483647> : vector<256xi32>
    %reduce_min3A_479 = vector.multi_reduction <minsi>, %select_n3A_477, %reduce_min3A_478 [1] : vector<256x784xi32> to vector<256xi32>
    %broadcast_in_dim3A_480 = vector.shape_cast %reduce_min3A_479 : vector<256xi32> to vector<256x1xi32>
    %swap3A_481 = arith.constant 0 : index
    %swap3A_482 = arith.constant 25 : index
    %swap3A_483 = vector.load %arg2[%swap3A_481, %swap3A_482] : memref<256x32xi32, #tpu.memory_space<vmem>>, vector<256x1xi32>
    tpu.vector_store %arg2[%swap3A_481, %swap3A_482], %broadcast_in_dim3A_480 {strides = array<i32>} : memref<256x32xi32, #tpu.memory_space<vmem>>, vector<256x1xi32>,
    %eq3A_484 = vector.broadcast %broadcast_in_dim3A_480 : vector<256x1xi32> to vector<256x784xi32>
    %eq3A_485 = arith.cmpi eq, %iota3A, %eq3A_484 : vector<256x784xi32>
    %jit3A_486 = arith.constant -3.000000e+38 : f32
    %broadcast_in_dim3A_487 = vector.broadcast %jit3A_486 : f32 to vector<256x784xf32>
    %select_n3A_488 = arith.select %eq3A_485, %broadcast_in_dim3A_487, %select_n3A_469 : vector<256x784xi1>, vector<256x784xf32>
    %reduce_max3A_489 = arith.constant dense<0xFF800000> : vector<256xf32>
    %reduce_max3A_490 = vector.multi_reduction <maximumf>, %select_n3A_488, %reduce_max3A_489 [1] : vector<256x784xf32> to vector<256xf32>
    %broadcast_in_dim3A_491 = vector.shape_cast %reduce_max3A_490 : vector<256xf32> to vector<256x1xf32>
    %eq3A_492 = vector.broadcast %broadcast_in_dim3A_491 : vector<256x1xf32> to vector<256x784xf32>
    %eq3A_493 = arith.cmpf oeq, %select_n3A_488, %eq3A_492 : vector<256x784xf32>
    %jit3A_494 = arith.constant 1073741824 : i32
    %broadcast_in_dim3A_495 = vector.broadcast %jit3A_494 : i32 to vector<256x784xi32>
    %select_n3A_496 = arith.select %eq3A_493, %iota3A, %broadcast_in_dim3A_495 : vector<256x784xi1>, vector<256x784xi32>
    %reduce_min3A_497 = arith.constant dense<2147483647> : vector<256xi32>
    %reduce_min3A_498 = vector.multi_reduction <minsi>, %select_n3A_496, %reduce_min3A_497 [1] : vector<256x784xi32> to vector<256xi32>
    %broadcast_in_dim3A_499 = vector.shape_cast %reduce_min3A_498 : vector<256xi32> to vector<256x1xi32>
    %swap3A_500 = arith.constant 0 : index
    %swap3A_501 = arith.constant 26 : index
    %swap3A_502 = vector.load %arg2[%swap3A_500, %swap3A_501] : memref<256x32xi32, #tpu.memory_space<vmem>>, vector<256x1xi32>
    tpu.vector_store %arg2[%swap3A_500, %swap3A_501], %broadcast_in_dim3A_499 {strides = array<i32>} : memref<256x32xi32, #tpu.memory_space<vmem>>, vector<256x1xi32>,
    %eq3A_503 = vector.broadcast %broadcast_in_dim3A_499 : vector<256x1xi32> to vector<256x784xi32>
    %eq3A_504 = arith.cmpi eq, %iota3A, %eq3A_503 : vector<256x784xi32>
    %jit3A_505 = arith.constant -3.000000e+38 : f32
    %broadcast_in_dim3A_506 = vector.broadcast %jit3A_505 : f32 to vector<256x784xf32>
    %select_n3A_507 = arith.select %eq3A_504, %broadcast_in_dim3A_506, %select_n3A_488 : vector<256x784xi1>, vector<256x784xf32>
    %reduce_max3A_508 = arith.constant dense<0xFF800000> : vector<256xf32>
    %reduce_max3A_509 = vector.multi_reduction <maximumf>, %select_n3A_507, %reduce_max3A_508 [1] : vector<256x784xf32> to vector<256xf32>
    %broadcast_in_dim3A_510 = vector.shape_cast %reduce_max3A_509 : vector<256xf32> to vector<256x1xf32>
    %eq3A_511 = vector.broadcast %broadcast_in_dim3A_510 : vector<256x1xf32> to vector<256x784xf32>
    %eq3A_512 = arith.cmpf oeq, %select_n3A_507, %eq3A_511 : vector<256x784xf32>
    %jit3A_513 = arith.constant 1073741824 : i32
    %broadcast_in_dim3A_514 = vector.broadcast %jit3A_513 : i32 to vector<256x784xi32>
    %select_n3A_515 = arith.select %eq3A_512, %iota3A, %broadcast_in_dim3A_514 : vector<256x784xi1>, vector<256x784xi32>
    %reduce_min3A_516 = arith.constant dense<2147483647> : vector<256xi32>
    %reduce_min3A_517 = vector.multi_reduction <minsi>, %select_n3A_515, %reduce_min3A_516 [1] : vector<256x784xi32> to vector<256xi32>
    %broadcast_in_dim3A_518 = vector.shape_cast %reduce_min3A_517 : vector<256xi32> to vector<256x1xi32>
    %swap3A_519 = arith.constant 0 : index
    %swap3A_520 = arith.constant 27 : index
    %swap3A_521 = vector.load %arg2[%swap3A_519, %swap3A_520] : memref<256x32xi32, #tpu.memory_space<vmem>>, vector<256x1xi32>
    tpu.vector_store %arg2[%swap3A_519, %swap3A_520], %broadcast_in_dim3A_518 {strides = array<i32>} : memref<256x32xi32, #tpu.memory_space<vmem>>, vector<256x1xi32>,
    %eq3A_522 = vector.broadcast %broadcast_in_dim3A_518 : vector<256x1xi32> to vector<256x784xi32>
    %eq3A_523 = arith.cmpi eq, %iota3A, %eq3A_522 : vector<256x784xi32>
    %jit3A_524 = arith.constant -3.000000e+38 : f32
    %broadcast_in_dim3A_525 = vector.broadcast %jit3A_524 : f32 to vector<256x784xf32>
    %select_n3A_526 = arith.select %eq3A_523, %broadcast_in_dim3A_525, %select_n3A_507 : vector<256x784xi1>, vector<256x784xf32>
    %reduce_max3A_527 = arith.constant dense<0xFF800000> : vector<256xf32>
    %reduce_max3A_528 = vector.multi_reduction <maximumf>, %select_n3A_526, %reduce_max3A_527 [1] : vector<256x784xf32> to vector<256xf32>
    %broadcast_in_dim3A_529 = vector.shape_cast %reduce_max3A_528 : vector<256xf32> to vector<256x1xf32>
    %eq3A_530 = vector.broadcast %broadcast_in_dim3A_529 : vector<256x1xf32> to vector<256x784xf32>
    %eq3A_531 = arith.cmpf oeq, %select_n3A_526, %eq3A_530 : vector<256x784xf32>
    %jit3A_532 = arith.constant 1073741824 : i32
    %broadcast_in_dim3A_533 = vector.broadcast %jit3A_532 : i32 to vector<256x784xi32>
    %select_n3A_534 = arith.select %eq3A_531, %iota3A, %broadcast_in_dim3A_533 : vector<256x784xi1>, vector<256x784xi32>
    %reduce_min3A_535 = arith.constant dense<2147483647> : vector<256xi32>
    %reduce_min3A_536 = vector.multi_reduction <minsi>, %select_n3A_534, %reduce_min3A_535 [1] : vector<256x784xi32> to vector<256xi32>
    %broadcast_in_dim3A_537 = vector.shape_cast %reduce_min3A_536 : vector<256xi32> to vector<256x1xi32>
    %swap3A_538 = arith.constant 0 : index
    %swap3A_539 = arith.constant 28 : index
    %swap3A_540 = vector.load %arg2[%swap3A_538, %swap3A_539] : memref<256x32xi32, #tpu.memory_space<vmem>>, vector<256x1xi32>
    tpu.vector_store %arg2[%swap3A_538, %swap3A_539], %broadcast_in_dim3A_537 {strides = array<i32>} : memref<256x32xi32, #tpu.memory_space<vmem>>, vector<256x1xi32>,
    %eq3A_541 = vector.broadcast %broadcast_in_dim3A_537 : vector<256x1xi32> to vector<256x784xi32>
    %eq3A_542 = arith.cmpi eq, %iota3A, %eq3A_541 : vector<256x784xi32>
    %jit3A_543 = arith.constant -3.000000e+38 : f32
    %broadcast_in_dim3A_544 = vector.broadcast %jit3A_543 : f32 to vector<256x784xf32>
    %select_n3A_545 = arith.select %eq3A_542, %broadcast_in_dim3A_544, %select_n3A_526 : vector<256x784xi1>, vector<256x784xf32>
    %reduce_max3A_546 = arith.constant dense<0xFF800000> : vector<256xf32>
    %reduce_max3A_547 = vector.multi_reduction <maximumf>, %select_n3A_545, %reduce_max3A_546 [1] : vector<256x784xf32> to vector<256xf32>
    %broadcast_in_dim3A_548 = vector.shape_cast %reduce_max3A_547 : vector<256xf32> to vector<256x1xf32>
    %eq3A_549 = vector.broadcast %broadcast_in_dim3A_548 : vector<256x1xf32> to vector<256x784xf32>
    %eq3A_550 = arith.cmpf oeq, %select_n3A_545, %eq3A_549 : vector<256x784xf32>
    %jit3A_551 = arith.constant 1073741824 : i32
    %broadcast_in_dim3A_552 = vector.broadcast %jit3A_551 : i32 to vector<256x784xi32>
    %select_n3A_553 = arith.select %eq3A_550, %iota3A, %broadcast_in_dim3A_552 : vector<256x784xi1>, vector<256x784xi32>
    %reduce_min3A_554 = arith.constant dense<2147483647> : vector<256xi32>
    %reduce_min3A_555 = vector.multi_reduction <minsi>, %select_n3A_553, %reduce_min3A_554 [1] : vector<256x784xi32> to vector<256xi32>
    %broadcast_in_dim3A_556 = vector.shape_cast %reduce_min3A_555 : vector<256xi32> to vector<256x1xi32>
    %swap3A_557 = arith.constant 0 : index
    %swap3A_558 = arith.constant 29 : index
    %swap3A_559 = vector.load %arg2[%swap3A_557, %swap3A_558] : memref<256x32xi32, #tpu.memory_space<vmem>>, vector<256x1xi32>
    tpu.vector_store %arg2[%swap3A_557, %swap3A_558], %broadcast_in_dim3A_556 {strides = array<i32>} : memref<256x32xi32, #tpu.memory_space<vmem>>, vector<256x1xi32>,
    %eq3A_560 = vector.broadcast %broadcast_in_dim3A_556 : vector<256x1xi32> to vector<256x784xi32>
    %eq3A_561 = arith.cmpi eq, %iota3A, %eq3A_560 : vector<256x784xi32>
    %jit3A_562 = arith.constant -3.000000e+38 : f32
    %broadcast_in_dim3A_563 = vector.broadcast %jit3A_562 : f32 to vector<256x784xf32>
    %select_n3A_564 = arith.select %eq3A_561, %broadcast_in_dim3A_563, %select_n3A_545 : vector<256x784xi1>, vector<256x784xf32>
    %reduce_max3A_565 = arith.constant dense<0xFF800000> : vector<256xf32>
    %reduce_max3A_566 = vector.multi_reduction <maximumf>, %select_n3A_564, %reduce_max3A_565 [1] : vector<256x784xf32> to vector<256xf32>
    %broadcast_in_dim3A_567 = vector.shape_cast %reduce_max3A_566 : vector<256xf32> to vector<256x1xf32>
    %eq3A_568 = vector.broadcast %broadcast_in_dim3A_567 : vector<256x1xf32> to vector<256x784xf32>
    %eq3A_569 = arith.cmpf oeq, %select_n3A_564, %eq3A_568 : vector<256x784xf32>
    %jit3A_570 = arith.constant 1073741824 : i32
    %broadcast_in_dim3A_571 = vector.broadcast %jit3A_570 : i32 to vector<256x784xi32>
    %select_n3A_572 = arith.select %eq3A_569, %iota3A, %broadcast_in_dim3A_571 : vector<256x784xi1>, vector<256x784xi32>
    %reduce_min3A_573 = arith.constant dense<2147483647> : vector<256xi32>
    %reduce_min3A_574 = vector.multi_reduction <minsi>, %select_n3A_572, %reduce_min3A_573 [1] : vector<256x784xi32> to vector<256xi32>
    %broadcast_in_dim3A_575 = vector.shape_cast %reduce_min3A_574 : vector<256xi32> to vector<256x1xi32>
    %swap3A_576 = arith.constant 0 : index
    %swap3A_577 = arith.constant 30 : index
    %swap3A_578 = vector.load %arg2[%swap3A_576, %swap3A_577] : memref<256x32xi32, #tpu.memory_space<vmem>>, vector<256x1xi32>
    tpu.vector_store %arg2[%swap3A_576, %swap3A_577], %broadcast_in_dim3A_575 {strides = array<i32>} : memref<256x32xi32, #tpu.memory_space<vmem>>, vector<256x1xi32>,
    %eq3A_579 = vector.broadcast %broadcast_in_dim3A_575 : vector<256x1xi32> to vector<256x784xi32>
    %eq3A_580 = arith.cmpi eq, %iota3A, %eq3A_579 : vector<256x784xi32>
    %jit3A_581 = arith.constant -3.000000e+38 : f32
    %broadcast_in_dim3A_582 = vector.broadcast %jit3A_581 : f32 to vector<256x784xf32>
    %select_n3A_583 = arith.select %eq3A_580, %broadcast_in_dim3A_582, %select_n3A_564 : vector<256x784xi1>, vector<256x784xf32>
    %reduce_max3A_584 = arith.constant dense<0xFF800000> : vector<256xf32>
    %reduce_max3A_585 = vector.multi_reduction <maximumf>, %select_n3A_583, %reduce_max3A_584 [1] : vector<256x784xf32> to vector<256xf32>
    %broadcast_in_dim3A_586 = vector.shape_cast %reduce_max3A_585 : vector<256xf32> to vector<256x1xf32>
    %eq3A_587 = vector.broadcast %broadcast_in_dim3A_586 : vector<256x1xf32> to vector<256x784xf32>
    %eq3A_588 = arith.cmpf oeq, %select_n3A_583, %eq3A_587 : vector<256x784xf32>
    %jit3A_589 = arith.constant 1073741824 : i32
    %broadcast_in_dim3A_590 = vector.broadcast %jit3A_589 : i32 to vector<256x784xi32>
    %select_n3A_591 = arith.select %eq3A_588, %iota3A, %broadcast_in_dim3A_590 : vector<256x784xi1>, vector<256x784xi32>
    %reduce_min3A_592 = arith.constant dense<2147483647> : vector<256xi32>
    %reduce_min3A_593 = vector.multi_reduction <minsi>, %select_n3A_591, %reduce_min3A_592 [1] : vector<256x784xi32> to vector<256xi32>
    %broadcast_in_dim3A_594 = vector.shape_cast %reduce_min3A_593 : vector<256xi32> to vector<256x1xi32>
    %swap3A_595 = arith.constant 0 : index
    %swap3A_596 = arith.constant 31 : index
    %swap3A_597 = vector.load %arg2[%swap3A_595, %swap3A_596] : memref<256x32xi32, #tpu.memory_space<vmem>>, vector<256x1xi32>
    tpu.vector_store %arg2[%swap3A_595, %swap3A_596], %broadcast_in_dim3A_594 {strides = array<i32>} : memref<256x32xi32, #tpu.memory_space<vmem>>, vector<256x1xi32>,
    %broadcast_in_dim3A_598 = vector.shape_cast %broadcast_in_dim3A_586 : vector<256x1xf32> to vector<256x1xf32>
    %broadcast_in_dim3A_599 = vector.broadcast %broadcast_in_dim3A_598 : vector<256x1xf32> to vector<256x16xf32>
    %swap3A_600 = arith.constant 0 : index
    %swap3A_601 = arith.constant 0 : index
    %swap3A_602 = vector.load %arg3[%swap3A_600, %swap3A_601] : memref<256x16xf32, #tpu.memory_space<vmem>>, vector<256x16xf32>
    tpu.vector_store %arg3[%swap3A_600, %swap3A_601], %broadcast_in_dim3A_599 {strides = array<i32>} : memref<256x16xf32, #tpu.memory_space<vmem>>, vector<256x16xf32>,
    return
  }
  func.func @transform_0(%arg0: i32) -> (i32, i32) {
    %c0_i32 = arith.constant 0 : i32
    %c0_i32_0 = arith.constant 0 : i32
    return %arg0, %c0_i32 : i32, i32
  }
  func.func @transform_1(%arg0: i32) -> (i32, i32) {
    %c0_i32 = arith.constant 0 : i32
    %c0_i32_0 = arith.constant 0 : i32
    return %arg0, %c0_i32 : i32, i32
  }
  func.func @transform_2(%arg0: i32) -> (i32, i32) {
    %c0_i32 = arith.constant 0 : i32
    %c0_i32_0 = arith.constant 0 : i32
    return %arg0, %c0_i32 : i32, i32
  }
}

</mosaic_0001>

<sc_bundles>
// kernel: kernel.5.cloned.1.call-start
scs
__scs_entry_jumppad:
0x0: {  	(pc) =	sbr.rel $0x88, $3  }
0x1: {  	(tag) =	ssettag $0x0;
	lr =	simm.s32 $0x1  }
0x2: {  	[smem:$0x3F9B] =	sst lr;
	_ =	strace $0xD0000000  }
0x3: {  	_ = 	snop  }
0x4: {  	_ = 	snop  }
0x5: {  	_ = 	snop  }
0x6: {  	_ = 	snop  }
0x7: {  	_ = 	snop  }
__scs_overlays_trampoline_lowered:
0x8: {  	[smem:$0x3FAA] =	sst s0  }
0x9: {  	[smem:$0x3FAB] =	sst s1  }
0xa: {  	[smem:$0x3FAC] =	sst s2  }
0xb: {  	[smem:$0x3FAD] =	sst s3  }
0xc: {  	[smem:$0x3FAE] =	sst s4  }
0xd: {  	[smem:$0x3FAF] =	sst s5  }
0xe: {  	[smem:$0x3FB0] =	sst s6  }
0xf: {  	[smem:$0x3FB1] =	sst s7  }
0x10: {  	[smem:$0x3FB2] =	sst s8  }
0x11: {  	[smem:$0x3FB3] =	sst s9;
	s0 =	simm.s32 @!p0 $0x0  }
0x12: {  	s1 =	sld [smem:$0x3F99];
	s0 =	simm.s32 @p0 $0x1  }
0x13: {  	[smem:$0x3FB4] =	sst s0;
	s0 =	simm.s32 @!p1 $0x0  }
0x14: {  	s2 =	sld [smem:$0x3F98];
	s0 =	simm.s32 @p1 $0x1  }
0x15: {  	[smem:$0x3FB5] =	sst s0;
	s0 =	simm.s32 @!p2 $0x0  }
0x16: {  	s3 =	sld [smem:$0x3FDB];
	s0 =	simm.s32 @p2 $0x1  }
0x17: {  	s4 =	simm.s32 $0x1BF5;
	[smem:$0x3FB7] =	sst s0  }
0x18: {  	s0 =	sld [smem:$0x3F9A];
	_ =	swait.ge [sflag:s4], $0x0  }
0x19: {  	s7 =	sld [smem:$0x3F9B]  }
0x1a: {  	s8 =	sadd.s32 $0xFFFFE003, lr  }
0x1b: {  	s9 =	sadd.s32 $0xFFFFFEF7, lr;
	s5 =	simm.s32 $0xFFFFFFFF;
	p2 =	slt.u32 s8, $0xFFFFF086  }
0x1c: {  	p1 =	slt.u32 s9, $0xF7A;
	s5 =	simm.s32 @!p2 $0x0  }
0x1d: {  	s5 =	simm.s32 @p1 $0x1;
	p0 =	seq.s32 s7, s2  }
0x1e: {  	s7 =	smul.u32 @!p0 $0xF7A, s2;
	p2 =	seq.s32 @!p0 s5, $0x0  }
0x1f: {  	s9 =	smul.u32 $0xF7A, s1;
	s8 =	simm.s32 @!p0 $0x1BF5;
	p2 =	por !p2, p0  }
0x20: {  	[sflag:s8] =	ssyncset.s32 @!p0 $0xFFFFF086;
	s6 =	sadd.s32 @!p0 s3, s7;
	s7 =	simm.s32 @!p0 $0x108  }
0x21: {  	s3 =	sadd.s32 s3, s9;
	s6 =	sadd.s32 @!p0 $0x88, s6;
	s7 =	simm.s32 @p2 $0x1082  }
0x22: {  	[simem:s7], [sflag:s8] =	dma.local @!p0 [hbm:s6], $0xF7A  }
0x23: {  	s9 =	sor.u32 $0xD0000000, s2;
	s6 =	simm.s32 $0x108;
	_ =	swait.ge @!p0 [sflag:s8], $0x0  }
0x24: {  	s3 =	sadd.s32 $0x88, s3;
	s6 =	simm.s32 @!p1 $0x1082;
	[sflag:s4] =	ssyncset.s32 $0xFFFFF086  }
0x25: {  	[simem:s6], [sflag:s4] =	dma.local [hbm:s3], $0xF7A  }
0x26: {  	[smem:$0x3F9B] =	sst s1;
	(tag) =	ssettag s2;
	_ =	strace s9  }
0x27: {  	s1 =	sld [smem:$0x3FAB]  }
0x28: {  	s2 =	sld [smem:$0x3FAC]  }
0x29: {  	s4 =	sld [smem:$0x3FAE]  }
0x2a: {  	p0 =	seq.s32 s5, $0x0;
	s5 =	sld [smem:$0x3FAF]  }
0x2b: {  	s6 =	sld [smem:$0x3FB0]  }
0x2c: {  	s7 =	sld [smem:$0x3FB1]  }
0x2d: {  	s3 =	simm.s32 $0x108;
	s8 =	sld [smem:$0x3FB2]  }
0x2e: {  	s3 =	simm.s32 @!p0 $0x1082;
	s9 =	sld [smem:$0x3FB3]  }
0x2f: {  	lr =	sadd.s32 s0, s3;
	s0 =	sld [smem:$0x3FAA]  }
0x30: {  	s3 =	sld [smem:$0x3FAD]  }
0x31: {  	[smem:$0x3FB6] =	sst s10  }
0x32: {  	s10 =	sld [smem:$0x3FB4];
	_ =	sdelay $0x3  }
0x33: {  	p0 =	seq.s32 s10, $0x1;
	s10 =	sld [smem:$0x3FB6];
	_ =	sdelay $0x3  }
0x34: {  	[smem:$0x3FB6] =	sst s10  }
0x35: {  	s10 =	sld [smem:$0x3FB5];
	_ =	sdelay $0x3  }
0x36: {  	p1 =	seq.s32 s10, $0x1;
	s10 =	sld [smem:$0x3FB6];
	_ =	sdelay $0x3  }
0x37: {  	[smem:$0x3FB6] =	sst s10  }
0x38: {  	s10 =	sld [smem:$0x3FB7]  }
0x39: {  	_ = 	snop;
	(pc) =	sbr.ind lr, $3  }
0x3a: {  	_ = 	snop  }
0x3b: {  	_ = 	snop  }
0x3c: {  	p2 =	seq.s32 s10, $0x1;
	s10 =	sld [smem:$0x3FB6]  }
0x3d: {  	_ =	shalt  }
0x3e: {  	_ =	shalt  }
0x3f: {  	_ =	shalt  }
0x40: {  	_ =	shalt  }
0x41: {  	_ =	shalt  }
0x42: {  	_ =	shalt  }
0x43: {  	_ =	shalt  }
0x44: {  	_ =	shalt  }
0x45: {  	_ =	shalt  }
0x46: {  	_ =	shalt  }
0x47: {  	_ =	shalt  }
0x48: {  	_ =	shalt  }
0x49: {  	_ =	shalt  }
0x4a: {  	_ =	shalt  }
0x4b: {  	_ =	shalt  }
0x4c: {  	_ =	shalt  }
0x4d: {  	_ =	shalt  }
0x4e: {  	_ =	shalt  }
0x4f: {  	_ =	shalt  }
0x50: {  	_ =	shalt  }
0x51: {  	_ =	shalt  }
0x52: {  	_ =	shalt  }
0x53: {  	_ =	shalt  }
0x54: {  	_ =	shalt  }
0x55: {  	_ =	shalt  }
0x56: {  	_ =	shalt  }
0x57: {  	_ =	shalt  }
0x58: {  	_ =	shalt  }
0x59: {  	_ =	shalt  }
0x5a: {  	_ =	shalt  }
0x5b: {  	_ =	shalt  }
0x5c: {  	_ =	shalt  }
0x5d: {  	_ =	shalt  }
0x5e: {  	_ =	shalt  }
0x5f: {  	_ =	shalt  }
0x60: {  	_ =	shalt  }
0x61: {  	_ =	shalt  }
0x62: {  	_ =	shalt  }
0x63: {  	_ =	shalt  }
0x64: {  	_ =	shalt  }
0x65: {  	_ =	shalt  }
0x66: {  	_ =	shalt  }
0x67: {  	_ =	shalt  }
0x68: {  	_ =	shalt  }
0x69: {  	_ =	shalt  }
0x6a: {  	_ =	shalt  }
0x6b: {  	_ =	shalt  }
0x6c: {  	_ =	shalt  }
0x6d: {  	_ =	shalt  }
0x6e: {  	_ =	shalt  }
0x6f: {  	_ =	shalt  }
0x70: {  	_ =	shalt  }
0x71: {  	_ =	shalt  }
0x72: {  	_ =	shalt  }
0x73: {  	_ =	shalt  }
0x74: {  	_ =	shalt  }
0x75: {  	_ =	shalt  }
0x76: {  	_ =	shalt  }
0x77: {  	_ =	shalt  }
0x78: {  	_ =	shalt  }
0x79: {  	_ =	shalt  }
0x7a: {  	_ =	shalt  }
0x7b: {  	_ =	shalt  }
0x7c: {  	_ =	shalt  }
0x7d: {  	_ =	shalt  }
0x7e: {  	_ =	shalt  }
0x7f: {  	_ =	shalt  }
0x80: {  	_ =	shalt  }
0x81: {  	_ =	shalt  }
0x82: {  	_ =	shalt  }
0x83: {  	_ =	shalt  }
0x84: {  	_ =	shalt  }
0x85: {  	_ =	shalt  }
0x86: {  	_ =	shalt  }
0x87: {  	_ =	shalt  }
.Lfunc_end0:
.L_simem_size_0:
called_computation_lowered:
.L_overlay_start_0:
0x88: {  	s2 =	sld [smem:$0x3FD9]  }
0x89: {  	s3 =	sld [smem:$0x3FFE];
	_ =	sdelay $0x1  }
0x8a: {  	s1 =	srdreg.scid  }
0x8b: {  	s0 =	sand.u32 $0x1, s1  }
0x8c: {  	s17 =	sshll.u32 s0, $0xA;
	s2 =	sadd.s32 s3, s2  }
0x8d: {  	s2 =	sadd.s32 s2, s17  }
0x8e: {  	[smem:$0x3FC2] =	sst s2  }
0x8f: {  	_ = 	snop  }
0x90: {  	s2 =	sld [smem:$0x3FC7]  }
0x91: {  	s18 =	sld [smem:$0x3FD0];
	(tm) =	ssettm $0x1  }
0x92: {  	s4 =	sld [smem:$0x3FFB];
	_ =	sdelay $0x3  }
0x93: {  	_ =	strace s4  }
0x94: {  	s4 =	sld [smem:$0x3FFC];
	_ =	sdelay $0x3  }
0x95: {  	_ =	strace s4  }
0x96: {  	s4 =	sld [smem:$0x3FFD];
	_ =	sdelay $0x3  }
0x97: {  	_ =	strace s4  }
0x98: {  	_ =	strace $0x8FFFFFFF  }
0x99: {  	s19 =	sld [smem:$0x3FDB];
	_ =	sdelay $0x1  }
0x9a: {  	s5 =	simm.s32 $_scs_section_size  }
0x9b: {  	s6 =	simm.s32 $_size__tile_overlayer_lowered;
	s7 =	simm.s32 $_tile_overlayer_lowered  }
0x9c: {  	s22 =	simm.s32 $0x1BFF;
	s21 =	sshll.u32 s7, $0x1;
	s4 =	sadd.s32 s5, s19  }
0x9d: {  	s8 =	simm.s32 $0x0;
	s20 =	sshll.u32 s6, $0x1;
	s6 =	sadd.s32 s21, s4  }
0x9e: {  	[timem:s8], [sflag:s22] =	dma.local [hbm:s6], s20  }
0x9f: {  	_ =	swait.ge [sflag:s22], s20  }
0xa0: {  	s5 =	ssub.s32 $0x0, s20;
	[sflag:s22] =	ssyncset.done $0x0  }
0xa1: {  	[sflag:s22] =	ssyncadd.s32 s5;
	_ =	sdelay $0x1  }
0xa2: {  	s23 =	simm.s32 $0x1B8B  }
0xa3: {  	_ =	swait.ge [sflag:s23], $0x1  }
0xa4: {  	[sflag:s23] =	ssyncset.done $0x0  }
0xa5: {  	s25 =	simm.s32 $0x1B8E;
	s24 =	sld [smem:$0x3FFE];
	[sflag:s23] =	ssyncadd.s32 $0xFFFFFFFF  }
0xa6: {  	s26 =	simm.s32 $execute0_lowered;
	[smem:$0x3FD2] =	sst s25  }
0xa7: {  	s6 =	sshll.u32 s26, $0x1;
	_ =	strace $0x80000046;
	[dreg:$0x1] =	wrdreg $0xFFFFFFFF  }
0xa8: {  	s28 =	simm.s32 $_size_execute0_lowered;
	s4 =	sadd.s32 s4, s6;
	[dreg:$0x0] =	wrdreg $0x0  }
0xa9: {  	s6 =	sshll.u32 s28, $0x1;
	[dreg:$0x2] =	wrdreg s4  }
0xaa: {  	[dreg:$0x3] =	wrdreg s6  }
0xab: {  	[dreg:$0x4] =	wrdreg $0xC0  }
0xac: {  	_ =	task [dreg:s8], $0x5FFFF  }
0xad: {  	[dreg:$0x1] =	wrdreg $0xFFFFFFFF  }
0xae: {  	[dreg:$0x0] =	wrdreg $0x60  }
0xaf: {  	[dreg:$0x2] =	wrdreg s24  }
0xb0: {  	[dreg:$0x3] =	wrdreg s2  }
0xb1: {  	[dreg:$0x4] =	wrdreg s18  }
0xb2: {  	[dreg:$0x5] =	wrdreg $0x9  }
0xb3: {  	_ =	task.clear_ibuf [dreg:s8], $0x6FFFF;
	_ =	strace $0x90000046  }
0xb4: {  	s29 =	simm.s32 $0x9;
	_ =	strace $0x80000048  }
0xb5: {  	_ =	swait.ge [sflag:s29], $0x1  }
0xb6: {  	[sflag:s29] =	ssyncadd.s32 $0xFFFFFFFF  }
0xb7: {  	_ =	strace $0x90000048  }
0xb8: {  	_ =	sfence  }
0xb9: {  	s30 =	sld [smem:$0x0];
	_ =	sdelay $0x2  }
0xba: {  	s31 =	sshll.u32 s1, $0xD;
	s1 =	sshrl.u32 s1, $0x2  }
0xbb: {  	s3 =	sand.u32 $0x4000, s31;
	s1 =	sadd.s32 s1, s30  }
0xbc: {  	s0 =	sor.u32 s3, s0;
	s1 =	sshll.u32 s1, $0x11  }
0xbd: {  	s0 =	sor.u32 s1, s0  }
0xbe: {  	s0 =	sadd.s32 $0x8F2B, s0  }
0xbf: {  	[sflag:s0] =	ssyncadd.remote.s32 $0x1  }
0xc0: {  	_ =	sfence.sel $0xFFFF  }
0xc1: {  	[dreg:$0x0] =	wrdreg $0xFFFFFFFF;
	(pc) =	sbr.abs _section_cstart, $3  }
0xc2: {  	[dreg:$0x1] =	wrdreg $0xFFFFFFFF  }
0xc3: {  	_ =	task.clear_ibuf [dreg:s8], $0x2FFFF;
	_ =	strace $0x9FFFFFFF  }
0xc4: {  	(tm) =	ssettm $0x7FFFFFFF  }
0xc5: {  	_ =	shalt  }
tec
execute0_lowered:
.L_overlay_start_1:
0x0: {  	(tag) =	ssettag $0x1  }
0x1: {  	s0 =	rddreg [dreg:$0x0]  }
0x2: {  	s1 =	rddreg [dreg:$0x1]  }
0x3: {  	s3 =	simm.s32 $0x0;
	s2 =	srdreg.scid;
	s6 =	stileid.u32  }
0x4: {  	s14 =	simm.s32 $0x3;
	s16 =	simm.s32 $0x80;
	s21 =	simm.s32 $0x1  }
0x5: {  	s29 =	simm.s32 $0x18F00;
	s30 =	simm.s32 $0x19700;
	s31 =	simm.s32 $0x19F00  }
0x6: {  	[smem:$0x7FF] =	sst s3;
	s2 =	sand.u32 $0x1, s2;
	s6 =	sshll.u32 s6, $0x6  }
0x7: {  	s9 =	sadd.s32 $0x1200, s0;
	s25 =	sadd.s32 $0x5200, s0;
	_ =	strace $0x80000047  }
0x8: {  	v0 =	vlaneseq.u32;
	s4 =	ssub.s32 $0x2, s2;
	s2 =	sshll.u32 s2, $0x5;
	[dreg:$0x4] =	wrdreg s9  }
0x9: {  	s5 =	sadd.s32 $0xC5200, s0;
	v2 =	vand.u32 $0x7, v0;
	v3 =	vshrl.u32 v0, $0x3;
	[dreg:$0x5] =	wrdreg s25;
	s7 =	sor.u32 s2, s6  }
0xa: {  	v1 =	vmul.u32 $0xFFFFFFFF, v0;
	[tilespmem:$0x1FFC0] =	vst v2;
	v2 =	vmul.u32 $0x8, v3;
	s8 =	sshrl.u32 s4, $0x1;
	s6 =	simm.s32 $0x0;
	s2 =	sshll.u32 s7, $0x4  }
0xb: {  	s26 =	ssub.s32 s4, s8;
	s13 =	sor.u32 $0x8, s7;
	s28 =	sadd.s32 s9, s2  }
0xc: {  	v1 =	vadd.s32 $0xF, v1;
	s12 =	sshrl.u32 s7, $0x3;
	[tilespmem:$0x1FFD0] =	vst v2;
	s2 =	sadd.s32 s25, s2;
	[dreg:$0x6] =	wrdreg s28  }
0xd: {  	v2 =	vor.u32 $0x8, v0;
	s4 =	simm.s32 $0x2;
	[tilespmem:$0x1FFF0] =	vst v1;
	s0 =	smax.u32 s26, $0x1;
	[dreg:$0x7] =	wrdreg s2  }
0xe: {  	vm0 =	vmmov $0xffff;
	[tilespmem:$0x1FFE0] =	vst v2;
	s9 =	simm.s32 $0x1AF00;
	[dreg:$0x8] =	wrdreg s0;
	s0 =	simm.s32 $0x1A700  }
.LBB2_1:
0xf: {  	[dreg:$0x9] =	wrdreg s6  }
0x10: {  	s2 =	rddreg [dreg:$0x6]  }
0x11: {  	[tilespmem:s3], [sflag:$0x3] =	stream.linear.gather [hbm4b:s2+s3], $0x400, $0x38;
	[tilespmem:$0x1B700] =	vst v63  }
0x12: {  	_ =	swait.ge [sflag:s14], $0x400  }
0x13: {  	[sflag:s14] =	ssyncset.done $0x0  }
0x14: {  	s26 =	simm.s32 $0x400;
	s25 =	rddreg [dreg:$0x7];
	[sflag:s14] =	ssyncadd.s32 $0xFFFFFC00  }
0x15: {  	[tilespmem:s26], [sflag:$0x3] =	stream.linear.gather [hbm4b:s25+s3], $0x400, $0x38;
	[tilespmem:$0x1B700] =	vst v63  }
0x16: {  	_ =	swait.ge [sflag:s14], $0x400  }
0x17: {  	[sflag:s14] =	ssyncset.done $0x0  }
0x18: {  	s28 =	simm.s32 $0x10;
	[sflag:s14] =	ssyncadd.s32 $0xFFFFFC00  }
0x19: {  	v5 =	vld [tilespmem:s28+$0xFFFFFFF0];
	_ =	sdelay $0x4  }
0x1a: {  	s8 =	sadd.s32 $0x0, s7;
	v5 =	vshll.u32 v5, $0xA  }
0x1b: {  	s2 =	simm.s32 $0x810;
	v5 =	vadd.s32 s8, v5  }
0x1c: {  	[tilespmem:s2+$0xFFFFFFF0] =	vst v5  }
0x1d: {  	v5 =	vld [tilespmem:s28+$0x0];
	_ =	sdelay $0x4  }
0x1e: {  	v5 =	vshll.u32 v5, $0xA  }
0x1f: {  	v5 =	vadd.s32 s8, v5  }
0x20: {  	s6 =	simm.s32 $0x90;
	[tilespmem:s2+$0x0] =	vst v5  }
0x21: {  	s10 =	simm.s32 $0x2;
	s8 =	simm.s32 $0x1;
	v5 =	vld [tilespmem:s6+$0xFFFFFFF0]  }
.LBB2_2:
0x22: {  	p0 =	sne.s32 s10, $0x7;
	_ =	sdelay $0x3  }
0x23: {  	s11 =	sadd.s32 s8, s7;
	s8 =	smov.u32 s10;
	v5 =	vshll.u32 v5, $0xA  }
0x24: {  	s2 =	sadd.s32 $0x20, s2;
	v5 =	vadd.s32 s11, v5  }
0x25: {  	[tilespmem:s2+$0xFFFFFFF0] =	vst v5  }
0x26: {  	v5 =	vld [tilespmem:s6+$0x0];
	_ =	sdelay $0x3  }
.Ltmp0:
0x27: {  	(pc) =	sbr.rel @p0 .LBB2_2-.Ltmp0, $4  }
0x28: {  	v5 =	vshll.u32 v5, $0xA  }
0x29: {  	v5 =	vadd.s32 s11, v5  }
0x2a: {  	s6 =	sadd.s32 $0x80, s6;
	[tilespmem:s2+$0x0] =	vst v5  }
0x2b: {  	s10 =	sadd.s32 $0x1, s10;
	v5 =	vld [tilespmem:s6+$0xFFFFFFF0]  }
0x2c: {  	_ =	sdelay $0x3  }
0x2d: {  	s8 =	sadd.s32 s8, s7;
	v5 =	vshll.u32 v5, $0xA  }
0x2e: {  	s2 =	sadd.s32 $0x20, s2;
	v5 =	vadd.s32 s8, v5  }
0x2f: {  	[tilespmem:s2+$0xFFFFFFF0] =	vst v5  }
0x30: {  	v5 =	vld [tilespmem:s6+$0x0];
	_ =	sdelay $0x4  }
0x31: {  	v5 =	vshll.u32 v5, $0xA  }
0x32: {  	v5 =	vadd.s32 s8, v5  }
0x33: {  	s24 =	simm.s32 $0x800;
	s25 =	simm.s32 $0x900;
	s26 =	simm.s32 $0x880;
	[tilespmem:s2+$0x0] =	vst v5  }
0x34: {  	[tilespmem:s25], [sflag:$0x1] =	stream.indirect.gather [hbm4b:s5+s16], $0x80, s24, s16, $0xb8;
	[tilespmem:$0x1B700] =	vst v63  }
0x35: {  	s28 =	simm.s32 $0x4900;
	s10 =	simm.s32 $0x0;
	s11 =	smov.u32 s13  }
0x36: {  	[tilespmem:s28], [sflag:$0x1] =	stream.indirect.gather [hbm4b:s5+s16], $0x80, s26, s16, $0xb8;
	[tilespmem:$0x1B700] =	vst v63  }
.LBB2_4:
0x37: {  	_ =	swait.ge [sflag:s21], $0x4000  }
.Ltmp1:
0x38: {  	[sflag:s21] =	ssyncset.done $0x0;
	(pc) =	sbr.rel .LBB2_5-.Ltmp1, $4  }
0x39: {  	[sflag:s21] =	ssyncadd.s32 $0xFFFFC000  }
0x3a: {  	_ =	swait.ge [sflag:s21], $0x4000  }
0x3b: {  	[sflag:s21] =	ssyncset.done $0x0  }
0x3c: {  	s2 =	simm.s32 $0x940;
	s15 =	simm.s32 $0x0;
	[sflag:s21] =	ssyncadd.s32 $0xFFFFC000  }
.LBB2_8:
0x3d: {  	v8 =	vimm.f32 $-3.000000010e+38;
	v7 =	vimm.s32 $0x0  }
.LBB2_15:
0x3e: {  	(xrf0) =	vmax.scan.msk.f32 $0xffff, v6;
	_ =	sdelay $0x5  }
0x3f: {  	v9, _, _ =	vpop (xrf0)  }
0x40: {  	v9 =	vbroadcast v9, $0xF;
	_ =	sdelay $0x1  }
0x41: {  	v57 =	vsub.f32 v6, v9  }
0x42: {  	v8 =	vsub.f32 v8, v9  }
0x43: {  	v6 =	vmul.f32 $1.442695020e+00, v57  }
0x44: {  	v8 =	vmul.f32 $1.442695020e+00, v8  }
0x45: {  	(erf) = vpow2.f32 v6  }
0x46: {  	(erf) = vpow2.f32 v8;
	_ =	sdelay $0x7  }
0x47: {  	v6 =	vpop (erf)  }
0x48: {  	v8 =	vpop (erf)  }
0x49: {  	v58 =	vadd.f32 v8, v6;
	_ =	sdelay $0x1  }
0x4a: {  	(xrf2) =	vadd.scan.msk.f32 $0xffff, v58;
	_ =	sdelay $0x9  }
0x4b: {  	v9, _, _ =	vpop (xrf2)  }
0x4c: {  	v9 =	vbroadcast v9, $0xF;
	_ =	sdelay $0x1  }
0x4d: {  	(erf) = vrcp.f32 v9;
	_ =	sdelay $0x5  }
0x4e: {  	v59 =	vshra.s32 v5, $0x7  }
0x4f: {  	v11 =	vshra.s32 v7, $0x7;
	v10 =	vand.u32 $0xFFFFFF80, v59  }
0x50: {  	v12 =	vand.u32 $0xFFFFFF80, v11;
	v10 =	vadd.s32 s17, v10;
	v9 =	vand.u32 $0x7F, v59  }
0x51: {  	v11 =	vand.u32 $0x7F, v11;
	v12 =	vadd.s32 s17, v12;
	v9 =	vor.u32 v9, v10;
	v60 =	vpop (erf)  }
0x52: {  	v11 =	vor.u32 v11, v12;
	v6 =	vmul.f32 v60, v6  }
0x53: {  	v8 =	vmul.f32 v60, v8  }
0x54: {  	[tilespmem:s17+$0xAA00] =	vst v6  }
0x55: {  	[tilespmem:s17+$0xAA10] =	vst v8  }
0x56: {  	v6 =	vld.idx.msk [tilespmem:v9+s3+$0x0], $0xffff  }
0x57: {  	v8 =	vld.idx.msk [tilespmem:v11+s3+$0x0], $0xffff  }
0x58: {  	s15 =	sadd.s32 $0x1, s15  }
0x59: {  	p0 =	sne.s32 s15, $0x8  }
.Ltmp2:
0x5a: {  	_ = 	snop;
	(pc) =	sbr.rel @!p0 .LBB2_16-.Ltmp2, $4  }
0x5b: {  	v61 =	vand.u32 $0x7F, v5;
	v6 =	vshll.u32 v6, $0x7  }
0x5c: {  	v63 =	vand.u32 $0x7F, v7;
	s6 =	sshrl.u32 s17, $0x2;
	v62 =	vshll.u32 v8, $0x7;
	v5 =	vor.u32 v61, v6  }
0x5d: {  	v6 =	vor.u32 v63, v62;
	[tilespmem:s6+$0xAE00] =	vst v5  }
0x5e: {  	s2 =	sadd.s32 $0x1000, s2;
	[tilespmem:s6+$0xAE10] =	vst v6  }
.LBB2_5:
0x5f: {  	s17 =	sshll.u32 s15, $0x7;
	v6 =	vld [tilespmem:s2+$0xFFFFFFC0]  }
0x60: {  	v5 =	vld.msk [tilespmem:s17+$0x400 ss:$0x0], $0xffff;
	_ =	sdelay $0x1  }
0x61: {  	v7 =	vld [tilespmem:s2+$0xFFFFFFD0];
	_ =	sdelay $0x1  }
0x62: {  	v8 =	vld [tilespmem:s2+$0xFFFFFFE0]  }
0x63: {  	vm8 =	vge.f32 v6, v5  }
0x64: {  	v10 =	vld [tilespmem:s2+$0xFFFFFFF0];
	v9 =	vmpcnt.ones.xlane vm8  }
0x65: {  	vm7 =	vge.f32 v7, v5  }
0x66: {  	v12 =	vld [tilespmem:s2+$0x0];
	v11 =	vmpcnt.ones.xlane vm7;
	(v2sf) =	vpush v9, $0x0  }
0x67: {  	vm6 =	vge.f32 v8, v5  }
0x68: {  	v13 =	vld [tilespmem:s2+$0x10];
	v58 =	vmpcnt.ones.xlane vm6;
	(v2sf) =	vpush v11, $0x0  }
0x69: {  	vm5 =	vge.f32 v10, v5  }
0x6a: {  	v14 =	vld [tilespmem:s2+$0x20];
	v59 =	vmpcnt.ones.xlane vm5;
	(v2sf) =	vpush v58, $0x0  }
0x6b: {  	v60 =	vld [tilespmem:s2+$0x30];
	vm4 =	vge.f32 v12, v5  }
0x6c: {  	v15 =	vmpcnt.ones.xlane vm4;
	(v2sf) =	vpush v59, $0x0  }
0x6d: {  	vm3 =	vge.f32 v13, v5  }
0x6e: {  	v61 =	vmpcnt.ones.xlane vm3;
	(v2sf) =	vpush v15, $0x0  }
0x6f: {  	vm2 =	vge.f32 v14, v5  }
0x70: {  	vm1 =	vge.f32 v60, v5;
	v62 =	vmpcnt.ones.xlane vm2;
	(v2sf) =	vpush v61, $0x0  }
0x71: {  	v63 =	vmpcnt.ones.xlane vm1  }
0x72: {  	(v2sf) =	vpush v62, $0x0  }
0x73: {  	(v2sf) =	vpush v63, $0x0  }
0x74: {  	s6 =	simm.s32 $0x0;
	s8 =	simm.s32 $0x0  }
0x75: {  	[tilespmem:s6+$0x8900] =	vst.msk vm8, v6;
	v6 =	vor.u32 s8, v0;
	s23 =	spop (v2sf)  }
0x76: {  	s24 =	simm.s32 $0x10;
	[tilespmem:s6+$0x9980] =	vst.msk vm8, v6;
	s8 =	sadd.s32 $0x0, s23  }
0x77: {  	v6 =	vor.u32 s24, v0;
	s25 =	spop (v2sf);
	[tilespmem:s8+$0x8900] =	vst.msk vm7, v7  }
0x78: {  	s26 =	simm.s32 $0x20;
	s6 =	sadd.s32 s8, s25;
	[tilespmem:s8+$0x9980] =	vst.msk vm7, v6  }
0x79: {  	s28 =	spop (v2sf);
	v6 =	vor.u32 s26, v0;
	[tilespmem:s6+$0x8900] =	vst.msk vm6, v8  }
0x7a: {  	s18 =	simm.s32 $0x30;
	s8 =	sadd.s32 s6, s28;
	[tilespmem:s6+$0x9980] =	vst.msk vm6, v6  }
0x7b: {  	s19 =	spop (v2sf);
	v6 =	vor.u32 s18, v0;
	[tilespmem:s8+$0x8900] =	vst.msk vm5, v10  }
0x7c: {  	s20 =	simm.s32 $0x40;
	s6 =	sadd.s32 s8, s19;
	[tilespmem:s8+$0x9980] =	vst.msk vm5, v6  }
0x7d: {  	s22 =	spop (v2sf);
	v6 =	vor.u32 s20, v0;
	[tilespmem:s6+$0x8900] =	vst.msk vm4, v12  }
0x7e: {  	s23 =	simm.s32 $0x50;
	s8 =	sadd.s32 s6, s22;
	[tilespmem:s6+$0x9980] =	vst.msk vm4, v6  }
0x7f: {  	s24 =	spop (v2sf);
	v6 =	vor.u32 s23, v0;
	[tilespmem:s8+$0x8900] =	vst.msk vm3, v13  }
0x80: {  	s25 =	simm.s32 $0x60;
	s6 =	sadd.s32 s8, s24;
	[tilespmem:s8+$0x9980] =	vst.msk vm3, v6  }
0x81: {  	s26 =	spop (v2sf);
	v6 =	vor.u32 s25, v0;
	[tilespmem:s6+$0x8900] =	vst.msk vm2, v14  }
0x82: {  	s18 =	simm.s32 $0x70;
	s28 =	spop (v2sf);
	s20 =	sadd.s32 s6, s26;
	[tilespmem:s6+$0x9980] =	vst.msk vm2, v6  }
0x83: {  	s19 =	sadd.s32 s20, s28;
	s8 =	smov.u32 s2;
	s6 =	simm.s32 $0xF0;
	v6 =	vor.u32 s18, v0;
	[tilespmem:s20+$0x8900] =	vst.msk vm1, v60  }
.LBB2_6:
0x84: {  	p0 =	sne.s32 s6, $0xFF0  }
0x85: {  	[tilespmem:s20+$0x9980] =	vst.msk vm1, v6;
	s8 =	sadd.s32 $0x80, s8;
	s18 =	smov.u32 s6;
	s6 =	sadd.s32 $0x80, s6  }
0x86: {  	v6 =	vld [tilespmem:s8+$0xFFFFFFC0];
	_ =	sdelay $0x1  }
0x87: {  	v7 =	vld [tilespmem:s8+$0xFFFFFFD0];
	_ =	sdelay $0x1  }
0x88: {  	v8 =	vld [tilespmem:s8+$0xFFFFFFE0]  }
0x89: {  	vm8 =	vge.f32 v6, v5  }
0x8a: {  	v9 =	vmpcnt.ones.xlane vm8;
	v10 =	vld [tilespmem:s8+$0xFFFFFFF0]  }
0x8b: {  	vm7 =	vge.f32 v7, v5  }
0x8c: {  	v11 =	vmpcnt.ones.xlane vm7;
	v12 =	vld [tilespmem:s8+$0x0];
	(v2sf) =	vpush v9, $0x0  }
0x8d: {  	vm6 =	vge.f32 v8, v5  }
0x8e: {  	v9 =	vmpcnt.ones.xlane vm6;
	v13 =	vld [tilespmem:s8+$0x10];
	(v2sf) =	vpush v11, $0x0  }
0x8f: {  	vm5 =	vge.f32 v10, v5  }
0x90: {  	v11 =	vmpcnt.ones.xlane vm5;
	v14 =	vld [tilespmem:s8+$0x20];
	(v2sf) =	vpush v9, $0x0  }
0x91: {  	vm4 =	vge.f32 v12, v5;
	v9 =	vld [tilespmem:s8+$0x30]  }
0x92: {  	v15 =	vmpcnt.ones.xlane vm4;
	(v2sf) =	vpush v11, $0x0  }
0x93: {  	vm3 =	vge.f32 v13, v5  }
0x94: {  	v11 =	vmpcnt.ones.xlane vm3;
	(v2sf) =	vpush v15, $0x0  }
0x95: {  	vm2 =	vge.f32 v14, v5  }
0x96: {  	v15 =	vmpcnt.ones.xlane vm2;
	vm1 =	vge.f32 v9, v5;
	(v2sf) =	vpush v11, $0x0  }
0x97: {  	v11 =	vmpcnt.ones.xlane vm1  }
0x98: {  	(v2sf) =	vpush v15, $0x0  }
0x99: {  	(v2sf) =	vpush v11, $0x0  }
0x9a: {  	s20 =	sadd.s32 $0xFFFFFF90, s18  }
0x9b: {  	[tilespmem:s19+$0x8900] =	vst.msk vm8, v6;
	v6 =	vor.u32 s20, v0;
	s20 =	spop (v2sf)  }
0x9c: {  	s20 =	sadd.s32 s19, s20;
	[tilespmem:s19+$0x9980] =	vst.msk vm8, v6;
	s19 =	sadd.s32 $0xFFFFFFA0, s18  }
0x9d: {  	[tilespmem:s20+$0x8900] =	vst.msk vm7, v7;
	v6 =	vor.u32 s19, v0;
	s19 =	spop (v2sf)  }
0x9e: {  	s19 =	sadd.s32 s20, s19;
	[tilespmem:s20+$0x9980] =	vst.msk vm7, v6;
	s20 =	sadd.s32 $0xFFFFFFB0, s18  }
0x9f: {  	[tilespmem:s19+$0x8900] =	vst.msk vm6, v8;
	v6 =	vor.u32 s20, v0;
	s20 =	spop (v2sf)  }
0xa0: {  	s20 =	sadd.s32 s19, s20;
	[tilespmem:s19+$0x9980] =	vst.msk vm6, v6;
	s19 =	sadd.s32 $0xFFFFFFC0, s18  }
0xa1: {  	[tilespmem:s20+$0x8900] =	vst.msk vm5, v10;
	v6 =	vor.u32 s19, v0;
	s19 =	spop (v2sf)  }
0xa2: {  	s19 =	sadd.s32 s20, s19;
	[tilespmem:s20+$0x9980] =	vst.msk vm5, v6;
	s20 =	sadd.s32 $0xFFFFFFD0, s18  }
0xa3: {  	[tilespmem:s19+$0x8900] =	vst.msk vm4, v12;
	v6 =	vor.u32 s20, v0;
	s20 =	spop (v2sf)  }
0xa4: {  	s20 =	sadd.s32 s19, s20;
	[tilespmem:s19+$0x9980] =	vst.msk vm4, v6;
	s19 =	sadd.s32 $0xFFFFFFE0, s18  }
.Ltmp3:
0xa5: {  	[tilespmem:s20+$0x8900] =	vst.msk vm3, v13;
	v6 =	vor.u32 s19, v0;
	s19 =	spop (v2sf);
	(pc) =	sbr.rel @p0 .LBB2_6-.Ltmp3, $4  }
0xa6: {  	s19 =	sadd.s32 s20, s19;
	[tilespmem:s20+$0x9980] =	vst.msk vm3, v6;
	s20 =	sadd.s32 $0xFFFFFFF0, s18  }
0xa7: {  	[tilespmem:s19+$0x8900] =	vst.msk vm2, v14;
	v6 =	vor.u32 s20, v0;
	s20 =	spop (v2sf)  }
0xa8: {  	s20 =	sadd.s32 s19, s20;
	[tilespmem:s19+$0x9980] =	vst.msk vm2, v6;
	s19 =	spop (v2sf)  }
0xa9: {  	v6 =	vor.u32 s18, v0;
	s19 =	sadd.s32 s20, s19;
	[tilespmem:s20+$0x8900] =	vst.msk vm1, v9  }
0xaa: {  	s6 =	sadd.s32 $0xF, s19  }
0xab: {  	s6 =	sshra.s32 s6, $0x4  }
0xac: {  	p0 =	slt.s32 s6, $0x1  }
.Ltmp4:
0xad: {  	_ = 	snop;
	(pc) =	sbr.rel @p0 .LBB2_8-.Ltmp4, $4  }
0xae: {  	_ = 	snop  }
0xaf: {  	[tilespmem:s20+$0x9980] =	vst.msk vm1, v6;
	v6 =	vimm.f32 $-3.000000010e+38  }
0xb0: {  	[tilespmem:s19+$0x8900] =	vst v6  }
0xb1: {  	v5 =	vimm.s32 $0x0;
	[tilespmem:s19+$0x8910] =	vst v6  }
0xb2: {  	s8 =	simm.s32 $0x8900  }
0xb3: {  	s18 =	simm.s32 $0x9980;
	v7 =	vld [tilespmem:s8+$0x0]  }
0xb4: {  	p1 =	sne.s32 s6, $0x1;
	v8 =	vld [tilespmem:s18+$0x0]  }
.Ltmp5:
0xb5: {  	_ = 	snop;
	(pc) =	sbr.rel @!p1 .LBB2_10-.Ltmp5, $2  }
0xb6: {  	_ =	sdelay $0x2  }
0xb7: {  	p0 =	por $0x0, $0x0;
	s18 =	sadd.s32 $0xFFFFFFFF, s6;
	(xrf1) =	vsort.dscd.msk.f32 $0xffff, v7, v8  }
0xb8: {  	_ =	sdelay $0xa  }
0xb9: {  	s6 =	simm.s32 $0x8910  }
0xba: {  	s8 =	simm.s32 $0x9990;
	v10 =	vld [tilespmem:s6+$0x0]  }
0xbb: {  	v11 =	vld [tilespmem:s8+$0x0];
	v7, v8, _ =	vpop (xrf1)  }
0xbc: {  	p1 =	sne.s32 s18, $0x1;
	v7 =	vperm.xlane v7, v1  }
.Ltmp6:
0xbd: {  	_ = 	snop;
	(pc) =	sbr.rel @!p1 .LBB2_12-.Ltmp6, $4  }
0xbe: {  	v8 =	vperm.xlane v8, v1;
	vm2 =	vge.f32 v6, v7  }
0xbf: {  	v12 =	vsel vm2, v6, v7  }
0xc0: {  	(xrf1) =	vsort.dscd.msk.f32 $0xffff, v10, v11;
	v7 =	vsel vm2, v5, v8;
	v8 =	vimm.s32 $0x0;
	vm1 =	vge.f32 v6, v12  }
0xc1: {  	s18 =	sadd.s32 $0xFFFFFFFF, s18;
	p0 =	por $0x1, $0x1;
	v9 =	vsel vm1, v6, v12;
	v10 =	vsel vm1, v12, v6;
	v11 =	vsel vm1, v7, v5  }
.LBB2_13:
0xc2: {  	p1 =	sne.s32 s18, $0x1;
	s18 =	sadd.s32 $0xFFFFFFFF, s18;
	v7 =	vsel vm1, v8, v7;
	(xrf1) =	vsort.dscd.msk.f32 $0xffff, v10, v11  }
0xc3: {  	(xrf1) =	vsort.dscd.msk.f32 $0xffff, v9, v7;
	_ =	sdelay $0x8  }
0xc4: {  	s6 =	sadd.s32 $0x10, s6  }
0xc5: {  	s8 =	sadd.s32 $0x10, s8;
	v7 =	vld [tilespmem:s6+$0x0]  }
0xc6: {  	v9 =	vld [tilespmem:s8+$0x0];
	v8, v10, _ =	vpop (xrf1)  }
0xc7: {  	v11 =	vperm.xlane v8, v1  }
.Ltmp7:
0xc8: {  	v12, v13, _ =	vpop (xrf1);
	(pc) =	sbr.rel @p1 .LBB2_13-.Ltmp7, $4  }
0xc9: {  	v10 =	vperm.xlane v10, v1;
	vm1 =	vge.f32 v12, v11;
	v14, v8, _ =	vpop (xrf1)  }
0xca: {  	v11 =	vsel vm1, v12, v11  }
0xcb: {  	(xrf1) =	vsort.dscd.msk.f32 $0xffff, v7, v9;
	v7 =	vsel vm1, v13, v10;
	vm1 =	vge.f32 v14, v11  }
0xcc: {  	v9 =	vsel vm1, v14, v11;
	v10 =	vsel vm1, v11, v14;
	v11 =	vsel vm1, v7, v8  }
.LBB2_14:
0xcd: {  	(xrf1) =	vsort.dscd.msk.f32 @p0 $0xffff, v10, v11  }
0xce: {  	v7 =	vsel @p0 vm1, v8, v7  }
0xcf: {  	(xrf1) =	vsort.dscd.msk.f32 @p0 $0xffff, v9, v7;
	_ =	sdelay $0xa  }
0xd0: {  	v7, v8, _ =	vpop (xrf1)  }
0xd1: {  	v7 =	vperm.xlane v7, v1;
	v9, v10, _ =	vpop @p0 (xrf1)  }
0xd2: {  	v9 =	vpsel p0, v9, v6  }
0xd3: {  	v8 =	vperm.xlane v8, v1;
	v11, v12, _ =	vpop @p0 (xrf1);
	vm1 =	vge.f32 v9, v7  }
0xd4: {  	v6 =	vpsel p0, v11, v6;
	v7 =	vsel vm1, v9, v7;
	v9 =	vpsel p0, v10, v5  }
0xd5: {  	v5 =	vpsel p0, v12, v5;
	v8 =	vsel vm1, v9, v8;
	vm1 =	vge.f32 v6, v7  }
0xd6: {  	v9 =	vsel vm1, v7, v6;
	v10 =	vsel vm1, v8, v5  }
0xd7: {  	v6 =	vsel vm1, v6, v7;
	v5 =	vsel vm1, v5, v8;
	(xrf1) =	vsort.dscd.msk.f32 $0xffff, v9, v10  }
0xd8: {  	(xrf1) =	vsort.dscd.msk.f32 $0xffff, v6, v5;
	_ =	sdelay $0x9  }
.Ltmp8:
0xd9: {  	_ = 	snop;
	(pc) =	sbr.rel .LBB2_15-.Ltmp8, $3  }
0xda: {  	_ =	sdelay $0x1  }
0xdb: {  	v8, v7, _ =	vpop (xrf1)  }
0xdc: {  	v6, v5, _ =	vpop (xrf1)  }
.LBB2_10:
.Ltmp9:
0xdd: {  	(pc) =	sbr.rel .LBB2_14-.Ltmp9, $2  }
0xde: {  	_ =	sdelay $0x2  }
0xdf: {  	v8 =	vimm.s32 $0x0  }
.LBB2_12:
.Ltmp10:
0xe0: {  	(pc) =	sbr.rel .LBB2_14-.Ltmp10, $2  }
0xe1: {  	_ =	sdelay $0x2  }
0xe2: {  	v8 =	vimm.s32 $0x0  }
.LBB2_16:
0xe3: {  	v5 =	vld [tilespmem:$0xAE00];
	_ =	sdelay $0x2  }
0xe4: {  	v2 =	vld [tilespmem:$0x1FFC0]  }
0xe5: {  	v3 =	vld [tilespmem:$0x1FFD0]  }
0xe6: {  	v4 =	vld [tilespmem:$0x1FFE0];
	v6 =	vshll.u32 v5, $0x1  }
0xe7: {  	v5 =	vand.u32 $0x7, v5;
	v6 =	vand.u32 $0xFFFFFFF0, v6  }
0xe8: {  	v5 =	vor.u32 v5, v6  }
0xe9: {  	v6 =	vperm.xlane v5, v2;
	_ =	sdelay $0x1  }
0xea: {  	v5 =	vperm.xlane v5, v4;
	v6 =	vadd.s32 v3, v6;
	_ =	sdelay $0x1  }
0xeb: {  	v5 =	vadd.s32 v3, v5;
	_ =	sdelay $0x1  }
0xec: {  	s2 =	simm.s32 $0xAF00  }
0xed: {  	[tilespmem:s2], [sflag:$0x2] =	stream.indirect_vreg.gather [hbm4b:s1+s3], $0x80, v6, vm0, $0xb8;
	[tilespmem:$0x1B700] =	vst v63  }
0xee: {  	s28 =	simm.s32 $0xB700  }
0xef: {  	[tilespmem:s28], [sflag:$0x2] =	stream.indirect_vreg.gather [hbm4b:s1+s3], $0x80, v5, vm0, $0xb8;
	[tilespmem:$0x1B700] =	vst v63  }
0xf0: {  	v5 =	vld [tilespmem:$0xAE10];
	_ =	sdelay $0x4  }
0xf1: {  	v49 =	vshll.u32 v5, $0x1  }
0xf2: {  	v5 =	vand.u32 $0x7, v5;
	v6 =	vand.u32 $0xFFFFFFF0, v49  }
0xf3: {  	v5 =	vor.u32 v5, v6  }
0xf4: {  	v6 =	vperm.xlane v5, v2;
	_ =	sdelay $0x1  }
0xf5: {  	v5 =	vperm.xlane v5, v4;
	v6 =	vadd.s32 v3, v6;
	_ =	sdelay $0x1  }
0xf6: {  	v5 =	vadd.s32 v3, v5;
	_ =	sdelay $0x1  }
0xf7: {  	s6 =	simm.s32 $0xBF00  }
0xf8: {  	[tilespmem:s6], [sflag:$0x2] =	stream.indirect_vreg.gather [hbm4b:s1+s3], $0x80, v6, vm0, $0xb8;
	[tilespmem:$0x1B700] =	vst v63  }
0xf9: {  	s8 =	simm.s32 $0xC700  }
0xfa: {  	[tilespmem:s8], [sflag:$0x2] =	stream.indirect_vreg.gather [hbm4b:s1+s3], $0x80, v5, vm0, $0xb8;
	[tilespmem:$0x1B700] =	vst v63  }
0xfb: {  	v5 =	vld [tilespmem:$0xAE20];
	_ =	sdelay $0x4  }
0xfc: {  	v50 =	vshll.u32 v5, $0x1  }
0xfd: {  	v5 =	vand.u32 $0x7, v5;
	v6 =	vand.u32 $0xFFFFFFF0, v50  }
0xfe: {  	v5 =	vor.u32 v5, v6  }
0xff: {  	v6 =	vperm.xlane v5, v2;
	_ =	sdelay $0x1  }
0x100: {  	v5 =	vperm.xlane v5, v4;
	v6 =	vadd.s32 v3, v6;
	_ =	sdelay $0x1  }
0x101: {  	v5 =	vadd.s32 v3, v5;
	_ =	sdelay $0x1  }
0x102: {  	s15 =	simm.s32 $0xCF00  }
0x103: {  	[tilespmem:s15], [sflag:$0x2] =	stream.indirect_vreg.gather [hbm4b:s1+s3], $0x80, v6, vm0, $0xb8;
	[tilespmem:$0x1B700] =	vst v63  }
0x104: {  	s17 =	simm.s32 $0xD700  }
0x105: {  	[tilespmem:s17], [sflag:$0x2] =	stream.indirect_vreg.gather [hbm4b:s1+s3], $0x80, v5, vm0, $0xb8;
	[tilespmem:$0x1B700] =	vst v63  }
0x106: {  	v5 =	vld [tilespmem:$0xAE30];
	_ =	sdelay $0x4  }
0x107: {  	v51 =	vshll.u32 v5, $0x1  }
0x108: {  	v5 =	vand.u32 $0x7, v5;
	v6 =	vand.u32 $0xFFFFFFF0, v51  }
0x109: {  	v5 =	vor.u32 v5, v6  }
0x10a: {  	v6 =	vperm.xlane v5, v2;
	_ =	sdelay $0x1  }
0x10b: {  	v5 =	vperm.xlane v5, v4;
	v6 =	vadd.s32 v3, v6;
	_ =	sdelay $0x1  }
0x10c: {  	v5 =	vadd.s32 v3, v5;
	_ =	sdelay $0x1  }
0x10d: {  	s18 =	simm.s32 $0xDF00  }
0x10e: {  	[tilespmem:s18], [sflag:$0x2] =	stream.indirect_vreg.gather [hbm4b:s1+s3], $0x80, v6, vm0, $0xb8;
	[tilespmem:$0x1B700] =	vst v63  }
0x10f: {  	s19 =	simm.s32 $0xE700  }
0x110: {  	[tilespmem:s19], [sflag:$0x2] =	stream.indirect_vreg.gather [hbm4b:s1+s3], $0x80, v5, vm0, $0xb8;
	[tilespmem:$0x1B700] =	vst v63  }
0x111: {  	v5 =	vld [tilespmem:$0xAE40];
	_ =	sdelay $0x4  }
0x112: {  	v52 =	vshll.u32 v5, $0x1  }
0x113: {  	v5 =	vand.u32 $0x7, v5;
	v6 =	vand.u32 $0xFFFFFFF0, v52  }
0x114: {  	v5 =	vor.u32 v5, v6  }
0x115: {  	v6 =	vperm.xlane v5, v2;
	_ =	sdelay $0x1  }
0x116: {  	v5 =	vperm.xlane v5, v4;
	v6 =	vadd.s32 v3, v6;
	_ =	sdelay $0x1  }
0x117: {  	v5 =	vadd.s32 v3, v5;
	_ =	sdelay $0x1  }
0x118: {  	s20 =	simm.s32 $0xEF00  }
0x119: {  	[tilespmem:s20], [sflag:$0x2] =	stream.indirect_vreg.gather [hbm4b:s1+s3], $0x80, v6, vm0, $0xb8;
	[tilespmem:$0x1B700] =	vst v63  }
0x11a: {  	s22 =	simm.s32 $0xF700  }
0x11b: {  	[tilespmem:s22], [sflag:$0x2] =	stream.indirect_vreg.gather [hbm4b:s1+s3], $0x80, v5, vm0, $0xb8;
	[tilespmem:$0x1B700] =	vst v63  }
0x11c: {  	v5 =	vld [tilespmem:$0xAE50];
	_ =	sdelay $0x4  }
0x11d: {  	v53 =	vshll.u32 v5, $0x1  }
0x11e: {  	v5 =	vand.u32 $0x7, v5;
	v6 =	vand.u32 $0xFFFFFFF0, v53  }
0x11f: {  	v5 =	vor.u32 v5, v6  }
0x120: {  	v6 =	vperm.xlane v5, v2;
	_ =	sdelay $0x1  }
0x121: {  	v5 =	vperm.xlane v5, v4;
	v6 =	vadd.s32 v3, v6;
	_ =	sdelay $0x1  }
0x122: {  	v5 =	vadd.s32 v3, v5;
	_ =	sdelay $0x1  }
0x123: {  	s23 =	simm.s32 $0xFF00  }
0x124: {  	[tilespmem:s23], [sflag:$0x2] =	stream.indirect_vreg.gather [hbm4b:s1+s3], $0x80, v6, vm0, $0xb8;
	[tilespmem:$0x1B700] =	vst v63  }
0x125: {  	s24 =	simm.s32 $0x10700  }
0x126: {  	[tilespmem:s24], [sflag:$0x2] =	stream.indirect_vreg.gather [hbm4b:s1+s3], $0x80, v5, vm0, $0xb8;
	[tilespmem:$0x1B700] =	vst v63  }
0x127: {  	v5 =	vld [tilespmem:$0xAE60];
	_ =	sdelay $0x4  }
0x128: {  	v54 =	vshll.u32 v5, $0x1  }
0x129: {  	v5 =	vand.u32 $0x7, v5;
	v6 =	vand.u32 $0xFFFFFFF0, v54  }
0x12a: {  	v5 =	vor.u32 v5, v6  }
0x12b: {  	v6 =	vperm.xlane v5, v2;
	_ =	sdelay $0x1  }
0x12c: {  	v5 =	vperm.xlane v5, v4;
	v6 =	vadd.s32 v3, v6;
	_ =	sdelay $0x1  }
0x12d: {  	v5 =	vadd.s32 v3, v5;
	_ =	sdelay $0x1  }
0x12e: {  	s25 =	simm.s32 $0x10F00  }
0x12f: {  	[tilespmem:s25], [sflag:$0x2] =	stream.indirect_vreg.gather [hbm4b:s1+s3], $0x80, v6, vm0, $0xb8;
	[tilespmem:$0x1B700] =	vst v63  }
0x130: {  	s26 =	simm.s32 $0x11700  }
0x131: {  	[tilespmem:s26], [sflag:$0x2] =	stream.indirect_vreg.gather [hbm4b:s1+s3], $0x80, v5, vm0, $0xb8;
	[tilespmem:$0x1B700] =	vst v63  }
0x132: {  	v5 =	vld [tilespmem:$0xAE70];
	_ =	sdelay $0x4  }
0x133: {  	v55 =	vshll.u32 v5, $0x1  }
0x134: {  	v5 =	vand.u32 $0x7, v5;
	v6 =	vand.u32 $0xFFFFFFF0, v55  }
0x135: {  	v5 =	vor.u32 v5, v6  }
0x136: {  	v6 =	vperm.xlane v5, v2;
	_ =	sdelay $0x1  }
0x137: {  	v5 =	vperm.xlane v5, v4;
	v6 =	vadd.s32 v3, v6;
	_ =	sdelay $0x1  }
0x138: {  	v5 =	vadd.s32 v3, v5;
	_ =	sdelay $0x1  }
0x139: {  	s28 =	simm.s32 $0x11F00  }
0x13a: {  	[tilespmem:s28], [sflag:$0x2] =	stream.indirect_vreg.gather [hbm4b:s1+s3], $0x80, v6, vm0, $0xb8;
	[tilespmem:$0x1B700] =	vst v63  }
0x13b: {  	s6 =	simm.s32 $0x12700  }
0x13c: {  	[tilespmem:s6], [sflag:$0x2] =	stream.indirect_vreg.gather [hbm4b:s1+s3], $0x80, v5, vm0, $0xb8;
	[tilespmem:$0x1B700] =	vst v63  }
0x13d: {  	v5 =	vld [tilespmem:$0xAE80];
	_ =	sdelay $0x4  }
0x13e: {  	v56 =	vshll.u32 v5, $0x1  }
0x13f: {  	v5 =	vand.u32 $0x7, v5;
	v6 =	vand.u32 $0xFFFFFFF0, v56  }
0x140: {  	v5 =	vor.u32 v5, v6  }
0x141: {  	v6 =	vperm.xlane v5, v2;
	_ =	sdelay $0x1  }
0x142: {  	v5 =	vperm.xlane v5, v4;
	v6 =	vadd.s32 v3, v6;
	_ =	sdelay $0x1  }
0x143: {  	v5 =	vadd.s32 v3, v5;
	_ =	sdelay $0x1  }
0x144: {  	s8 =	simm.s32 $0x12F00  }
0x145: {  	[tilespmem:s8], [sflag:$0x2] =	stream.indirect_vreg.gather [hbm4b:s1+s3], $0x80, v6, vm0, $0xb8;
	[tilespmem:$0x1B700] =	vst v63  }
0x146: {  	s15 =	simm.s32 $0x13700  }
0x147: {  	[tilespmem:s15], [sflag:$0x2] =	stream.indirect_vreg.gather [hbm4b:s1+s3], $0x80, v5, vm0, $0xb8;
	[tilespmem:$0x1B700] =	vst v63  }
0x148: {  	v5 =	vld [tilespmem:$0xAE90];
	_ =	sdelay $0x4  }
0x149: {  	v57 =	vshll.u32 v5, $0x1  }
0x14a: {  	v5 =	vand.u32 $0x7, v5;
	v6 =	vand.u32 $0xFFFFFFF0, v57  }
0x14b: {  	v5 =	vor.u32 v5, v6  }
0x14c: {  	v6 =	vperm.xlane v5, v2;
	_ =	sdelay $0x1  }
0x14d: {  	v5 =	vperm.xlane v5, v4;
	v6 =	vadd.s32 v3, v6;
	_ =	sdelay $0x1  }
0x14e: {  	v5 =	vadd.s32 v3, v5;
	_ =	sdelay $0x1  }
0x14f: {  	s17 =	simm.s32 $0x13F00  }
0x150: {  	[tilespmem:s17], [sflag:$0x2] =	stream.indirect_vreg.gather [hbm4b:s1+s3], $0x80, v6, vm0, $0xb8;
	[tilespmem:$0x1B700] =	vst v63  }
0x151: {  	s18 =	simm.s32 $0x14700  }
0x152: {  	[tilespmem:s18], [sflag:$0x2] =	stream.indirect_vreg.gather [hbm4b:s1+s3], $0x80, v5, vm0, $0xb8;
	[tilespmem:$0x1B700] =	vst v63  }
0x153: {  	v5 =	vld [tilespmem:$0xAEA0];
	_ =	sdelay $0x4  }
0x154: {  	v58 =	vshll.u32 v5, $0x1  }
0x155: {  	v5 =	vand.u32 $0x7, v5;
	v6 =	vand.u32 $0xFFFFFFF0, v58  }
0x156: {  	v5 =	vor.u32 v5, v6  }
0x157: {  	v6 =	vperm.xlane v5, v2;
	_ =	sdelay $0x1  }
0x158: {  	v5 =	vperm.xlane v5, v4;
	v6 =	vadd.s32 v3, v6;
	_ =	sdelay $0x1  }
0x159: {  	v5 =	vadd.s32 v3, v5;
	_ =	sdelay $0x1  }
0x15a: {  	s19 =	simm.s32 $0x14F00  }
0x15b: {  	[tilespmem:s19], [sflag:$0x2] =	stream.indirect_vreg.gather [hbm4b:s1+s3], $0x80, v6, vm0, $0xb8;
	[tilespmem:$0x1B700] =	vst v63  }
0x15c: {  	s20 =	simm.s32 $0x15700  }
0x15d: {  	[tilespmem:s20], [sflag:$0x2] =	stream.indirect_vreg.gather [hbm4b:s1+s3], $0x80, v5, vm0, $0xb8;
	[tilespmem:$0x1B700] =	vst v63  }
0x15e: {  	v5 =	vld [tilespmem:$0xAEB0];
	_ =	sdelay $0x4  }
0x15f: {  	v59 =	vshll.u32 v5, $0x1  }
0x160: {  	v5 =	vand.u32 $0x7, v5;
	v6 =	vand.u32 $0xFFFFFFF0, v59  }
0x161: {  	v5 =	vor.u32 v5, v6  }
0x162: {  	v6 =	vperm.xlane v5, v2;
	_ =	sdelay $0x1  }
0x163: {  	v5 =	vperm.xlane v5, v4;
	v6 =	vadd.s32 v3, v6;
	_ =	sdelay $0x1  }
0x164: {  	v5 =	vadd.s32 v3, v5;
	_ =	sdelay $0x1  }
0x165: {  	s22 =	simm.s32 $0x15F00  }
0x166: {  	[tilespmem:s22], [sflag:$0x2] =	stream.indirect_vreg.gather [hbm4b:s1+s3], $0x80, v6, vm0, $0xb8;
	[tilespmem:$0x1B700] =	vst v63  }
0x167: {  	s23 =	simm.s32 $0x16700  }
0x168: {  	[tilespmem:s23], [sflag:$0x2] =	stream.indirect_vreg.gather [hbm4b:s1+s3], $0x80, v5, vm0, $0xb8;
	[tilespmem:$0x1B700] =	vst v63  }
0x169: {  	v5 =	vld [tilespmem:$0xAEC0];
	_ =	sdelay $0x4  }
0x16a: {  	v60 =	vshll.u32 v5, $0x1  }
0x16b: {  	v5 =	vand.u32 $0x7, v5;
	v6 =	vand.u32 $0xFFFFFFF0, v60  }
0x16c: {  	v5 =	vor.u32 v5, v6  }
0x16d: {  	v6 =	vperm.xlane v5, v2;
	_ =	sdelay $0x1  }
0x16e: {  	v5 =	vperm.xlane v5, v4;
	v6 =	vadd.s32 v3, v6;
	_ =	sdelay $0x1  }
0x16f: {  	v5 =	vadd.s32 v3, v5;
	_ =	sdelay $0x1  }
0x170: {  	s24 =	simm.s32 $0x16F00  }
0x171: {  	[tilespmem:s24], [sflag:$0x2] =	stream.indirect_vreg.gather [hbm4b:s1+s3], $0x80, v6, vm0, $0xb8;
	[tilespmem:$0x1B700] =	vst v63  }
0x172: {  	s25 =	simm.s32 $0x17700  }
0x173: {  	[tilespmem:s25], [sflag:$0x2] =	stream.indirect_vreg.gather [hbm4b:s1+s3], $0x80, v5, vm0, $0xb8;
	[tilespmem:$0x1B700] =	vst v63  }
0x174: {  	v5 =	vld [tilespmem:$0xAED0];
	_ =	sdelay $0x4  }
0x175: {  	v61 =	vshll.u32 v5, $0x1  }
0x176: {  	v5 =	vand.u32 $0x7, v5;
	v6 =	vand.u32 $0xFFFFFFF0, v61  }
0x177: {  	v5 =	vor.u32 v5, v6  }
0x178: {  	v6 =	vperm.xlane v5, v2;
	_ =	sdelay $0x1  }
0x179: {  	v5 =	vperm.xlane v5, v4;
	v6 =	vadd.s32 v3, v6;
	_ =	sdelay $0x1  }
0x17a: {  	v5 =	vadd.s32 v3, v5;
	_ =	sdelay $0x1  }
0x17b: {  	s26 =	simm.s32 $0x17F00  }
0x17c: {  	[tilespmem:s26], [sflag:$0x2] =	stream.indirect_vreg.gather [hbm4b:s1+s3], $0x80, v6, vm0, $0xb8;
	[tilespmem:$0x1B700] =	vst v63  }
0x17d: {  	s28 =	simm.s32 $0x18700  }
0x17e: {  	[tilespmem:s28], [sflag:$0x2] =	stream.indirect_vreg.gather [hbm4b:s1+s3], $0x80, v5, vm0, $0xb8;
	[tilespmem:$0x1B700] =	vst v63  }
0x17f: {  	v5 =	vld [tilespmem:$0xAEE0];
	_ =	sdelay $0x4  }
0x180: {  	v62 =	vshll.u32 v5, $0x1  }
0x181: {  	v5 =	vand.u32 $0x7, v5;
	v6 =	vand.u32 $0xFFFFFFF0, v62  }
0x182: {  	v5 =	vor.u32 v5, v6  }
0x183: {  	v6 =	vperm.xlane v5, v2;
	_ =	sdelay $0x1  }
0x184: {  	v5 =	vperm.xlane v5, v4;
	v6 =	vadd.s32 v3, v6;
	_ =	sdelay $0x1  }
0x185: {  	v5 =	vadd.s32 v3, v5;
	_ =	sdelay $0x2  }
0x186: {  	[tilespmem:s29], [sflag:$0x2] =	stream.indirect_vreg.gather [hbm4b:s1+s3], $0x80, v6, vm0, $0xb8;
	[tilespmem:$0x1B700] =	vst v63  }
0x187: {  	_ = 	snop  }
0x188: {  	[tilespmem:s30], [sflag:$0x2] =	stream.indirect_vreg.gather [hbm4b:s1+s3], $0x80, v5, vm0, $0xb8;
	[tilespmem:$0x1B700] =	vst v63  }
0x189: {  	v5 =	vld [tilespmem:$0xAEF0];
	_ =	sdelay $0x4  }
0x18a: {  	v63 =	vshll.u32 v5, $0x1  }
0x18b: {  	v5 =	vand.u32 $0x7, v5;
	v6 =	vand.u32 $0xFFFFFFF0, v63  }
0x18c: {  	v5 =	vor.u32 v5, v6  }
0x18d: {  	v6 =	vperm.xlane v5, v2;
	_ =	sdelay $0x1  }
0x18e: {  	v5 =	vperm.xlane v5, v4;
	v6 =	vadd.s32 v3, v6;
	_ =	sdelay $0x1  }
0x18f: {  	p0 =	seq.s32 s10, $0x3;
	v5 =	vadd.s32 v3, v5  }
.Ltmp11:
0x190: {  	_ = 	snop;
	(pc) =	sbr.rel @p0 .LBB2_20-.Ltmp11, $4  }
0x191: {  	_ = 	snop  }
0x192: {  	[tilespmem:s31], [sflag:$0x2] =	stream.indirect_vreg.gather [hbm4b:s1+s3], $0x80, v6, vm0, $0xb8;
	[tilespmem:$0x1B700] =	vst v63  }
0x193: {  	_ = 	snop  }
0x194: {  	[tilespmem:s0], [sflag:$0x2] =	stream.indirect_vreg.gather [hbm4b:s1+s3], $0x80, v5, vm0, $0xb8;
	[tilespmem:$0x1B700] =	vst v63  }
0x195: {  	s2 =	sshll.u32 s10, $0x3  }
0x196: {  	s2 =	sadd.s32 s2, s13  }
0x197: {  	s6 =	rddreg [dreg:$0x4];
	s2 =	sshll.u32 s2, $0x4  }
0x198: {  	s8 =	simm.s32 $0x0;
	s6 =	sadd.s32 s6, s2  }
0x199: {  	[tilespmem:s8], [sflag:$0x3] =	stream.linear.gather [hbm4b:s6+s8], $0x400, $0x38;
	[tilespmem:$0x1B700] =	vst v63  }
0x19a: {  	_ =	swait.ge [sflag:s14], $0x400  }
0x19b: {  	[sflag:s14] =	ssyncset.done $0x0;
	s24 =	rddreg [dreg:$0x5]  }
0x19c: {  	s25 =	simm.s32 $0x400;
	[sflag:s14] =	ssyncadd.s32 $0xFFFFFC00;
	s2 =	sadd.s32 s24, s2  }
0x19d: {  	[tilespmem:s25], [sflag:$0x3] =	stream.linear.gather [hbm4b:s2+s8], $0x400, $0x38;
	[tilespmem:$0x1B700] =	vst v63  }
0x19e: {  	_ =	swait.ge [sflag:s14], $0x400  }
0x19f: {  	[sflag:s14] =	ssyncset.done $0x0  }
0x1a0: {  	s26 =	simm.s32 $0x10;
	[sflag:s14] =	ssyncadd.s32 $0xFFFFFC00  }
0x1a1: {  	v5 =	vld [tilespmem:s26+$0xFFFFFFF0];
	_ =	sdelay $0x4  }
0x1a2: {  	s28 =	sadd.s32 $0x0, s11;
	v5 =	vshll.u32 v5, $0xA  }
0x1a3: {  	s2 =	simm.s32 $0x810;
	v5 =	vadd.s32 s28, v5  }
0x1a4: {  	[tilespmem:s2+$0xFFFFFFF0] =	vst v5  }
0x1a5: {  	v5 =	vld [tilespmem:s26+$0x0];
	_ =	sdelay $0x4  }
0x1a6: {  	v5 =	vshll.u32 v5, $0xA  }
0x1a7: {  	v5 =	vadd.s32 s28, v5  }
0x1a8: {  	s6 =	simm.s32 $0x90;
	[tilespmem:s2+$0x0] =	vst v5  }
0x1a9: {  	s15 =	simm.s32 $0x2;
	s8 =	simm.s32 $0x1;
	v5 =	vld [tilespmem:s6+$0xFFFFFFF0]  }
.LBB2_18:
0x1aa: {  	p0 =	sne.s32 s15, $0x7;
	_ =	sdelay $0x3  }
0x1ab: {  	s17 =	sadd.s32 s8, s11;
	s8 =	smov.u32 s15;
	v5 =	vshll.u32 v5, $0xA  }
0x1ac: {  	s2 =	sadd.s32 $0x20, s2;
	v5 =	vadd.s32 s17, v5  }
0x1ad: {  	[tilespmem:s2+$0xFFFFFFF0] =	vst v5  }
0x1ae: {  	v5 =	vld [tilespmem:s6+$0x0];
	_ =	sdelay $0x3  }
.Ltmp12:
0x1af: {  	(pc) =	sbr.rel @p0 .LBB2_18-.Ltmp12, $4  }
0x1b0: {  	v5 =	vshll.u32 v5, $0xA  }
0x1b1: {  	v5 =	vadd.s32 s17, v5  }
0x1b2: {  	s6 =	sadd.s32 $0x80, s6;
	[tilespmem:s2+$0x0] =	vst v5  }
0x1b3: {  	s15 =	sadd.s32 $0x1, s15;
	v5 =	vld [tilespmem:s6+$0xFFFFFFF0]  }
0x1b4: {  	_ =	sdelay $0x3  }
0x1b5: {  	s8 =	sadd.s32 s8, s11;
	v5 =	vshll.u32 v5, $0xA  }
0x1b6: {  	s2 =	sadd.s32 $0x20, s2;
	v5 =	vadd.s32 s8, v5  }
0x1b7: {  	[tilespmem:s2+$0xFFFFFFF0] =	vst v5  }
0x1b8: {  	v5 =	vld [tilespmem:s6+$0x0];
	_ =	sdelay $0x4  }
0x1b9: {  	v5 =	vshll.u32 v5, $0xA  }
0x1ba: {  	v5 =	vadd.s32 s8, v5  }
0x1bb: {  	s24 =	simm.s32 $0x800;
	s25 =	simm.s32 $0x900;
	[tilespmem:s2+$0x0] =	vst v5  }
0x1bc: {  	[tilespmem:s25], [sflag:$0x1] =	stream.indirect.gather [hbm4b:s5+s16], $0x80, s24, s16, $0xb8;
	[tilespmem:$0x1B700] =	vst v63  }
0x1bd: {  	s26 =	simm.s32 $0x880;
	s28 =	simm.s32 $0x4900  }
0x1be: {  	[tilespmem:s28], [sflag:$0x1] =	stream.indirect.gather [hbm4b:s5+s16], $0x80, s26, s16, $0xb8;
	[tilespmem:$0x1B700] =	vst v63  }
.LBB2_20:
0x1bf: {  	_ =	swait.ge [sflag:s4], $0x8000  }
0x1c0: {  	[sflag:s4] =	ssyncset.done $0x0  }
0x1c1: {  	[sflag:s4] =	ssyncadd.s32 $0xFFFF8000  }
0x1c2: {  	_ =	swait.ge [sflag:s4], $0x8000  }
0x1c3: {  	[sflag:s4] =	ssyncset.done $0x0  }
0x1c4: {  	s15 =	simm.s32 $0x0;
	s17 =	simm.s32 $0x0;
	[sflag:s4] =	ssyncadd.s32 $0xFFFF8000  }
.LBB2_21:
0x1c5: {  	s2 =	sshll.u32 s17, $0x9  }
0x1c6: {  	s19 =	simm.s32 $0x180;
	s8 =	sand.u32 $0xF800, s15;
	s18 =	sshrl.u32 s2, $0x2  }
0x1c7: {  	s8 =	sadd.s32 $0xAF00, s8;
	s22 =	sand.u32 $0x380, s19;
	s2 =	sadd.s32 $0xAA00, s18  }
0x1c8: {  	v1 =	vmov s2;
	s2 =	sadd.s32 s22, s8  }
0x1c9: {  	v8 =	vld [tilespmem:s2+$0x0]  }
0x1ca: {  	v9 =	vld [tilespmem:s2+$0x10]  }
0x1cb: {  	s6 =	simm.s32 $0x0;
	v10 =	vld [tilespmem:s2+$0x20]  }
0x1cc: {  	s28 =	simm.s32 $0x3;
	s25 =	sand.u32 $0x10, s6;
	v12 =	vld [tilespmem:s2+$0x30]  }
0x1cd: {  	s22 =	sand.u32 $0xF, s28;
	v7 =	vld.idx.msk [tilespmem:v1+s25+$0x0 ss:$0x1], $0xffff  }
0x1ce: {  	p0 =	por $0x0, $0x0;
	v11 =	vmov s22;
	v15 =	vld [tilespmem:s2+$0x50];
	s22 =	simm.s32 $0x1  }
0x1cf: {  	s23 =	simm.s32 $0x2;
	v33 =	vld [tilespmem:s2+$0x430];
	s22 =	simm.s32 @!p0 $0x0  }
0x1d0: {  	s24 =	simm.s32 $0x1;
	s23 =	sand.u32 $0xE, s23;
	v34 =	vld [tilespmem:s2+$0x440];
	s22 =	sshll.u32 s22, $0x9  }
0x1d1: {  	s24 =	sand.u32 $0xD, s24;
	v13 =	vmov s23;
	v43 =	vld [tilespmem:s2+$0x450];
	vm1 =	veq.s32 v11, v0;
	s22 =	sadd.s32 s22, s15  }
0x1d2: {  	v14 =	vmov s24;
	vm2 =	veq.s32 v13, v0;
	v11 =	vld [tilespmem:s2+$0x40];
	s23 =	sor.u32 $0x420, s22;
	v13 =	vnsel vm1, $0x0, v7  }
0x1d3: {  	s6 =	sand.u32 $0xC, s6;
	s25 =	simm.s32 $0x0;
	v29 =	vld [tilespmem:s23+$0xAF00];
	v16 =	vnsel vm2, $0x0, v7;
	vm1 =	veq.s32 v14, v0;
	(xrf2) =	vadd.scan.msk.f32 $0xffff, v13  }
0x1d4: {  	v14 =	vld [tilespmem:s2+$0x60];
	v13 =	vmov s6;
	s6 =	sand.u32 $0x200, s25;
	(xrf2) =	vadd.scan.msk.f32 $0xffff, v16;
	v16 =	vnsel vm1, $0x0, v7  }
0x1d5: {  	vm1 =	veq.s32 v13, v0;
	v13 =	vld [tilespmem:s2+$0x70];
	s6 =	sadd.s32 s6, s8;
	(xrf2) =	vadd.scan.msk.f32 $0xffff, v16  }
0x1d6: {  	v17 =	vld [tilespmem:s6+$0x0]  }
0x1d7: {  	v19 =	vld [tilespmem:s6+$0x10]  }
0x1d8: {  	v21 =	vld [tilespmem:s6+$0x20]  }
0x1d9: {  	v7 =	vnsel vm1, $0x0, v7;
	v22 =	vld [tilespmem:s6+$0x30]  }
0x1da: {  	v23 =	vld [tilespmem:s6+$0x40];
	(xrf2) =	vadd.scan.msk.f32 $0xffff, v7  }
0x1db: {  	v24 =	vld [tilespmem:s6+$0x50]  }
0x1dc: {  	s23 =	simm.s32 $0x100;
	v25 =	vld [tilespmem:s6+$0x60]  }
0x1dd: {  	v26 =	vld [tilespmem:s6+$0x70];
	s6 =	sand.u32 $0x300, s23;
	v7, _, _ =	vpop (xrf2)  }
0x1de: {  	v16 =	vld [tilespmem:s2+$0x400];
	s6 =	sadd.s32 s6, s8;
	v18, _, _ =	vpop (xrf2);
	v7 =	vbroadcast v7, $0xF  }
0x1df: {  	v44 =	vld [tilespmem:s6+$0x0];
	v20, _, _ =	vpop (xrf2);
	v18 =	vbroadcast v18, $0xF  }
0x1e0: {  	v45 =	vld [tilespmem:s6+$0x10];
	v20 =	vbroadcast v20, $0xF;
	v8 =	vmul.f32 v8, v7  }
0x1e1: {  	s20 =	simm.s32 $0x4;
	v62 =	vld [tilespmem:s6+$0x30];
	v9 =	vmul.f32 v9, v7;
	v10 =	vmul.f32 v10, v7  }
0x1e2: {  	s26 =	sand.u32 $0x10, s20;
	v53 =	vld [tilespmem:s6+$0x50];
	v12 =	vmul.f32 v12, v7;
	v11 =	vmul.f32 v11, v7  }
0x1e3: {  	v5 =	vld.idx.msk [tilespmem:v1+s26+$0x0 ss:$0x1], $0xffff;
	s26 =	sor.u32 $0x400, s22;
	v47 =	vmul.f32 v15, v7;
	v49 =	vmul.f32 v14, v7  }
0x1e4: {  	s28 =	sor.u32 $0x410, s22;
	v27 =	vld [tilespmem:s26+$0xAF00];
	v30, _, _ =	vpop (xrf2);
	v13 =	vmul.f32 v13, v7;
	v51 =	vmul.f32 v16, v7  }
0x1e5: {  	s24 =	sor.u32 $0x430, s22;
	v28 =	vld [tilespmem:s28+$0xAF00];
	v30 =	vbroadcast v30, $0xF;
	v60 =	vmul.f32 v44, v18  }
0x1e6: {  	[tilespmem:$0x1FFB0] =	vst v1;
	v31 =	vld [tilespmem:s24+$0xAF00];
	s25 =	sor.u32 $0x440, s22;
	v61 =	vmul.f32 v45, v18;
	v1 =	vmul.f32 v62, v18  }
0x1e7: {  	s26 =	sor.u32 $0x450, s22;
	v32 =	vld [tilespmem:s25+$0xAF00];
	v44 =	vmul.f32 v53, v18;
	v17 =	vmul.f32 v30, v17  }
0x1e8: {  	s28 =	sor.u32 $0x460, s22;
	v35 =	vmul.f32 v30, v19;
	v19 =	vld [tilespmem:s26+$0xAF00];
	v36 =	vmul.f32 v30, v21  }
0x1e9: {  	s22 =	sor.u32 $0x470, s22;
	v37 =	vmul.f32 v22, v30;
	v21 =	vld [tilespmem:s28+$0xAF00];
	v38 =	vmul.f32 v23, v30  }
0x1ea: {  	v39 =	vmul.f32 v24, v30;
	v22 =	vld [tilespmem:s22+$0xAF00];
	v40 =	vmul.f32 v25, v30  }
0x1eb: {  	s24 =	simm.s32 $0x80;
	v41 =	vmul.f32 v26, v30;
	v25 =	vld [tilespmem:s2+$0x410];
	v27 =	vmul.f32 v27, v30;
	s26 =	simm.s32 $0x6  }
0x1ec: {  	s25 =	simm.s32 $0x7;
	v28 =	vmul.f32 v28, v30;
	v26 =	vld [tilespmem:s2+$0x420];
	v29 =	vmul.f32 v29, v30;
	s22 =	sand.u32 $0x280, s24;
	s24 =	sand.u32 $0xE, s26  }
0x1ed: {  	s23 =	sand.u32 $0xF, s25;
	v50 =	vld [tilespmem:s6+$0x40];
	v42 =	vmul.f32 v31, v30;
	v23 =	vmul.f32 v32, v30;
	s8 =	sadd.s32 s22, s8;
	v15 =	vmov s24  }
0x1ee: {  	v31 =	vmov s23;
	v32 =	vmul.f32 v33, v7;
	v46 =	vld [tilespmem:s8+$0x0];
	vm2 =	veq.s32 v15, v0  }
0x1ef: {  	s28 =	simm.s32 $0x5;
	vm1 =	veq.s32 v31, v0;
	v48 =	vld [tilespmem:s8+$0x10];
	v33 =	vnsel vm2, $0x0, v5;
	v24 =	vmul.f32 v19, v30  }
0x1f0: {  	s22 =	sand.u32 $0xD, s28;
	v14 =	vld [tilespmem:s8+$0x20];
	v21 =	vmul.f32 v21, v30;
	v22 =	vmul.f32 v22, v30;
	v19 =	vimm.f32 $0.0e+00  }
0x1f1: {  	v16 =	vld [tilespmem:s8+$0x30];
	v30 =	vmov s22;
	v52 =	vmul.f32 v25, v7;
	v31 =	vmul.f32 v26, v7  }
0x1f2: {  	v56 =	vld [tilespmem:s6+$0x60];
	v26 =	vmul.f32 v34, v7;
	v17 =	vadd.f32 v17, v19;
	v35 =	vadd.f32 v35, v19  }
0x1f3: {  	v15 =	vld [tilespmem:s6+$0x20];
	v25 =	vmul.f32 v43, v7;
	v36 =	vadd.f32 v36, v19;
	v37 =	vadd.f32 v37, v19  }
0x1f4: {  	v58 =	vld [tilespmem:s6+$0x70];
	v34 =	vnsel vm1, $0x0, v5;
	v62 =	vadd.f32 v41, v19;
	v27 =	vadd.f32 v27, v19  }
0x1f5: {  	v0 =	vld [tilespmem:s8+$0x60];
	v28 =	vadd.f32 v28, v19;
	v46 =	vmul.f32 v46, v20;
	v48 =	vmul.f32 v48, v20  }
0x1f6: {  	v54 =	vld [tilespmem:s8+$0x40];
	v29 =	vadd.f32 v29, v19;
	v14 =	vmul.f32 v14, v20;
	v16 =	vmul.f32 v16, v20  }
0x1f7: {  	v55 =	vld [tilespmem:s6+$0x430];
	v43 =	vmul.f32 v50, v18;
	v17 =	vadd.f32 v46, v17;
	v35 =	vadd.f32 v48, v35  }
0x1f8: {  	v63 =	vld [tilespmem:s8+$0x50];
	v15 =	vmul.f32 v15, v18;
	v14 =	vadd.f32 v14, v36;
	v16 =	vadd.f32 v16, v37  }
0x1f9: {  	v2 =	vld [tilespmem:s8+$0x70];
	v50 =	vmul.f32 v58, v18;
	v17 =	vadd.f32 v60, v17;
	v35 =	vadd.f32 v61, v35  }
0x1fa: {  	v59 =	vmul.f32 v0, v20;
	v0 =	vld [tilespmem:s8+$0x400];
	v14 =	vadd.f32 v15, v14;
	v37 =	vadd.f32 v1, v16  }
0x1fb: {  	v58 =	vld [tilespmem:s6+$0x450];
	v57 =	vmul.f32 v54, v20;
	v61 =	vadd.f32 v40, v19;
	v17 =	vadd.f32 v8, v17  }
0x1fc: {  	v48 =	vld [tilespmem:s8+$0x420];
	v1 =	vmul.f32 v56, v18;
	v16 =	vadd.f32 v9, v35;
	v15 =	vadd.f32 v10, v14  }
0x1fd: {  	v53 =	vld [tilespmem:s8+$0x430];
	v8 =	vmul.f32 v63, v20;
	v14 =	vadd.f32 v12, v37;
	v12 =	vadd.f32 v39, v19  }
0x1fe: {  	v60 =	vld [tilespmem:s6+$0x410];
	v10 =	vadd.f32 v38, v19;
	v63 =	vmul.f32 v2, v20;
	v35 =	vadd.f32 v59, v61  }
0x1ff: {  	v40 =	vmul.f32 v0, v20;
	v59 =	vadd.f32 v42, v19;
	v8 =	vadd.f32 v8, v12;
	v12 =	vld [tilespmem:s8+$0x410]  }
0x200: {  	v9 =	vld [tilespmem:s6+$0x400];
	v38 =	vmul.f32 v58, v18;
	v10 =	vadd.f32 v57, v10;
	v2 =	vadd.f32 v63, v62  }
0x201: {  	v56 =	vld [tilespmem:s6+$0x440];
	v35 =	vadd.f32 v1, v35;
	v57 =	vmul.f32 v48, v20;
	v27 =	vadd.f32 v40, v27  }
0x202: {  	v54 =	vld [tilespmem:s6+$0x420];
	v63 =	vmul.f32 v55, v18;
	v10 =	vadd.f32 v43, v10;
	v8 =	vadd.f32 v44, v8  }
0x203: {  	v61 =	vld [tilespmem:s8+$0x440];
	v36 =	vmul.f32 v60, v18;
	v60 =	vmul.f32 v53, v20;
	v37 =	vadd.f32 v50, v2  }
0x204: {  	v10 =	vadd.f32 v11, v10;
	v11 =	vadd.f32 v47, v8;
	v8 =	vmul.f32 v12, v20  }
0x205: {  	v29 =	vadd.f32 v57, v29;
	v9 =	vmul.f32 v9, v18;
	v62 =	vadd.f32 v60, v59  }
0x206: {  	v45 =	vld [tilespmem:s6+$0x460];
	v13 =	vadd.f32 v13, v37;
	v37 =	vmul.f32 v56, v18;
	v8 =	vadd.f32 v8, v28  }
0x207: {  	v46 =	vld [tilespmem:s8+$0x460];
	v12 =	vadd.f32 v49, v35;
	v9 =	vadd.f32 v9, v27;
	v28 =	vmul.f32 v54, v18  }
0x208: {  	v48 =	vld [tilespmem:s8+$0x450];
	v47 =	vmul.f32 v61, v20;
	v50 =	vadd.f32 v63, v62;
	v27 =	vadd.f32 v36, v8  }
0x209: {  	v43 =	vld [tilespmem:s8+$0x470];
	v35 =	vadd.f32 v51, v9;
	v49 =	vadd.f32 v28, v29;
	v29 =	vimm.f32 $0.0e+00  }
0x20a: {  	v44 =	vld [tilespmem:s6+$0x470];
	s6 =	sadd.s32 $0x400, s15;
	s8 =	simm.s32 $0x4;
	v28 =	vimm.f32 $0.0e+00;
	v9 =	vadd.f32 v52, v27;
	v27 =	vimm.f32 $0.0e+00  }
.LBB2_22:
0x20b: {  	s22 =	sand.u32 $0xF800, s6;
	v40 =	vld [tilespmem:s2+$0x460];
	s19 =	sadd.s32 $0x200, s19  }
0x20c: {  	v19 =	vadd.f32 v23, v19;
	v23 =	vadd.f32 v24, v29;
	v29 =	vld [tilespmem:s2+$0x470];
	s24 =	sadd.s32 $0xAF00, s22;
	s28 =	sand.u32 $0x380, s19  }
0x20d: {  	v55 =	vld [tilespmem:$0x1FFB0];
	s2 =	sadd.s32 s28, s24  }
0x20e: {  	v0 =	vadd.f32 v31, v49;
	v31 =	vld [tilespmem:s2+$0x0]  }
0x20f: {  	(xrf2) =	vadd.scan.msk.f32 $0xffff, v34;
	v34 =	vld [tilespmem:s2+$0x10]  }
0x210: {  	v21 =	vadd.f32 v21, v27;
	v36 =	vadd.f32 v32, v50;
	v32 =	vld [tilespmem:s2+$0x20];
	v39 =	vmul.f32 v48, v20  }
0x211: {  	v22 =	vadd.f32 v22, v28;
	v42 =	vld [tilespmem:s2+$0x30];
	v24 =	vmul.f32 v46, v20;
	v20 =	vmul.f32 v43, v20  }
0x212: {  	(xrf2) =	vadd.scan.msk.f32 $0xffff, v33;
	s26 =	sadd.s32 $0xFFFFFE80, s19;
	v19 =	vadd.f32 v47, v19;
	v33 =	vld [tilespmem:s2+$0x70];
	v23 =	vadd.f32 v39, v23  }
0x213: {  	s22 =	sand.u32 $0x200, s26;
	v47 =	vld [tilespmem:s2+$0x440];
	v27 =	vmul.f32 v45, v18;
	v18 =	vmul.f32 v44, v18;
	v20 =	vadd.f32 v20, v22  }
0x214: {  	s23 =	smov.u32 s20;
	s20 =	sadd.s32 $0x4, s20;
	s22 =	sadd.s32 s22, s24;
	v43 =	vld [tilespmem:s2+$0x400];
	v22 =	vadd.f32 v38, v23  }
0x215: {  	s25 =	sand.u32 $0x10, s20;
	v57 =	vld [tilespmem:s22+$0x40];
	v23 =	vmul.f32 v40, v7;
	v18 =	vadd.f32 v18, v20;
	v7 =	vmul.f32 v29, v7  }
0x216: {  	v8 =	vlaneseq.u32;
	v41 =	vld.idx.msk [tilespmem:v55+s25+$0x0 ss:$0x1], $0xffff;
	s25 =	sand.u32 $0xC, s8  }
0x217: {  	vm1 =	veq.s32 v30, v8;
	v58 =	vld [tilespmem:s22+$0x50];
	v28 =	vadd.f32 v7, v18;
	v7 =	vmov s25  }
0x218: {  	v59 =	vld [tilespmem:s22+$0x60];
	v20 =	vnsel vm1, $0x0, v5;
	vm1 =	veq.s32 v7, v8  }
0x219: {  	v60 =	vld [tilespmem:s22+$0x70];
	(xrf2) =	vadd.scan.msk.f32 $0xffff, v20;
	v56 =	vnsel vm1, $0x0, v5  }
0x21a: {  	v19 =	vadd.f32 v37, v19;
	v44 =	vld [tilespmem:s2+$0x420];
	(xrf2) =	vadd.scan.msk.f32 $0xffff, v56  }
0x21b: {  	v45 =	vld [tilespmem:s2+$0x430];
	v21 =	vadd.f32 v24, v21  }
0x21c: {  	v19 =	vadd.f32 v26, v19;
	v26 =	vld [tilespmem:s2+$0x60]  }
0x21d: {  	p0 =	por !p0, !p0;
	v24 =	vld [tilespmem:s22+$0x30];
	v21 =	vadd.f32 v27, v21;
	s25 =	simm.s32 $0x1  }
0x21e: {  	v29 =	vadd.f32 v25, v22;
	v25 =	vld [tilespmem:s2+$0x50];
	s25 =	simm.s32 @!p0 $0x0  }
0x21f: {  	v27 =	vadd.f32 v23, v21;
	v21 =	vld [tilespmem:s22+$0x0];
	s25 =	sshll.u32 s25, $0x9  }
0x220: {  	v22 =	vld [tilespmem:s22+$0x10];
	s25 =	sadd.s32 s25, s6  }
0x221: {  	v23 =	vld [tilespmem:s22+$0x20];
	v7, _, _ =	vpop (xrf2);
	s28 =	sor.u32 $0x400, s25  }
0x222: {  	v18, _, _ =	vpop (xrf2);
	s26 =	sor.u32 $0x410, s25;
	v61 =	vld [tilespmem:s28+$0xAF00]  }
0x223: {  	v7 =	vbroadcast v7, $0xF;
	v62 =	vld [tilespmem:s26+$0xAF00];
	s28 =	sor.u32 $0x420, s25;
	v20, _, _ =	vpop (xrf2)  }
0x224: {  	[tilespmem:$0x1FFA0] =	vst v0;
	s26 =	sor.u32 $0x430, s25;
	v18 =	vbroadcast v18, $0xF;
	v63 =	vld [tilespmem:s28+$0xAF00];
	v0, _, _ =	vpop (xrf2)  }
0x225: {  	v1 =	vld [tilespmem:s26+$0xAF00];
	s28 =	sor.u32 $0x440, s25;
	v4 =	vmul.f32 v25, v7;
	v46 =	vbroadcast v0, $0xF  }
0x226: {  	v5 =	vmov v41;
	s26 =	sor.u32 $0x450, s25;
	v41 =	vmul.f32 v43, v7;
	v2 =	vld [tilespmem:s28+$0xAF00];
	s28 =	sor.u32 $0x460, s25;
	s25 =	sor.u32 $0x470, s25;
	v20 =	vbroadcast v20, $0xF  }
0x227: {  	v55 =	vld [tilespmem:s25+$0xAF00];
	v49 =	vmul.f32 v46, v21;
	v50 =	vmul.f32 v46, v22  }
0x228: {  	v21 =	vld [tilespmem:s26+$0xAF00];
	v51 =	vmul.f32 v46, v23;
	v52 =	vmul.f32 v24, v46;
	s26 =	sadd.s32 $0xFFFFFF80, s19  }
0x229: {  	v22 =	vld [tilespmem:s28+$0xAF00];
	v53 =	vmul.f32 v57, v46;
	v54 =	vmul.f32 v58, v46;
	s22 =	sand.u32 $0x300, s26  }
0x22a: {  	v56 =	vmul.f32 v59, v46;
	v57 =	vmul.f32 v60, v46;
	v58 =	vld [tilespmem:s2+$0x410];
	s28 =	sadd.s32 $0xFFFFFF00, s19;
	s22 =	sadd.s32 s22, s24  }
0x22b: {  	v39 =	vmul.f32 v61, v46;
	v40 =	vmul.f32 v62, v46;
	s25 =	sand.u32 $0x280, s28;
	v48 =	vld [tilespmem:s22+$0x0]  }
0x22c: {  	v37 =	vmul.f32 v63, v46;
	v38 =	vmul.f32 v1, v46;
	s24 =	sadd.s32 s25, s24;
	v60 =	vld [tilespmem:s22+$0x10]  }
0x22d: {  	v23 =	vmul.f32 v2, v46;
	v61 =	vmul.f32 v32, v7;
	v63 =	vld [tilespmem:s24+$0x0]  }
0x22e: {  	v62 =	vmul.f32 v42, v7;
	v1 =	vmul.f32 v26, v7;
	v3 =	vld [tilespmem:s24+$0x10]  }
0x22f: {  	v32 =	vmul.f32 v45, v7;
	v26 =	vmul.f32 v47, v7;
	v0 =	vld [tilespmem:s24+$0x20]  }
0x230: {  	s26 =	sadd.s32 $0x7, s23;
	v17 =	vadd.f32 v49, v17;
	v16 =	vadd.f32 v50, v16;
	v43 =	vld [tilespmem:s24+$0x30];
	v24 =	vmul.f32 v21, v46  }
0x231: {  	s28 =	sadd.s32 $0x6, s23;
	s26 =	sand.u32 $0xF, s26;
	v15 =	vadd.f32 v51, v15;
	v21 =	vmul.f32 v22, v46;
	v22 =	vmul.f32 v55, v46;
	v46 =	vld [tilespmem:s2+$0x450]  }
0x232: {  	s28 =	sand.u32 $0xE, s28;
	v14 =	vadd.f32 v52, v14;
	v47 =	vld [tilespmem:s22+$0x30];
	v55 =	vmul.f32 v31, v7;
	v31 =	vmov s26  }
0x233: {  	v25 =	vmov s28;
	vm1 =	veq.s32 v31, v8;
	v31 =	vmul.f32 v44, v7;
	v44 =	vld [tilespmem:s22+$0x20]  }
0x234: {  	vm2 =	veq.s32 v25, v8;
	v42 =	vmul.f32 v58, v7;
	v8 =	vld [tilespmem:$0x1FFA0];
	v45 =	vmul.f32 v48, v18  }
0x235: {  	v12 =	vadd.f32 v56, v12;
	v49 =	vld [tilespmem:s22+$0x50];
	v3 =	vmul.f32 v3, v20;
	v0 =	vmul.f32 v0, v20  }
0x236: {  	v13 =	vadd.f32 v57, v13;
	v52 =	vld [tilespmem:s24+$0x60];
	v43 =	vmul.f32 v43, v20;
	v25 =	vmul.f32 v46, v7  }
0x237: {  	v58 =	vld [tilespmem:s22+$0x40];
	v46 =	vmul.f32 v60, v18;
	v60 =	vmul.f32 v63, v20;
	v3 =	vadd.f32 v3, v16  }
0x238: {  	v48 =	vld [tilespmem:s24+$0x50];
	v0 =	vadd.f32 v0, v15;
	v14 =	vadd.f32 v43, v14;
	v15 =	vmul.f32 v47, v18  }
0x239: {  	v63 =	vld [tilespmem:s24+$0x40];
	v16 =	vmul.f32 v44, v18;
	v8 =	vadd.f32 v37, v8;
	v17 =	vadd.f32 v60, v17  }
0x23a: {  	v59 =	vmul.f32 v34, v7;
	v47 =	vld [tilespmem:s22+$0x60];
	v3 =	vadd.f32 v46, v3;
	v14 =	vadd.f32 v15, v14  }
0x23b: {  	v60 =	vld [tilespmem:s24+$0x70];
	v46 =	vmul.f32 v49, v18;
	v0 =	vadd.f32 v16, v0;
	v17 =	vadd.f32 v45, v17  }
0x23c: {  	v30 =	vld [tilespmem:s2+$0x40];
	v45 =	vmul.f32 v58, v18;
	v16 =	vadd.f32 v59, v3;
	v14 =	vadd.f32 v62, v14  }
0x23d: {  	v3 =	vmul.f32 v48, v20;
	v58 =	vadd.f32 v53, v10;
	v10 =	vadd.f32 v54, v11;
	v59 =	vld [tilespmem:s22+$0x410]  }
0x23e: {  	v11 =	vmul.f32 v52, v20;
	v49 =	vmul.f32 v63, v20;
	v63 =	vld [tilespmem:s22+$0x70];
	v15 =	vadd.f32 v61, v0  }
0x23f: {  	v6 =	vmul.f32 v33, v7;
	v61 =	vld [tilespmem:s24+$0x410];
	v17 =	vadd.f32 v55, v17;
	v3 =	vadd.f32 v3, v10  }
0x240: {  	s23 =	sadd.s32 $0x5, s23;
	v55 =	vld [tilespmem:s22+$0x400];
	v10 =	vmul.f32 v47, v18;
	v11 =	vadd.f32 v11, v12;
	v44 =	vmul.f32 v60, v20  }
0x241: {  	v2 =	vmul.f32 v30, v7;
	s23 =	sand.u32 $0xD, s23;
	v60 =	vld [tilespmem:s24+$0x400];
	v0 =	vadd.f32 v49, v58;
	v3 =	vadd.f32 v46, v3  }
0x242: {  	v30 =	vmov s23;
	v62 =	vld [tilespmem:s24+$0x420];
	v54 =	vadd.f32 v10, v11;
	v12 =	vadd.f32 v44, v13  }
0x243: {  	v0 =	vadd.f32 v45, v0;
	v13 =	vmul.f32 v63, v18;
	v63 =	vld [tilespmem:s24+$0x430];
	v11 =	vadd.f32 v4, v3  }
0x244: {  	v56 =	vld [tilespmem:s22+$0x420];
	v33 =	vnsel vm2, $0x0, v5;
	v3 =	vadd.f32 v40, v9;
	v9 =	vadd.f32 v38, v36  }
0x245: {  	v58 =	vld [tilespmem:s22+$0x430];
	v45 =	vmul.f32 v55, v18;
	v55 =	vmul.f32 v59, v18;
	v13 =	vadd.f32 v13, v12  }
0x246: {  	v59 =	vmul.f32 v61, v20;
	v61 =	vadd.f32 v39, v35;
	v57 =	vmul.f32 v60, v20;
	v60 =	vld [tilespmem:s22+$0x440]  }
0x247: {  	v4 =	vmul.f32 v62, v20;
	v10 =	vadd.f32 v2, v0;
	v13 =	vadd.f32 v6, v13;
	v6 =	vld [tilespmem:s22+$0x450]  }
0x248: {  	p1 =	slt.u32 s20, $0x1C;
	v12 =	vadd.f32 v1, v54;
	v1 =	vadd.f32 v57, v61;
	v62 =	vmul.f32 v63, v20;
	v63 =	vld [tilespmem:s24+$0x440]  }
.Ltmp13:
0x249: {  	v43 =	vld [tilespmem:s24+$0x470];
	v4 =	vadd.f32 v4, v8;
	v0 =	vadd.f32 v59, v3;
	v3 =	vmul.f32 v56, v18;
	(pc) =	sbr.rel @p1 .LBB2_22-.Ltmp13, $4  }
0x24a: {  	v48 =	vld [tilespmem:s24+$0x450];
	v1 =	vadd.f32 v45, v1;
	v8 =	vadd.f32 v62, v9;
	v9 =	vmul.f32 v58, v18  }
0x24b: {  	v34 =	vnsel vm1, $0x0, v5;
	v46 =	vld [tilespmem:s24+$0x460];
	v0 =	vadd.f32 v55, v0;
	v49 =	vadd.f32 v3, v4  }
0x24c: {  	v44 =	vld [tilespmem:s22+$0x470];
	v37 =	vmul.f32 v60, v18;
	v35 =	vadd.f32 v41, v1;
	v50 =	vadd.f32 v9, v8  }
0x24d: {  	s8 =	smov.u32 s20;
	s6 =	sadd.s32 $0x400, s6;
	v45 =	vld [tilespmem:s22+$0x460];
	v38 =	vmul.f32 v6, v18;
	v9 =	vadd.f32 v42, v0;
	v47 =	vmul.f32 v63, v20  }
0x24e: {  	s22 =	sand.u32 $0xF800, s6;
	s20 =	sadd.s32 $0x200, s19  }
0x24f: {  	v0 =	vld [tilespmem:s2+$0x460];
	s19 =	sadd.s32 $0xAF00, s22;
	s23 =	sand.u32 $0x380, s20  }
0x250: {  	v1 =	vld [tilespmem:s2+$0x470];
	s2 =	sadd.s32 s23, s19  }
0x251: {  	v2 =	vld [tilespmem:s2+$0x0]  }
0x252: {  	v3 =	vld [tilespmem:s2+$0x10]  }
0x253: {  	v4 =	vld [tilespmem:s2+$0x20]  }
0x254: {  	v41 =	vld [tilespmem:s2+$0x30]  }
0x255: {  	v42 =	vld [tilespmem:s2+$0x40]  }
0x256: {  	v40 =	vld [tilespmem:s2+$0x50]  }
0x257: {  	v39 =	vld [tilespmem:s2+$0x60]  }
0x258: {  	s24 =	sadd.s32 $0xFFFFFE80, s20;
	v36 =	vld [tilespmem:s2+$0x70]  }
0x259: {  	s22 =	sand.u32 $0x200, s24;
	v8 =	vld [tilespmem:s2+$0x400]  }
0x25a: {  	v22 =	vadd.f32 v22, v28;
	s22 =	sadd.s32 s22, s19;
	v28 =	vld [tilespmem:s2+$0x420]  }
0x25b: {  	v51 =	vld [tilespmem:s22+$0x0]  }
0x25c: {  	v52 =	vld [tilespmem:s22+$0x10]  }
0x25d: {  	v53 =	vld [tilespmem:s22+$0x20]  }
0x25e: {  	s8 =	sand.u32 $0xC, s8;
	v57 =	vlaneseq.u32;
	v54 =	vld [tilespmem:s22+$0x30]  }
0x25f: {  	(xrf2) =	vadd.scan.msk.f32 $0xffff, v34;
	v6 =	vmov s8;
	vm1 =	veq.s32 v30, v57;
	v55 =	vld [tilespmem:s22+$0x40]  }
0x260: {  	(xrf2) =	vadd.scan.msk.f32 $0xffff, v33;
	v30 =	vnsel vm1, $0x0, v5;
	vm1 =	veq.s32 v6, v57;
	v56 =	vld [tilespmem:s22+$0x50]  }
0x261: {  	(xrf2) =	vadd.scan.msk.f32 $0xffff, v30;
	v30 =	vnsel vm1, $0x0, v5;
	v34 =	vld [tilespmem:s22+$0x60]  }
0x262: {  	p0 =	por !p0, !p0;
	s23 =	simm.s32 $0x1;
	v33 =	vld [tilespmem:s22+$0x70];
	(xrf2) =	vadd.scan.msk.f32 $0xffff, v30;
	v30 =	vadd.f32 v31, v49  }
0x263: {  	s23 =	simm.s32 @!p0 $0x0;
	v5 =	vmul.f32 v48, v20;
	v31 =	vadd.f32 v32, v50;
	v50 =	vadd.f32 v24, v29;
	v24 =	vld [tilespmem:s2+$0x410]  }
0x264: {  	s23 =	sshll.u32 s23, $0x9;
	v29 =	vmul.f32 v46, v20;
	v20 =	vmul.f32 v43, v20;
	v46 =	vld [tilespmem:s2+$0x430]  }
0x265: {  	v45 =	vmul.f32 v45, v18;
	v18 =	vmul.f32 v44, v18;
	v44 =	vld [tilespmem:s2+$0x440];
	s6 =	sadd.s32 s23, s6  }
0x266: {  	v49 =	vadd.f32 v23, v19;
	v0 =	vmul.f32 v0, v7;
	v1 =	vmul.f32 v1, v7;
	v7 =	vld [tilespmem:s2+$0x450];
	s25 =	sor.u32 $0x400, s6  }
0x267: {  	s26 =	sor.u32 $0x410, s6;
	v57 =	vld [tilespmem:s25+$0xAF00]  }
0x268: {  	s28 =	sor.u32 $0x420, s6;
	v48 =	vadd.f32 v47, v49;
	v20 =	vadd.f32 v20, v22;
	v58 =	vld [tilespmem:s26+$0xAF00]  }
0x269: {  	s22 =	sor.u32 $0x430, s6;
	v19 =	vadd.f32 v5, v50;
	v59 =	vld [tilespmem:s28+$0xAF00]  }
0x26a: {  	s23 =	sor.u32 $0x440, s6;
	v60 =	vld [tilespmem:s22+$0xAF00];
	v22 =	vadd.f32 v37, v48;
	v18 =	vadd.f32 v18, v20;
	v23, _, _ =	vpop (xrf2)  }
0x26b: {  	v21 =	vadd.f32 v21, v27;
	s24 =	sor.u32 $0x450, s6;
	v61 =	vld [tilespmem:s23+$0xAF00];
	v27, _, _ =	vpop (xrf2);
	v5 =	vbroadcast v23, $0xF;
	v23 =	vadd.f32 v38, v19  }
0x26c: {  	v62 =	vld [tilespmem:s24+$0xAF00];
	s25 =	sor.u32 $0x460, s6;
	s6 =	sor.u32 $0x470, s6;
	s26 =	sadd.s32 $0xFFFFFF80, s20;
	v19 =	vadd.f32 v26, v22;
	v22 =	vadd.f32 v1, v18;
	v18 =	vbroadcast v27, $0xF  }
0x26d: {  	v32 =	vld [tilespmem:s6+$0xAF00];
	s6 =	sand.u32 $0x300, s26;
	v49, _, _ =	vpop (xrf2);
	v2 =	vmul.f32 v2, v5;
	v3 =	vmul.f32 v3, v5  }
0x26e: {  	v63 =	vld [tilespmem:s25+$0xAF00];
	s6 =	sadd.s32 s6, s19;
	v4 =	vmul.f32 v4, v5;
	v42 =	vmul.f32 v42, v5;
	v50, _, _ =	vpop (xrf2)  }
0x26f: {  	v21 =	vadd.f32 v29, v21;
	s28 =	sadd.s32 $0xFFFFFF00, s20;
	v47 =	vld [tilespmem:s6+$0x0];
	v40 =	vmul.f32 v40, v5;
	v29 =	vbroadcast v50, $0xF  }
0x270: {  	s8 =	sand.u32 $0x280, s28;
	v48 =	vld [tilespmem:s6+$0x10];
	v39 =	vmul.f32 v39, v5;
	v6 =	vbroadcast v49, $0xF  }
0x271: {  	s8 =	sadd.s32 s8, s19;
	v27 =	vld [tilespmem:s6+$0x50];
	v37 =	vmul.f32 v29, v51;
	v43 =	vmul.f32 v29, v52  }
0x272: {  	v50 =	vld [tilespmem:s8+$0x0];
	v38 =	vmul.f32 v29, v53;
	v49 =	vmul.f32 v54, v29  }
0x273: {  	v21 =	vadd.f32 v45, v21;
	v45 =	vmul.f32 v55, v29;
	v51 =	vmul.f32 v56, v29;
	v52 =	vld [tilespmem:s8+$0x10]  }
0x274: {  	v34 =	vmul.f32 v34, v29;
	v33 =	vmul.f32 v33, v29;
	v53 =	vld [tilespmem:s8+$0x20]  }
0x275: {  	v26 =	vmul.f32 v57, v29;
	v54 =	vmul.f32 v58, v29;
	v55 =	vld [tilespmem:s8+$0x30]  }
0x276: {  	v20 =	vadd.f32 v25, v23;
	v25 =	vmul.f32 v59, v29;
	v56 =	vmul.f32 v60, v29;
	v57 =	vld [tilespmem:s6+$0x20]  }
0x277: {  	v21 =	vadd.f32 v0, v21;
	v0 =	vmul.f32 v61, v29;
	v58 =	vmul.f32 v62, v29;
	v59 =	vld [tilespmem:s6+$0x30]  }
0x278: {  	v1 =	vmul.f32 v63, v29;
	v23 =	vmul.f32 v32, v29;
	v29 =	vld [tilespmem:s6+$0x40]  }
0x279: {  	v36 =	vmul.f32 v36, v5;
	v24 =	vmul.f32 v24, v5;
	v32 =	vld [tilespmem:s8+$0x40]  }
0x27a: {  	v28 =	vmul.f32 v28, v5;
	v44 =	vmul.f32 v44, v5;
	v15 =	vadd.f32 v38, v15;
	v38 =	vld [tilespmem:s8+$0x50]  }
0x27b: {  	v47 =	vmul.f32 v47, v18;
	v48 =	vmul.f32 v48, v18;
	v14 =	vadd.f32 v49, v14;
	v49 =	vld [tilespmem:s8+$0x60]  }
0x27c: {  	v17 =	vadd.f32 v37, v17;
	v16 =	vadd.f32 v43, v16;
	v37 =	vmul.f32 v41, v5;
	v41 =	vld [tilespmem:s8+$0x70]  }
0x27d: {  	v60 =	vmul.f32 v8, v5;
	v43 =	vld [tilespmem:s6+$0x60];
	v10 =	vadd.f32 v45, v10;
	v11 =	vadd.f32 v51, v11  }
0x27e: {  	v27 =	vmul.f32 v27, v18;
	v12 =	vadd.f32 v34, v12;
	v13 =	vadd.f32 v33, v13;
	v34 =	vld [tilespmem:s6+$0x440]  }
0x27f: {  	v33 =	vld [tilespmem:s8+$0x460];
	v9 =	vadd.f32 v54, v9;
	v25 =	vadd.f32 v25, v30;
	v61 =	vmul.f32 v50, v6  }
0x280: {  	v0 =	vadd.f32 v0, v19;
	v50 =	vld [tilespmem:s6+$0x70];
	v62 =	vmul.f32 v52, v6;
	v63 =	vmul.f32 v53, v6  }
0x281: {  	v58 =	vadd.f32 v58, v20;
	v8 =	vmul.f32 v57, v18;
	v57 =	vmul.f32 v59, v18;
	v59 =	vld [tilespmem:s8+$0x400]  }
0x282: {  	v1 =	vadd.f32 v1, v21;
	v17 =	vadd.f32 v61, v17;
	v52 =	vmul.f32 v55, v6;
	v61 =	vld [tilespmem:s8+$0x410]  }
0x283: {  	v55 =	vld [tilespmem:s8+$0x420];
	v32 =	vmul.f32 v32, v6;
	v16 =	vadd.f32 v62, v16;
	v15 =	vadd.f32 v63, v15  }
0x284: {  	v29 =	vmul.f32 v29, v18;
	v14 =	vadd.f32 v52, v14;
	v52 =	vld [tilespmem:s6+$0x400];
	v17 =	vadd.f32 v47, v17  }
0x285: {  	v47 =	vld [tilespmem:s6+$0x410];
	v62 =	vmul.f32 v38, v6;
	v10 =	vadd.f32 v32, v10;
	v16 =	vadd.f32 v48, v16  }
0x286: {  	v63 =	vmul.f32 v49, v6;
	v38 =	vld [tilespmem:s6+$0x430];
	v15 =	vadd.f32 v8, v15;
	v14 =	vadd.f32 v57, v14  }
0x287: {  	v45 =	vmul.f32 v41, v6;
	v32 =	vld [tilespmem:s6+$0x450];
	v2 =	vadd.f32 v2, v17;
	v11 =	vadd.f32 v62, v11  }
0x288: {  	v49 =	vmul.f32 v43, v18;
	v12 =	vadd.f32 v63, v12;
	v10 =	vadd.f32 v29, v10;
	v29 =	vld [tilespmem:s8+$0x450]  }
0x289: {  	v51 =	vmul.f32 v50, v18;
	v13 =	vadd.f32 v45, v13;
	v62 =	vld [tilespmem:s6+$0x460];
	v63 =	vadd.f32 v26, v35  }
0x28a: {  	v45 =	vld [tilespmem:s6+$0x470];
	v59 =	vmul.f32 v59, v6;
	v3 =	vadd.f32 v3, v16;
	v4 =	vadd.f32 v4, v15  }
0x28b: {  	v48 =	vld [tilespmem:s2+$0x460];
	v61 =	vmul.f32 v61, v6;
	v14 =	vadd.f32 v37, v14;
	v11 =	vadd.f32 v27, v11  }
0x28c: {  	v35 =	vmul.f32 v55, v6;
	v16 =	vld [tilespmem:s8+$0x430];
	v12 =	vadd.f32 v49, v12;
	v13 =	vadd.f32 v51, v13  }
0x28d: {  	v15 =	vld [tilespmem:s6+$0x420];
	v10 =	vadd.f32 v42, v10;
	v57 =	vmul.f32 v47, v18;
	v47 =	vadd.f32 v56, v31  }
0x28e: {  	v37 =	vld [tilespmem:s8+$0x440];
	v52 =	vmul.f32 v52, v18;
	v8 =	vadd.f32 v59, v63;
	v9 =	vadd.f32 v61, v9  }
0x28f: {  	v49 =	vld [tilespmem:s2+$0x470];
	v25 =	vadd.f32 v35, v25;
	v55 =	vmul.f32 v32, v18;
	v11 =	vadd.f32 v40, v11  }
0x290: {  	v59 =	vmul.f32 v33, v6;
	v40 =	vld [tilespmem:s8+$0x470];
	v12 =	vadd.f32 v39, v12;
	v13 =	vadd.f32 v36, v13;
	[tilespmem:s18+$0x1AF00] =	vst v2  }
0x291: {  	v2 =	vmul.f32 v7, v5;
	[tilespmem:s18+$0x1AF10] =	vst v3;
	v3 =	vmul.f32 v34, v18;
	v51 =	vadd.f32 v52, v8  }
0x292: {  	[tilespmem:s18+$0x1AF20] =	vst v4;
	v52 =	vadd.f32 v57, v9;
	v57 =	vmul.f32 v29, v6;
	v61 =	vmul.f32 v62, v18  }
0x293: {  	[tilespmem:s18+$0x1AF30] =	vst v14;
	v1 =	vadd.f32 v59, v1;
	v16 =	vmul.f32 v16, v6;
	v7 =	vadd.f32 v60, v51  }
0x294: {  	[tilespmem:s18+$0x1AF40] =	vst v10;
	v15 =	vmul.f32 v15, v18;
	v8 =	vadd.f32 v24, v52;
	v60 =	vadd.f32 v23, v22  }
0x295: {  	[tilespmem:s18+$0x1AF50] =	vst v11;
	v56 =	vmul.f32 v37, v6;
	v10 =	vadd.f32 v57, v58;
	v1 =	vadd.f32 v61, v1  }
0x296: {  	v63 =	vmul.f32 v48, v5;
	[tilespmem:s18+$0x1AF60] =	vst v12;
	v16 =	vadd.f32 v16, v47;
	v53 =	vadd.f32 v15, v25  }
0x297: {  	[tilespmem:s18+$0x1AF70] =	vst v13;
	v0 =	vadd.f32 v56, v0;
	v6 =	vmul.f32 v40, v6;
	v4 =	vadd.f32 v55, v10  }
0x298: {  	v50 =	vmul.f32 v38, v18;
	[tilespmem:s18+$0x1B300] =	vst v7;
	v1 =	vadd.f32 v63, v1;
	v9 =	vadd.f32 v28, v53  }
0x299: {  	s17 =	sadd.s32 $0x1, s17;
	v62 =	vmul.f32 v45, v18;
	[tilespmem:s18+$0x1B310] =	vst v8;
	v0 =	vadd.f32 v3, v0;
	v3 =	vadd.f32 v6, v60  }
0x29a: {  	p0 =	sne.s32 s17, $0x8;
	v46 =	vmul.f32 v46, v5;
	v54 =	vadd.f32 v50, v16;
	v2 =	vadd.f32 v2, v4;
	[tilespmem:s18+$0x1B360] =	vst v1  }
.Ltmp14:
0x29b: {  	v5 =	vmul.f32 v49, v5;
	v0 =	vadd.f32 v44, v0;
	[tilespmem:s18+$0x1B320] =	vst v9;
	v3 =	vadd.f32 v62, v3;
	(pc) =	sbr.rel @p0 .LBB2_21-.Ltmp14, $4  }
0x29c: {  	v15 =	vadd.f32 v46, v54;
	[tilespmem:s18+$0x1B350] =	vst v2  }
0x29d: {  	[tilespmem:s18+$0x1B340] =	vst v0;
	v0 =	vadd.f32 v5, v3  }
0x29e: {  	[tilespmem:s18+$0x1B330] =	vst v15  }
0x29f: {  	s15 =	sadd.s32 $0x2000, s15;
	[tilespmem:s18+$0x1B370] =	vst v0;
	v0 =	vlaneseq.u32  }
0x2a0: {  	s2 =	sadd.s32 s12, s10;
	s10 =	sadd.s32 $0x1, s10  }
0x2a1: {  	s6 =	rddreg [dreg:$0x2];
	s2 =	sshll.u32 s2, $0x8;
	p0 =	sne.s32 s10, $0x4  }
.Ltmp15:
0x2a2: {  	s2 =	sadd.s32 s6, s2;
	(pc) =	sbr.rel @p0 .LBB2_4-.Ltmp15, $4  }
0x2a3: {  	[hbm4b:s2+s3] =	stream.linear.scatter [tilespmem:s9], [sflag:$0x3], $0x800, $0x38;
	[tilespmem:$0x1B700] =	vst v63  }
0x2a4: {  	_ =	swait.ge [sflag:s14], $0x800  }
0x2a5: {  	[sflag:s14] =	ssyncset.done $0x0  }
0x2a6: {  	s11 =	sadd.s32 $0x8, s11;
	v1 =	vld [tilespmem:$0x1FFF0];
	[sflag:s14] =	ssyncadd.s32 $0xFFFFF800  }
0x2a7: {  	s6 =	rddreg [dreg:$0x9]  }
0x2a8: {  	s2 =	rddreg [dreg:$0x8];
	s6 =	sadd.s32 $0x1, s6  }
0x2a9: {  	p0 =	sne.s32 s6, s2  }
.Ltmp16:
0x2aa: {  	_ = 	snop;
	(pc) =	sbr.rel @p0 .LBB2_1-.Ltmp16, $1  }
0x2ab: {  	_ =	sdelay $0x3  }
0x2ac: {  	_ =	sfence.sel $0x180000  }
0x2ad: {  	[bflag:$0x0] =	sbarrier.arrive $0xFFFF  }
0x2ae: {  	_ =	strace $0x90000047  }
0x2af: {  	s0 =	stileid.u32;
	[bflag:$0x2] =	sbarrier.arrive $0xFFFF  }
0x2b0: {  	p0 =	sne.s32 s0, $0x0;
	s0 =	rddreg [dreg:$0x3]  }
0x2b1: {  	s0 =	sadd.s32 @!p0 $0x100000, s0  }
0x2b2: {  	[sflag:s0] =	ssyncadd.tile.s32 @!p0 $0x1;
	_ =	shalt  }
.Lfunc_end2:
_tile_overlayer_lowered:
.L_overlay_start_2:
0x2b3: {  	(tag) =	ssettag $0x2  }
0x2b4: {  	s0 =	rddreg [dreg:$0x0];
	s2 =	stileid.u32  }
0x2b5: {  	s1 =	rddreg [dreg:$0x1];
	p0 =	sne.s32 s2, $0x0  }
0x2b6: {  	s3 =	rddreg [dreg:$0x2];
	[bflag:$0x3] =	sbarrier.arrive $0xFFFF;
	s2 =	simm.s32 @!p0 $0x1C03  }
0x2b7: {  	[timem:s3], [sflag:s2] =	dma.local @!p0 [hbm:s0], s1  }
0x2b8: {  	s0 =	simm.s32 @!p0 $0x3  }
0x2b9: {  	_ =	swait.ge @!p0 [sflag:s0], s1  }
0x2ba: {  	s1 =	ssub.s32 @!p0 $0x0, s1;
	[sflag:s0] =	ssyncset.done @!p0 $0x0  }
0x2bb: {  	[sflag:s0] =	ssyncadd.s32 @!p0 s1  }
0x2bc: {  	[bflag:$0x3] =	sbarrier.arrive $0xFFFF  }
0x2bd: {  	_ =	shalt  }

</sc_bundles>
